<compile_context>
chip_gen: v7x
topology: tpu7x:2x2x1
jax: 0.10.2.dev20260603
libtpu: 0.0.44.dev20260713+nightly
codegen_flags: <defaults>
</compile_context>

<pallas_src>
import functools
import math

import jax
import jax.numpy as jnp
from jax import lax
from jax.experimental import pallas as pl
from jax.experimental.pallas import tpu as pltpu
from jax.experimental.pallas import tpu_sc as plsc

N, E, D, DE, H = 10000, 160000, 128, 4, 64

NW = 32
EPW = E // NW
CH = 40
NCH = EPW // CH
NP_PAD = 10240
NPT = NP_PAD // 16

NBUF = 5
NGRP = NCH // NBUF


@functools.cache
def _build_sc_gather():
    mesh = plsc.VectorSubcoreMesh(core_axis_name="c", subcore_axis_name="s")

    @functools.partial(
        pl.kernel,
        out_type=jax.ShapeDtypeStruct((E, D), jnp.float32),
        mesh=mesh,
        scratch_types=[
            pltpu.VMEM((NCH, CH), jnp.int32),
            pltpu.VMEM((NBUF, CH, D), jnp.float32),
        ]
        + [pltpu.SemaphoreType.DMA] * (2 * NBUF),
    )
    def sc_gather(x_hbm, col_hbm, out_hbm, idx_v, rows_v, *sems):
        sgs, sws = sems[:NBUF], sems[NBUF:]
        wid = lax.axis_index("s") * 2 + lax.axis_index("c")
        base = wid * EPW
        pltpu.sync_copy(col_hbm.at[wid], idx_v)

        def g_desc(j, b):
            return pltpu.make_async_copy(x_hbm.at[idx_v.at[j]], rows_v.at[b], sgs[b])

        def w_desc(j, b):
            return pltpu.make_async_copy(
                rows_v.at[b], out_hbm.at[pl.ds(base + j * CH, CH)], sws[b]
            )

        for b in range(NBUF):
            g_desc(b, b).start()

        def body(g, _):
            j0 = g * NBUF
            for b in range(NBUF):
                g_desc(j0 + b, b).wait()
                w_desc(j0 + b, b).start()
            for b in range(NBUF):
                w_desc(j0 + b, b).wait()
                g_desc(j0 + NBUF + b, b).start()
            return ()

        lax.fori_loop(0, NGRP - 1, body, (), unroll=False)
        j0 = (NGRP - 1) * NBUF
        for b in range(NBUF):
            g_desc(j0 + b, b).wait()
            w_desc(j0 + b, b).start()
        for b in range(NBUF):
            w_desc(j0 + b, b).wait()

    return sc_gather


def _sc_gather(x, col3):
    return _build_sc_gather()(x, col3)


@functools.cache
def _build_sc_scatter():
    mesh = plsc.VectorSubcoreMesh(core_axis_name="c", subcore_axis_name="s")

    @functools.partial(
        pl.kernel,
        out_type=jax.ShapeDtypeStruct((2, NP_PAD, D), jnp.float32),
        mesh=mesh,
        scratch_types=[
            pltpu.VMEM((NCH, CH), jnp.int32),
            pltpu.VMEM((NBUF, CH, D), jnp.float32),
            pltpu.VMEM_SHARED((NP_PAD, D), jnp.float32),
        ]
        + [pltpu.SemaphoreType.DMA] * (2 * NBUF),
    )
    def sc_scatter(msg_hbm, row_hbm, zero_hbm, out_hbm, idx_v, rows_v, acc_sh, *sems):
        sls, sss = sems[:NBUF], sems[NBUF:]
        c = lax.axis_index("c")
        s = lax.axis_index("s")
        wid = s * 2 + c
        base = wid * EPW
        pltpu.sync_copy(
            zero_hbm.at[pl.ds(s * NPT, NPT)], acc_sh.at[pl.ds(s * NPT, NPT)]
        )
        plsc.subcore_barrier()
        pltpu.sync_copy(row_hbm.at[wid], idx_v)

        def l_desc(j, b):
            return pltpu.make_async_copy(
                msg_hbm.at[pl.ds(base + j * CH, CH)], rows_v.at[b], sls[b]
            )

        def s_desc(j, b):
            return pltpu.make_async_copy(rows_v.at[b], acc_sh.at[idx_v.at[j]], sss[b])

        for b in range(NBUF):
            l_desc(b, b).start()

        def body(g, _):
            j0 = g * NBUF
            for b in range(NBUF):
                l_desc(j0 + b, b).wait()
                s_desc(j0 + b, b).start(add=True)
            for b in range(NBUF):
                s_desc(j0 + b, b).wait()
                l_desc(j0 + NBUF + b, b).start()
            return ()

        lax.fori_loop(0, NGRP - 1, body, (), unroll=False)
        j0 = (NGRP - 1) * NBUF
        for b in range(NBUF):
            l_desc(j0 + b, b).wait()
            s_desc(j0 + b, b).start(add=True)
        for b in range(NBUF):
            s_desc(j0 + b, b).wait()
        plsc.subcore_barrier()
        pltpu.sync_copy(
            acc_sh.at[pl.ds(s * NPT, NPT)], out_hbm.at[c].at[pl.ds(s * NPT, NPT)]
        )

    return sc_scatter


def _sc_scatter(msg, row3, zeros):
    return _build_sc_scatter()(msg, row3, zeros)


BE = 4000


def _msg_body(xs_ref, y_ref, w1_ref, r4_ref, wl_ref, out_ref):
    xs = xs_ref[...].astype(jnp.bfloat16)
    z = jnp.dot(xs, w1_ref[...], preferred_element_type=jnp.float32)
    yx = jnp.dot(y_ref[...], r4_ref[...], preferred_element_type=jnp.float32)
    m = z * yx
    a = m[:, : 2 * H] + m[:, 2 * H :]
    pre = (a[:, :H] + a[:, H:]) * (1.0 / math.sqrt(D * DE))
    sig = 1.0 / (1.0 + jnp.exp(-pre))
    s = (pre * sig).astype(jnp.bfloat16)
    out_ref[...] = jnp.dot(
        s, wl_ref[...], preferred_element_type=jnp.float32
    ) * (1.0 / math.sqrt(H))


def _msg_call(x_src, y, w1cat, r4, wlp):
    return pl.pallas_call(
        _msg_body,
        grid=(E // BE,),
        in_specs=[
            pl.BlockSpec((BE, D), lambda i: (i, 0)),
            pl.BlockSpec((BE, DE), lambda i: (i, 0)),
            pl.BlockSpec((D, DE * H), lambda i: (0, 0)),
            pl.BlockSpec((DE, DE * H), lambda i: (0, 0)),
            pl.BlockSpec((H, D), lambda i: (0, 0)),
        ],
        out_specs=pl.BlockSpec((BE, D), lambda i: (i, 0)),
        out_shape=jax.ShapeDtypeStruct((E, D), jnp.float32),
    )(x_src, y, w1cat, r4, wlp)


BN = 1000


def _upd_body(x_ref, agg_ref, w2_ref, r64_ref, wl_ref, out_ref):
    x = x_ref[...]
    agg = (agg_ref[0, :, :H] + agg_ref[1, :, :H]).astype(jnp.bfloat16)
    c = jnp.dot(x.astype(jnp.bfloat16), w2_ref[...], preferred_element_type=jnp.float32)
    agg_exp = jnp.dot(agg, r64_ref[...], preferred_element_type=jnp.float32)
    m = c * agg_exp
    w = H * H
    while w > 2 * H:
        m = m[:, : w // 2] + m[:, w // 2 :]
        w //= 2
    u = (m[:, :H] + m[:, H:]) * (1.0 / math.sqrt(D * H))
    sig = 1.0 / (1.0 + jnp.exp(-u))
    u = (u * sig).astype(jnp.bfloat16)
    out_ref[...] = x + jnp.dot(
        u, wl_ref[...], preferred_element_type=jnp.float32
    ) * (1.0 / math.sqrt(H))


def _upd_call(x, agg2, w2flat, r64, wl):
    return pl.pallas_call(
        _upd_body,
        grid=(N // BN,),
        in_specs=[
            pl.BlockSpec((BN, D), lambda i: (i, 0)),
            pl.BlockSpec((2, BN, D), lambda i: (0, i, 0)),
            pl.BlockSpec((D, H * H), lambda i: (0, 0)),
            pl.BlockSpec((H, H * H), lambda i: (0, 0)),
            pl.BlockSpec((H, D), lambda i: (0, 0)),
        ],
        out_specs=pl.BlockSpec((BN, D), lambda i: (i, 0)),
        out_shape=jax.ShapeDtypeStruct((N, D), jnp.float32),
    )(x, agg2, w2flat, r64, wl)


def kernel(node_features, edge_index, edge_attr_e3nn, node_attr_scalar_raw,
           W_tp_msg, W_lin_msg, W_tp_upd, W_lin_upd):
    del node_attr_scalar_raw
    row = edge_index[0].reshape(NW, NCH, CH)
    col = edge_index[1].reshape(NW, NCH, CH)
    gid4 = jnp.arange(DE * H, dtype=jnp.int32) // H
    r4 = (gid4[None, :] == jnp.arange(DE, dtype=jnp.int32)[:, None]).astype(jnp.float32)
    gid64 = jnp.arange(H * H, dtype=jnp.int32) // H
    r64 = (gid64[None, :] == jnp.arange(H, dtype=jnp.int32)[:, None]).astype(jnp.float32)
    bf = jnp.bfloat16
    w1cat = W_tp_msg.reshape(D, DE * H).astype(bf)
    x_src = _sc_gather(node_features, col)
    wlp = jnp.concatenate([W_lin_msg, jnp.zeros((H, D - H), jnp.float32)], axis=1)
    msg = _msg_call(x_src, edge_attr_e3nn.astype(bf), w1cat, r4.astype(bf),
                    wlp.astype(bf))
    zeros = jnp.zeros((NP_PAD, D), jnp.float32)
    agg2 = _sc_scatter(msg, row, zeros)
    return _upd_call(node_features, agg2, W_tp_upd.reshape(D, H * H).astype(bf),
                     r64.astype(bf), W_lin_upd.astype(bf))

# --- scband reference (transcript-rebuilt; emitter-appended) ---
"""Pipeline reference for scband-egnnlayer-30631706755112 (READ-ONLY COPY).

The authoritative reference and input builder live on the scoring server;
editing this copy changes nothing except your own understanding.
"""

import jax, jax.numpy as jnp
import numpy as np
import math

N, E, D, DE, H = 10000, 160000, 128, 4, 64

def _fc_tp(x, y, W, mul1, mul2):
    # e3nn FullyConnectedTensorProduct for pure-scalar irreps (0e x 0e -> 0e):
    # bilinear map with path normalization 1/sqrt(fan_in), fan_in = mul1*mul2.
    n = x.shape[0]
    outer = (x[:, :, None] * y[:, None, :]).reshape(n, mul1 * mul2)
    return outer @ W.reshape(mul1 * mul2, -1) / math.sqrt(mul1 * mul2)

def _lin(x, W, fan_in):
    # e3nn o3.Linear for scalar irreps: x @ W / sqrt(fan_in)
    return (x @ W) / math.sqrt(fan_in)

def setup_inputs(seed: int = 0) -> dict:
    key = jax.random.key(seed)
    ks = jax.random.split(key, 9)
    node_features = jax.random.normal(ks[0], (N, D), dtype=jnp.float32)
    edge_index = jax.random.randint(ks[1], (2, E), 0, N, dtype=jnp.int32)
    edge_attr_e3nn = jax.random.normal(ks[2], (E, DE), dtype=jnp.float32)
    node_attr_scalar_raw = jax.random.normal(ks[3], (N, 1), dtype=jnp.float32)
    # learned params (e3nn initializes TP/Linear weights ~ N(0,1); normalization applied in forward)
    W_tp_msg = jax.random.normal(ks[4], (D, DE, H), dtype=jnp.float32)
    W_lin_msg = jax.random.normal(ks[5], (H, H), dtype=jnp.float32)
    W_tp_upd = jax.random.normal(ks[6], (D, H, H), dtype=jnp.float32)
    W_lin_upd = jax.random.normal(ks[7], (H, D), dtype=jnp.float32)
    return {"node_features": node_features, "edge_index": edge_index,
            "edge_attr_e3nn": edge_attr_e3nn, "node_attr_scalar_raw": node_attr_scalar_raw,
            "W_tp_msg": W_tp_msg, "W_lin_msg": W_lin_msg,
            "W_tp_upd": W_tp_upd, "W_lin_upd": W_lin_upd}

def reference(node_features, edge_index, edge_attr_e3nn, node_attr_scalar_raw,
              W_tp_msg, W_lin_msg, W_tp_upd, W_lin_upd):
    row = edge_index[0]
    col = edge_index[1]
    # message TP: node_features[col] (x) edge_attr -> hidden
    msg = _fc_tp(node_features[col], edge_attr_e3nn, W_tp_msg, D, DE)
    # Gate over pure scalars reduces to SiLU on the scalar channels
    msg = jax.nn.silu(msg)
    msg = _lin(msg, W_lin_msg, H)
    # scatter-add aggregation onto destination nodes
    agg = jax.ops.segment_sum(msg, row, num_segments=N)
    # update TP: node_features (x) aggregated messages -> hidden
    upd = _fc_tp(node_features, agg, W_tp_upd, D, H)
    upd = jax.nn.silu(upd)
    upd = _lin(upd, W_lin_upd, H)
    return node_features + upd

if __name__ == "__main__":
    import jax
    _d = setup_inputs()
    print(jax.jit(kernel)(*tuple(_d.values())))

</pallas_src>

<mosaic_0001>
#map = affine_map<(d0, d1) -> (0, 0)>
#map1 = affine_map<(d0, d1) -> (0, 0, 0)>
module attributes {stable_mosaic.version = 14 : i64} {
  func.func @sc_gather(%arg0: i32, %arg1: i32, %arg2: memref<10000x128xf32, #tpu.memory_space<hbm>>, %arg3: memref<32x125x40xi32, #tpu.memory_space<hbm>>, %arg4: memref<160000x128xf32, #tpu.memory_space<hbm>>, %arg5: memref<125x40xi32, #tpu.memory_space<vmem>>, %arg6: memref<5x40x128xf32, #tpu.memory_space<vmem>>, %arg7: memref<!tpu.dma_semaphore, #tpu.memory_space<semaphore_mem>>, %arg8: memref<!tpu.dma_semaphore, #tpu.memory_space<semaphore_mem>>, %arg9: memref<!tpu.dma_semaphore, #tpu.memory_space<semaphore_mem>>, %arg10: memref<!tpu.dma_semaphore, #tpu.memory_space<semaphore_mem>>, %arg11: memref<!tpu.dma_semaphore, #tpu.memory_space<semaphore_mem>>, %arg12: memref<!tpu.dma_semaphore, #tpu.memory_space<semaphore_mem>>, %arg13: memref<!tpu.dma_semaphore, #tpu.memory_space<semaphore_mem>>, %arg14: memref<!tpu.dma_semaphore, #tpu.memory_space<semaphore_mem>>, %arg15: memref<!tpu.dma_semaphore, #tpu.memory_space<semaphore_mem>>, %arg16: memref<!tpu.dma_semaphore, #tpu.memory_space<semaphore_mem>>) attributes {dimension_semantics = [#tpu.dimension_semantics<core_parallel>, #tpu.dimension_semantics<subcore_parallel>], iteration_bounds = array<i64: 2, 16>, scalar_prefetch = 0 : i64, scratch_operands = 12 : i64, tpu.core_type = #tpu.core_type<sc_vector_subcore>, window_params = [{transform_indices = #map}, {transform_indices = #map1}, {transform_indices = #map}]} {
    %mul3A = arith.constant 2 : i32
    %mul3A_0 = arith.muli %arg1, %mul3A : i32
    %add3A = arith.addi %mul3A_0, %arg0 : i32
    %mul3A_1 = arith.constant 5000 : i32
    %mul3A_2 = arith.muli %add3A, %mul3A_1 : i32
    "tpu.region"() ({
      %run_scoped3A = tpu.sem_alloc : memref<!tpu.dma_semaphore, #tpu.memory_space<semaphore_mem>>
      %dma_start3A_275 = arith.constant 0 : i32
      %dma_start3A_276 = arith.constant 0 : i32
      %dma_start3A_277 = tpu.memref_slice %arg3[%add3A, %dma_start3A_275, %dma_start3A_276] : memref<32x125x40xi32, #tpu.memory_space<hbm>> -> memref<1x125x40xi32, #tpu.memory_space<hbm>>
      %dma_start3A_278 = tpu.memref_squeeze %dma_start3A_277 : memref<1x125x40xi32, #tpu.memory_space<hbm>> -> memref<125x40xi32, #tpu.memory_space<hbm>>
      %dma_start3A_279 = arith.constant 0 : i32
      %dma_start3A_280 = arith.constant 0 : i32
      %dma_start3A_281 = tpu.memref_slice %arg3[%add3A, %dma_start3A_279, %dma_start3A_280] : memref<32x125x40xi32, #tpu.memory_space<hbm>> -> memref<1x125x40xi32, #tpu.memory_space<hbm>>
      %dma_start3A_282 = tpu.memref_squeeze %dma_start3A_281 : memref<1x125x40xi32, #tpu.memory_space<hbm>> -> memref<125x40xi32, #tpu.memory_space<hbm>>
      tpu.enqueue_dma source(%dma_start3A_282 : memref<125x40xi32, #tpu.memory_space<hbm>>) target(%arg5 : memref<125x40xi32, #tpu.memory_space<vmem>>) target_semaphore(%run_scoped3A : memref<!tpu.dma_semaphore, #tpu.memory_space<semaphore_mem>>)
      %dma_wait3A_283 = arith.constant 0 : i32
      %dma_wait3A_284 = arith.constant 0 : i32
      %dma_wait3A_285 = tpu.memref_slice %arg3[%add3A, %dma_wait3A_283, %dma_wait3A_284] : memref<32x125x40xi32, #tpu.memory_space<hbm>> -> memref<1x125x40xi32, #tpu.memory_space<hbm>>
      %dma_wait3A_286 = tpu.memref_squeeze %dma_wait3A_285 : memref<1x125x40xi32, #tpu.memory_space<hbm>> -> memref<125x40xi32, #tpu.memory_space<hbm>>
      %dma_wait3A_287 = arith.constant 0 : i32
      %dma_wait3A_288 = arith.constant 0 : i32
      %dma_wait3A_289 = tpu.memref_slice %arg3[%add3A, %dma_wait3A_287, %dma_wait3A_288] : memref<32x125x40xi32, #tpu.memory_space<hbm>> -> memref<1x125x40xi32, #tpu.memory_space<hbm>>
      %dma_wait3A_290 = tpu.memref_squeeze %dma_wait3A_289 : memref<1x125x40xi32, #tpu.memory_space<hbm>> -> memref<125x40xi32, #tpu.memory_space<hbm>>
      tpu.wait_dma2 semaphore(%run_scoped3A : memref<!tpu.dma_semaphore, #tpu.memory_space<semaphore_mem>>) src(%dma_wait3A_290 : memref<125x40xi32, #tpu.memory_space<hbm>>) dst(%arg5 : memref<125x40xi32, #tpu.memory_space<vmem>>)
      tpu.yield
    }) : () -> ()
    %dma_start3A = arith.constant 0 : i32
    %dma_start3A_3 = arith.constant 0 : i32
    %dma_start3A_4 = arith.constant 0 : i32
    %dma_start3A_5 = arith.constant 0 : i32
    %dma_start3A_6 = tpu.memref_slice %arg6[%dma_start3A_3, %dma_start3A_4, %dma_start3A_5] : memref<5x40x128xf32, #tpu.memory_space<vmem>> -> memref<1x40x128xf32, #tpu.memory_space<vmem>>
    %dma_start3A_7 = tpu.memref_squeeze %dma_start3A_6 : memref<1x40x128xf32, #tpu.memory_space<vmem>> -> memref<40x128xf32, #tpu.memory_space<vmem>>
    %dma_start3A_8 = arith.constant 0 : i32
    %dma_start3A_9 = tpu.memref_slice %arg5[%dma_start3A, %dma_start3A_8] : memref<125x40xi32, #tpu.memory_space<vmem>> -> memref<1x40xi32, #tpu.memory_space<vmem>>
    %dma_start3A_10 = tpu.memref_squeeze %dma_start3A_9 : memref<1x40xi32, #tpu.memory_space<vmem>> -> memref<40xi32, #tpu.memory_space<vmem>>
    %dma_start3A_11 = arith.constant 0 : i32
    %dma_start3A_12 = arith.constant 0 : i32
    %dma_start3A_13 = tpu.memref_slice %arg2[%dma_start3A_11, %dma_start3A_12] : memref<10000x128xf32, #tpu.memory_space<hbm>> -> memref<10000x128xf32, #tpu.memory_space<hbm>>
    tpu.enqueue_indirect_dma source(%dma_start3A_13 : memref<10000x128xf32, #tpu.memory_space<hbm>>) target(%dma_start3A_7 : memref<40x128xf32, #tpu.memory_space<vmem>>) offsets(%dma_start3A_10 : memref<40xi32, #tpu.memory_space<vmem>>) semaphore(%arg7 : memref<!tpu.dma_semaphore, #tpu.memory_space<semaphore_mem>>)
    %dma_start3A_14 = arith.constant 1 : i32
    %dma_start3A_15 = arith.constant 1 : i32
    %dma_start3A_16 = arith.constant 0 : i32
    %dma_start3A_17 = arith.constant 0 : i32
    %dma_start3A_18 = tpu.memref_slice %arg6[%dma_start3A_15, %dma_start3A_16, %dma_start3A_17] : memref<5x40x128xf32, #tpu.memory_space<vmem>> -> memref<1x40x128xf32, #tpu.memory_space<vmem>>
    %dma_start3A_19 = tpu.memref_squeeze %dma_start3A_18 : memref<1x40x128xf32, #tpu.memory_space<vmem>> -> memref<40x128xf32, #tpu.memory_space<vmem>>
    %dma_start3A_20 = arith.constant 0 : i32
    %dma_start3A_21 = tpu.memref_slice %arg5[%dma_start3A_14, %dma_start3A_20] : memref<125x40xi32, #tpu.memory_space<vmem>> -> memref<1x40xi32, #tpu.memory_space<vmem>>
    %dma_start3A_22 = tpu.memref_squeeze %dma_start3A_21 : memref<1x40xi32, #tpu.memory_space<vmem>> -> memref<40xi32, #tpu.memory_space<vmem>>
    %dma_start3A_23 = arith.constant 0 : i32
    %dma_start3A_24 = arith.constant 0 : i32
    %dma_start3A_25 = tpu.memref_slice %arg2[%dma_start3A_23, %dma_start3A_24] : memref<10000x128xf32, #tpu.memory_space<hbm>> -> memref<10000x128xf32, #tpu.memory_space<hbm>>
    tpu.enqueue_indirect_dma source(%dma_start3A_25 : memref<10000x128xf32, #tpu.memory_space<hbm>>) target(%dma_start3A_19 : memref<40x128xf32, #tpu.memory_space<vmem>>) offsets(%dma_start3A_22 : memref<40xi32, #tpu.memory_space<vmem>>) semaphore(%arg8 : memref<!tpu.dma_semaphore, #tpu.memory_space<semaphore_mem>>)
    %dma_start3A_26 = arith.constant 2 : i32
    %dma_start3A_27 = arith.constant 2 : i32
    %dma_start3A_28 = arith.constant 0 : i32
    %dma_start3A_29 = arith.constant 0 : i32
    %dma_start3A_30 = tpu.memref_slice %arg6[%dma_start3A_27, %dma_start3A_28, %dma_start3A_29] : memref<5x40x128xf32, #tpu.memory_space<vmem>> -> memref<1x40x128xf32, #tpu.memory_space<vmem>>
    %dma_start3A_31 = tpu.memref_squeeze %dma_start3A_30 : memref<1x40x128xf32, #tpu.memory_space<vmem>> -> memref<40x128xf32, #tpu.memory_space<vmem>>
    %dma_start3A_32 = arith.constant 0 : i32
    %dma_start3A_33 = tpu.memref_slice %arg5[%dma_start3A_26, %dma_start3A_32] : memref<125x40xi32, #tpu.memory_space<vmem>> -> memref<1x40xi32, #tpu.memory_space<vmem>>
    %dma_start3A_34 = tpu.memref_squeeze %dma_start3A_33 : memref<1x40xi32, #tpu.memory_space<vmem>> -> memref<40xi32, #tpu.memory_space<vmem>>
    %dma_start3A_35 = arith.constant 0 : i32
    %dma_start3A_36 = arith.constant 0 : i32
    %dma_start3A_37 = tpu.memref_slice %arg2[%dma_start3A_35, %dma_start3A_36] : memref<10000x128xf32, #tpu.memory_space<hbm>> -> memref<10000x128xf32, #tpu.memory_space<hbm>>
    tpu.enqueue_indirect_dma source(%dma_start3A_37 : memref<10000x128xf32, #tpu.memory_space<hbm>>) target(%dma_start3A_31 : memref<40x128xf32, #tpu.memory_space<vmem>>) offsets(%dma_start3A_34 : memref<40xi32, #tpu.memory_space<vmem>>) semaphore(%arg9 : memref<!tpu.dma_semaphore, #tpu.memory_space<semaphore_mem>>)
    %dma_start3A_38 = arith.constant 3 : i32
    %dma_start3A_39 = arith.constant 3 : i32
    %dma_start3A_40 = arith.constant 0 : i32
    %dma_start3A_41 = arith.constant 0 : i32
    %dma_start3A_42 = tpu.memref_slice %arg6[%dma_start3A_39, %dma_start3A_40, %dma_start3A_41] : memref<5x40x128xf32, #tpu.memory_space<vmem>> -> memref<1x40x128xf32, #tpu.memory_space<vmem>>
    %dma_start3A_43 = tpu.memref_squeeze %dma_start3A_42 : memref<1x40x128xf32, #tpu.memory_space<vmem>> -> memref<40x128xf32, #tpu.memory_space<vmem>>
    %dma_start3A_44 = arith.constant 0 : i32
    %dma_start3A_45 = tpu.memref_slice %arg5[%dma_start3A_38, %dma_start3A_44] : memref<125x40xi32, #tpu.memory_space<vmem>> -> memref<1x40xi32, #tpu.memory_space<vmem>>
    %dma_start3A_46 = tpu.memref_squeeze %dma_start3A_45 : memref<1x40xi32, #tpu.memory_space<vmem>> -> memref<40xi32, #tpu.memory_space<vmem>>
    %dma_start3A_47 = arith.constant 0 : i32
    %dma_start3A_48 = arith.constant 0 : i32
    %dma_start3A_49 = tpu.memref_slice %arg2[%dma_start3A_47, %dma_start3A_48] : memref<10000x128xf32, #tpu.memory_space<hbm>> -> memref<10000x128xf32, #tpu.memory_space<hbm>>
    tpu.enqueue_indirect_dma source(%dma_start3A_49 : memref<10000x128xf32, #tpu.memory_space<hbm>>) target(%dma_start3A_43 : memref<40x128xf32, #tpu.memory_space<vmem>>) offsets(%dma_start3A_46 : memref<40xi32, #tpu.memory_space<vmem>>) semaphore(%arg10 : memref<!tpu.dma_semaphore, #tpu.memory_space<semaphore_mem>>)
    %dma_start3A_50 = arith.constant 4 : i32
    %dma_start3A_51 = arith.constant 4 : i32
    %dma_start3A_52 = arith.constant 0 : i32
    %dma_start3A_53 = arith.constant 0 : i32
    %dma_start3A_54 = tpu.memref_slice %arg6[%dma_start3A_51, %dma_start3A_52, %dma_start3A_53] : memref<5x40x128xf32, #tpu.memory_space<vmem>> -> memref<1x40x128xf32, #tpu.memory_space<vmem>>
    %dma_start3A_55 = tpu.memref_squeeze %dma_start3A_54 : memref<1x40x128xf32, #tpu.memory_space<vmem>> -> memref<40x128xf32, #tpu.memory_space<vmem>>
    %dma_start3A_56 = arith.constant 0 : i32
    %dma_start3A_57 = tpu.memref_slice %arg5[%dma_start3A_50, %dma_start3A_56] : memref<125x40xi32, #tpu.memory_space<vmem>> -> memref<1x40xi32, #tpu.memory_space<vmem>>
    %dma_start3A_58 = tpu.memref_squeeze %dma_start3A_57 : memref<1x40xi32, #tpu.memory_space<vmem>> -> memref<40xi32, #tpu.memory_space<vmem>>
    %dma_start3A_59 = arith.constant 0 : i32
    %dma_start3A_60 = arith.constant 0 : i32
    %dma_start3A_61 = tpu.memref_slice %arg2[%dma_start3A_59, %dma_start3A_60] : memref<10000x128xf32, #tpu.memory_space<hbm>> -> memref<10000x128xf32, #tpu.memory_space<hbm>>
    tpu.enqueue_indirect_dma source(%dma_start3A_61 : memref<10000x128xf32, #tpu.memory_space<hbm>>) target(%dma_start3A_55 : memref<40x128xf32, #tpu.memory_space<vmem>>) offsets(%dma_start3A_58 : memref<40xi32, #tpu.memory_space<vmem>>) semaphore(%arg11 : memref<!tpu.dma_semaphore, #tpu.memory_space<semaphore_mem>>)
    %scan3A = arith.constant 0 : i32
    %scan3A_62 = arith.constant 24 : i32
    %scan3A_63 = arith.addi %scan3A, %scan3A_62 : i32
    %scan3A_64 = arith.constant 1 : i32
    scf.for %scan3A_275 = %scan3A to %scan3A_63 step %scan3A_64  : i32 {
      %mul3A_276 = arith.constant 5 : i32
      %mul3A_277 = arith.muli %scan3A_275, %mul3A_276 : i32
      %add3A_278 = arith.constant 0 : i32
      %add3A_279 = arith.addi %mul3A_277, %add3A_278 : i32
      %dma_wait3A_280 = arith.constant 0 : i32
      %dma_wait3A_281 = arith.constant 0 : i32
      %dma_wait3A_282 = arith.constant 0 : i32
      %dma_wait3A_283 = tpu.memref_slice %arg6[%dma_wait3A_280, %dma_wait3A_281, %dma_wait3A_282] : memref<5x40x128xf32, #tpu.memory_space<vmem>> -> memref<1x40x128xf32, #tpu.memory_space<vmem>>
      %dma_wait3A_284 = tpu.memref_squeeze %dma_wait3A_283 : memref<1x40x128xf32, #tpu.memory_space<vmem>> -> memref<40x128xf32, #tpu.memory_space<vmem>>
      %dma_wait3A_285 = arith.constant 0 : i32
      %dma_wait3A_286 = tpu.memref_slice %arg5[%add3A_279, %dma_wait3A_285] : memref<125x40xi32, #tpu.memory_space<vmem>> -> memref<1x40xi32, #tpu.memory_space<vmem>>
      %dma_wait3A_287 = tpu.memref_squeeze %dma_wait3A_286 : memref<1x40xi32, #tpu.memory_space<vmem>> -> memref<40xi32, #tpu.memory_space<vmem>>
      %dma_wait3A_288 = arith.constant 0 : i32
      %dma_wait3A_289 = arith.constant 0 : i32
      %dma_wait3A_290 = tpu.memref_slice %arg2[%dma_wait3A_288, %dma_wait3A_289] : memref<10000x128xf32, #tpu.memory_space<hbm>> -> memref<10000x128xf32, #tpu.memory_space<hbm>>
      tpu.wait_indirect_dma semaphore(%arg7 : memref<!tpu.dma_semaphore, #tpu.memory_space<semaphore_mem>>) src(%dma_wait3A_290 : memref<10000x128xf32, #tpu.memory_space<hbm>>) dst(%dma_wait3A_284 : memref<40x128xf32, #tpu.memory_space<vmem>>)
      %add3A_291 = arith.constant 0 : i32
      %add3A_292 = arith.addi %mul3A_277, %add3A_291 : i32
      %mul3A_293 = arith.constant 40 : i32
      %mul3A_294 = arith.muli %add3A_292, %mul3A_293 : i32
      %add3A_295 = arith.addi %mul3A_2, %mul3A_294 : i32
      %dma_start3A_296 = arith.constant 0 : i32
      %dma_start3A_297 = arith.constant 0 : i32
      %dma_start3A_298 = arith.constant 0 : i32
      %dma_start3A_299 = tpu.memref_slice %arg6[%dma_start3A_296, %dma_start3A_297, %dma_start3A_298] : memref<5x40x128xf32, #tpu.memory_space<vmem>> -> memref<1x40x128xf32, #tpu.memory_space<vmem>>
      %dma_start3A_300 = tpu.memref_squeeze %dma_start3A_299 : memref<1x40x128xf32, #tpu.memory_space<vmem>> -> memref<40x128xf32, #tpu.memory_space<vmem>>
      %dma_start3A_301 = arith.constant 0 : i32
      %dma_start3A_302 = tpu.memref_slice %arg4[%add3A_295, %dma_start3A_301] : memref<160000x128xf32, #tpu.memory_space<hbm>> -> memref<40x128xf32, #tpu.memory_space<hbm>>
      %dma_start3A_303 = arith.constant 0 : i32
      %dma_start3A_304 = tpu.memref_slice %arg4[%add3A_295, %dma_start3A_303] : memref<160000x128xf32, #tpu.memory_space<hbm>> -> memref<40x128xf32, #tpu.memory_space<hbm>>
      %dma_start3A_305 = arith.constant 0 : i32
      %dma_start3A_306 = arith.constant 0 : i32
      %dma_start3A_307 = tpu.memref_slice %arg6[%dma_start3A_296, %dma_start3A_305, %dma_start3A_306] : memref<5x40x128xf32, #tpu.memory_space<vmem>> -> memref<1x40x128xf32, #tpu.memory_space<vmem>>
      %dma_start3A_308 = tpu.memref_squeeze %dma_start3A_307 : memref<1x40x128xf32, #tpu.memory_space<vmem>> -> memref<40x128xf32, #tpu.memory_space<vmem>>
      tpu.enqueue_dma source(%dma_start3A_308 : memref<40x128xf32, #tpu.memory_space<vmem>>) target(%dma_start3A_304 : memref<40x128xf32, #tpu.memory_space<hbm>>) target_semaphore(%arg12 : memref<!tpu.dma_semaphore, #tpu.memory_space<semaphore_mem>>)
      %add3A_309 = arith.constant 1 : i32
      %add3A_310 = arith.addi %mul3A_277, %add3A_309 : i32
      %dma_wait3A_311 = arith.constant 1 : i32
      %dma_wait3A_312 = arith.constant 0 : i32
      %dma_wait3A_313 = arith.constant 0 : i32
      %dma_wait3A_314 = tpu.memref_slice %arg6[%dma_wait3A_311, %dma_wait3A_312, %dma_wait3A_313] : memref<5x40x128xf32, #tpu.memory_space<vmem>> -> memref<1x40x128xf32, #tpu.memory_space<vmem>>
      %dma_wait3A_315 = tpu.memref_squeeze %dma_wait3A_314 : memref<1x40x128xf32, #tpu.memory_space<vmem>> -> memref<40x128xf32, #tpu.memory_space<vmem>>
      %dma_wait3A_316 = arith.constant 0 : i32
      %dma_wait3A_317 = tpu.memref_slice %arg5[%add3A_310, %dma_wait3A_316] : memref<125x40xi32, #tpu.memory_space<vmem>> -> memref<1x40xi32, #tpu.memory_space<vmem>>
      %dma_wait3A_318 = tpu.memref_squeeze %dma_wait3A_317 : memref<1x40xi32, #tpu.memory_space<vmem>> -> memref<40xi32, #tpu.memory_space<vmem>>
      %dma_wait3A_319 = arith.constant 0 : i32
      %dma_wait3A_320 = arith.constant 0 : i32
      %dma_wait3A_321 = tpu.memref_slice %arg2[%dma_wait3A_319, %dma_wait3A_320] : memref<10000x128xf32, #tpu.memory_space<hbm>> -> memref<10000x128xf32, #tpu.memory_space<hbm>>
      tpu.wait_indirect_dma semaphore(%arg8 : memref<!tpu.dma_semaphore, #tpu.memory_space<semaphore_mem>>) src(%dma_wait3A_321 : memref<10000x128xf32, #tpu.memory_space<hbm>>) dst(%dma_wait3A_315 : memref<40x128xf32, #tpu.memory_space<vmem>>)
      %add3A_322 = arith.constant 1 : i32
      %add3A_323 = arith.addi %mul3A_277, %add3A_322 : i32
      %mul3A_324 = arith.constant 40 : i32
      %mul3A_325 = arith.muli %add3A_323, %mul3A_324 : i32
      %add3A_326 = arith.addi %mul3A_2, %mul3A_325 : i32
      %dma_start3A_327 = arith.constant 1 : i32
      %dma_start3A_328 = arith.constant 0 : i32
      %dma_start3A_329 = arith.constant 0 : i32
      %dma_start3A_330 = tpu.memref_slice %arg6[%dma_start3A_327, %dma_start3A_328, %dma_start3A_329] : memref<5x40x128xf32, #tpu.memory_space<vmem>> -> memref<1x40x128xf32, #tpu.memory_space<vmem>>
      %dma_start3A_331 = tpu.memref_squeeze %dma_start3A_330 : memref<1x40x128xf32, #tpu.memory_space<vmem>> -> memref<40x128xf32, #tpu.memory_space<vmem>>
      %dma_start3A_332 = arith.constant 0 : i32
      %dma_start3A_333 = tpu.memref_slice %arg4[%add3A_326, %dma_start3A_332] : memref<160000x128xf32, #tpu.memory_space<hbm>> -> memref<40x128xf32, #tpu.memory_space<hbm>>
      %dma_start3A_334 = arith.constant 0 : i32
      %dma_start3A_335 = tpu.memref_slice %arg4[%add3A_326, %dma_start3A_334] : memref<160000x128xf32, #tpu.memory_space<hbm>> -> memref<40x128xf32, #tpu.memory_space<hbm>>
      %dma_start3A_336 = arith.constant 0 : i32
      %dma_start3A_337 = arith.constant 0 : i32
      %dma_start3A_338 = tpu.memref_slice %arg6[%dma_start3A_327, %dma_start3A_336, %dma_start3A_337] : memref<5x40x128xf32, #tpu.memory_space<vmem>> -> memref<1x40x128xf32, #tpu.memory_space<vmem>>
      %dma_start3A_339 = tpu.memref_squeeze %dma_start3A_338 : memref<1x40x128xf32, #tpu.memory_space<vmem>> -> memref<40x128xf32, #tpu.memory_space<vmem>>
      tpu.enqueue_dma source(%dma_start3A_339 : memref<40x128xf32, #tpu.memory_space<vmem>>) target(%dma_start3A_335 : memref<40x128xf32, #tpu.memory_space<hbm>>) target_semaphore(%arg13 : memref<!tpu.dma_semaphore, #tpu.memory_space<semaphore_mem>>)
      %add3A_340 = arith.constant 2 : i32
      %add3A_341 = arith.addi %mul3A_277, %add3A_340 : i32
      %dma_wait3A_342 = arith.constant 2 : i32
      %dma_wait3A_343 = arith.constant 0 : i32
      %dma_wait3A_344 = arith.constant 0 : i32
      %dma_wait3A_345 = tpu.memref_slice %arg6[%dma_wait3A_342, %dma_wait3A_343, %dma_wait3A_344] : memref<5x40x128xf32, #tpu.memory_space<vmem>> -> memref<1x40x128xf32, #tpu.memory_space<vmem>>
      %dma_wait3A_346 = tpu.memref_squeeze %dma_wait3A_345 : memref<1x40x128xf32, #tpu.memory_space<vmem>> -> memref<40x128xf32, #tpu.memory_space<vmem>>
      %dma_wait3A_347 = arith.constant 0 : i32
      %dma_wait3A_348 = tpu.memref_slice %arg5[%add3A_341, %dma_wait3A_347] : memref<125x40xi32, #tpu.memory_space<vmem>> -> memref<1x40xi32, #tpu.memory_space<vmem>>
      %dma_wait3A_349 = tpu.memref_squeeze %dma_wait3A_348 : memref<1x40xi32, #tpu.memory_space<vmem>> -> memref<40xi32, #tpu.memory_space<vmem>>
      %dma_wait3A_350 = arith.constant 0 : i32
      %dma_wait3A_351 = arith.constant 0 : i32
      %dma_wait3A_352 = tpu.memref_slice %arg2[%dma_wait3A_350, %dma_wait3A_351] : memref<10000x128xf32, #tpu.memory_space<hbm>> -> memref<10000x128xf32, #tpu.memory_space<hbm>>
      tpu.wait_indirect_dma semaphore(%arg9 : memref<!tpu.dma_semaphore, #tpu.memory_space<semaphore_mem>>) src(%dma_wait3A_352 : memref<10000x128xf32, #tpu.memory_space<hbm>>) dst(%dma_wait3A_346 : memref<40x128xf32, #tpu.memory_space<vmem>>)
      %add3A_353 = arith.constant 2 : i32
      %add3A_354 = arith.addi %mul3A_277, %add3A_353 : i32
      %mul3A_355 = arith.constant 40 : i32
      %mul3A_356 = arith.muli %add3A_354, %mul3A_355 : i32
      %add3A_357 = arith.addi %mul3A_2, %mul3A_356 : i32
      %dma_start3A_358 = arith.constant 2 : i32
      %dma_start3A_359 = arith.constant 0 : i32
      %dma_start3A_360 = arith.constant 0 : i32
      %dma_start3A_361 = tpu.memref_slice %arg6[%dma_start3A_358, %dma_start3A_359, %dma_start3A_360] : memref<5x40x128xf32, #tpu.memory_space<vmem>> -> memref<1x40x128xf32, #tpu.memory_space<vmem>>
      %dma_start3A_362 = tpu.memref_squeeze %dma_start3A_361 : memref<1x40x128xf32, #tpu.memory_space<vmem>> -> memref<40x128xf32, #tpu.memory_space<vmem>>
      %dma_start3A_363 = arith.constant 0 : i32
      %dma_start3A_364 = tpu.memref_slice %arg4[%add3A_357, %dma_start3A_363] : memref<160000x128xf32, #tpu.memory_space<hbm>> -> memref<40x128xf32, #tpu.memory_space<hbm>>
      %dma_start3A_365 = arith.constant 0 : i32
      %dma_start3A_366 = tpu.memref_slice %arg4[%add3A_357, %dma_start3A_365] : memref<160000x128xf32, #tpu.memory_space<hbm>> -> memref<40x128xf32, #tpu.memory_space<hbm>>
      %dma_start3A_367 = arith.constant 0 : i32
      %dma_start3A_368 = arith.constant 0 : i32
      %dma_start3A_369 = tpu.memref_slice %arg6[%dma_start3A_358, %dma_start3A_367, %dma_start3A_368] : memref<5x40x128xf32, #tpu.memory_space<vmem>> -> memref<1x40x128xf32, #tpu.memory_space<vmem>>
      %dma_start3A_370 = tpu.memref_squeeze %dma_start3A_369 : memref<1x40x128xf32, #tpu.memory_space<vmem>> -> memref<40x128xf32, #tpu.memory_space<vmem>>
      tpu.enqueue_dma source(%dma_start3A_370 : memref<40x128xf32, #tpu.memory_space<vmem>>) target(%dma_start3A_366 : memref<40x128xf32, #tpu.memory_space<hbm>>) target_semaphore(%arg14 : memref<!tpu.dma_semaphore, #tpu.memory_space<semaphore_mem>>)
      %add3A_371 = arith.constant 3 : i32
      %add3A_372 = arith.addi %mul3A_277, %add3A_371 : i32
      %dma_wait3A_373 = arith.constant 3 : i32
      %dma_wait3A_374 = arith.constant 0 : i32
      %dma_wait3A_375 = arith.constant 0 : i32
      %dma_wait3A_376 = tpu.memref_slice %arg6[%dma_wait3A_373, %dma_wait3A_374, %dma_wait3A_375] : memref<5x40x128xf32, #tpu.memory_space<vmem>> -> memref<1x40x128xf32, #tpu.memory_space<vmem>>
      %dma_wait3A_377 = tpu.memref_squeeze %dma_wait3A_376 : memref<1x40x128xf32, #tpu.memory_space<vmem>> -> memref<40x128xf32, #tpu.memory_space<vmem>>
      %dma_wait3A_378 = arith.constant 0 : i32
      %dma_wait3A_379 = tpu.memref_slice %arg5[%add3A_372, %dma_wait3A_378] : memref<125x40xi32, #tpu.memory_space<vmem>> -> memref<1x40xi32, #tpu.memory_space<vmem>>
      %dma_wait3A_380 = tpu.memref_squeeze %dma_wait3A_379 : memref<1x40xi32, #tpu.memory_space<vmem>> -> memref<40xi32, #tpu.memory_space<vmem>>
      %dma_wait3A_381 = arith.constant 0 : i32
      %dma_wait3A_382 = arith.constant 0 : i32
      %dma_wait3A_383 = tpu.memref_slice %arg2[%dma_wait3A_381, %dma_wait3A_382] : memref<10000x128xf32, #tpu.memory_space<hbm>> -> memref<10000x128xf32, #tpu.memory_space<hbm>>
      tpu.wait_indirect_dma semaphore(%arg10 : memref<!tpu.dma_semaphore, #tpu.memory_space<semaphore_mem>>) src(%dma_wait3A_383 : memref<10000x128xf32, #tpu.memory_space<hbm>>) dst(%dma_wait3A_377 : memref<40x128xf32, #tpu.memory_space<vmem>>)
      %add3A_384 = arith.constant 3 : i32
      %add3A_385 = arith.addi %mul3A_277, %add3A_384 : i32
      %mul3A_386 = arith.constant 40 : i32
      %mul3A_387 = arith.muli %add3A_385, %mul3A_386 : i32
      %add3A_388 = arith.addi %mul3A_2, %mul3A_387 : i32
      %dma_start3A_389 = arith.constant 3 : i32
      %dma_start3A_390 = arith.constant 0 : i32
      %dma_start3A_391 = arith.constant 0 : i32
      %dma_start3A_392 = tpu.memref_slice %arg6[%dma_start3A_389, %dma_start3A_390, %dma_start3A_391] : memref<5x40x128xf32, #tpu.memory_space<vmem>> -> memref<1x40x128xf32, #tpu.memory_space<vmem>>
      %dma_start3A_393 = tpu.memref_squeeze %dma_start3A_392 : memref<1x40x128xf32, #tpu.memory_space<vmem>> -> memref<40x128xf32, #tpu.memory_space<vmem>>
      %dma_start3A_394 = arith.constant 0 : i32
      %dma_start3A_395 = tpu.memref_slice %arg4[%add3A_388, %dma_start3A_394] : memref<160000x128xf32, #tpu.memory_space<hbm>> -> memref<40x128xf32, #tpu.memory_space<hbm>>
      %dma_start3A_396 = arith.constant 0 : i32
      %dma_start3A_397 = tpu.memref_slice %arg4[%add3A_388, %dma_start3A_396] : memref<160000x128xf32, #tpu.memory_space<hbm>> -> memref<40x128xf32, #tpu.memory_space<hbm>>
      %dma_start3A_398 = arith.constant 0 : i32
      %dma_start3A_399 = arith.constant 0 : i32
      %dma_start3A_400 = tpu.memref_slice %arg6[%dma_start3A_389, %dma_start3A_398, %dma_start3A_399] : memref<5x40x128xf32, #tpu.memory_space<vmem>> -> memref<1x40x128xf32, #tpu.memory_space<vmem>>
      %dma_start3A_401 = tpu.memref_squeeze %dma_start3A_400 : memref<1x40x128xf32, #tpu.memory_space<vmem>> -> memref<40x128xf32, #tpu.memory_space<vmem>>
      tpu.enqueue_dma source(%dma_start3A_401 : memref<40x128xf32, #tpu.memory_space<vmem>>) target(%dma_start3A_397 : memref<40x128xf32, #tpu.memory_space<hbm>>) target_semaphore(%arg15 : memref<!tpu.dma_semaphore, #tpu.memory_space<semaphore_mem>>)
      %add3A_402 = arith.constant 4 : i32
      %add3A_403 = arith.addi %mul3A_277, %add3A_402 : i32
      %dma_wait3A_404 = arith.constant 4 : i32
      %dma_wait3A_405 = arith.constant 0 : i32
      %dma_wait3A_406 = arith.constant 0 : i32
      %dma_wait3A_407 = tpu.memref_slice %arg6[%dma_wait3A_404, %dma_wait3A_405, %dma_wait3A_406] : memref<5x40x128xf32, #tpu.memory_space<vmem>> -> memref<1x40x128xf32, #tpu.memory_space<vmem>>
      %dma_wait3A_408 = tpu.memref_squeeze %dma_wait3A_407 : memref<1x40x128xf32, #tpu.memory_space<vmem>> -> memref<40x128xf32, #tpu.memory_space<vmem>>
      %dma_wait3A_409 = arith.constant 0 : i32
      %dma_wait3A_410 = tpu.memref_slice %arg5[%add3A_403, %dma_wait3A_409] : memref<125x40xi32, #tpu.memory_space<vmem>> -> memref<1x40xi32, #tpu.memory_space<vmem>>
      %dma_wait3A_411 = tpu.memref_squeeze %dma_wait3A_410 : memref<1x40xi32, #tpu.memory_space<vmem>> -> memref<40xi32, #tpu.memory_space<vmem>>
      %dma_wait3A_412 = arith.constant 0 : i32
      %dma_wait3A_413 = arith.constant 0 : i32
      %dma_wait3A_414 = tpu.memref_slice %arg2[%dma_wait3A_412, %dma_wait3A_413] : memref<10000x128xf32, #tpu.memory_space<hbm>> -> memref<10000x128xf32, #tpu.memory_space<hbm>>
      tpu.wait_indirect_dma semaphore(%arg11 : memref<!tpu.dma_semaphore, #tpu.memory_space<semaphore_mem>>) src(%dma_wait3A_414 : memref<10000x128xf32, #tpu.memory_space<hbm>>) dst(%dma_wait3A_408 : memref<40x128xf32, #tpu.memory_space<vmem>>)
      %add3A_415 = arith.constant 4 : i32
      %add3A_416 = arith.addi %mul3A_277, %add3A_415 : i32
      %mul3A_417 = arith.constant 40 : i32
      %mul3A_418 = arith.muli %add3A_416, %mul3A_417 : i32
      %add3A_419 = arith.addi %mul3A_2, %mul3A_418 : i32
      %dma_start3A_420 = arith.constant 4 : i32
      %dma_start3A_421 = arith.constant 0 : i32
      %dma_start3A_422 = arith.constant 0 : i32
      %dma_start3A_423 = tpu.memref_slice %arg6[%dma_start3A_420, %dma_start3A_421, %dma_start3A_422] : memref<5x40x128xf32, #tpu.memory_space<vmem>> -> memref<1x40x128xf32, #tpu.memory_space<vmem>>
      %dma_start3A_424 = tpu.memref_squeeze %dma_start3A_423 : memref<1x40x128xf32, #tpu.memory_space<vmem>> -> memref<40x128xf32, #tpu.memory_space<vmem>>
      %dma_start3A_425 = arith.constant 0 : i32
      %dma_start3A_426 = tpu.memref_slice %arg4[%add3A_419, %dma_start3A_425] : memref<160000x128xf32, #tpu.memory_space<hbm>> -> memref<40x128xf32, #tpu.memory_space<hbm>>
      %dma_start3A_427 = arith.constant 0 : i32
      %dma_start3A_428 = tpu.memref_slice %arg4[%add3A_419, %dma_start3A_427] : memref<160000x128xf32, #tpu.memory_space<hbm>> -> memref<40x128xf32, #tpu.memory_space<hbm>>
      %dma_start3A_429 = arith.constant 0 : i32
      %dma_start3A_430 = arith.constant 0 : i32
      %dma_start3A_431 = tpu.memref_slice %arg6[%dma_start3A_420, %dma_start3A_429, %dma_start3A_430] : memref<5x40x128xf32, #tpu.memory_space<vmem>> -> memref<1x40x128xf32, #tpu.memory_space<vmem>>
      %dma_start3A_432 = tpu.memref_squeeze %dma_start3A_431 : memref<1x40x128xf32, #tpu.memory_space<vmem>> -> memref<40x128xf32, #tpu.memory_space<vmem>>
      tpu.enqueue_dma source(%dma_start3A_432 : memref<40x128xf32, #tpu.memory_space<vmem>>) target(%dma_start3A_428 : memref<40x128xf32, #tpu.memory_space<hbm>>) target_semaphore(%arg16 : memref<!tpu.dma_semaphore, #tpu.memory_space<semaphore_mem>>)
      %add3A_433 = arith.constant 0 : i32
      %add3A_434 = arith.addi %mul3A_277, %add3A_433 : i32
      %mul3A_435 = arith.constant 40 : i32
      %mul3A_436 = arith.muli %add3A_434, %mul3A_435 : i32
      %add3A_437 = arith.addi %mul3A_2, %mul3A_436 : i32
      %dma_wait3A_438 = arith.constant 0 : i32
      %dma_wait3A_439 = arith.constant 0 : i32
      %dma_wait3A_440 = arith.constant 0 : i32
      %dma_wait3A_441 = tpu.memref_slice %arg6[%dma_wait3A_438, %dma_wait3A_439, %dma_wait3A_440] : memref<5x40x128xf32, #tpu.memory_space<vmem>> -> memref<1x40x128xf32, #tpu.memory_space<vmem>>
      %dma_wait3A_442 = tpu.memref_squeeze %dma_wait3A_441 : memref<1x40x128xf32, #tpu.memory_space<vmem>> -> memref<40x128xf32, #tpu.memory_space<vmem>>
      %dma_wait3A_443 = arith.constant 0 : i32
      %dma_wait3A_444 = tpu.memref_slice %arg4[%add3A_437, %dma_wait3A_443] : memref<160000x128xf32, #tpu.memory_space<hbm>> -> memref<40x128xf32, #tpu.memory_space<hbm>>
      %dma_wait3A_445 = arith.constant 0 : i32
      %dma_wait3A_446 = tpu.memref_slice %arg4[%add3A_437, %dma_wait3A_445] : memref<160000x128xf32, #tpu.memory_space<hbm>> -> memref<40x128xf32, #tpu.memory_space<hbm>>
      %dma_wait3A_447 = arith.constant 0 : i32
      %dma_wait3A_448 = arith.constant 0 : i32
      %dma_wait3A_449 = tpu.memref_slice %arg6[%dma_wait3A_438, %dma_wait3A_447, %dma_wait3A_448] : memref<5x40x128xf32, #tpu.memory_space<vmem>> -> memref<1x40x128xf32, #tpu.memory_space<vmem>>
      %dma_wait3A_450 = tpu.memref_squeeze %dma_wait3A_449 : memref<1x40x128xf32, #tpu.memory_space<vmem>> -> memref<40x128xf32, #tpu.memory_space<vmem>>
      tpu.wait_dma2 semaphore(%arg12 : memref<!tpu.dma_semaphore, #tpu.memory_space<semaphore_mem>>) src(%dma_wait3A_450 : memref<40x128xf32, #tpu.memory_space<vmem>>) dst(%dma_wait3A_446 : memref<40x128xf32, #tpu.memory_space<hbm>>)
      %add3A_451 = arith.constant 5 : i32
      %add3A_452 = arith.addi %mul3A_277, %add3A_451 : i32
      %add3A_453 = arith.constant 0 : i32
      %add3A_454 = arith.addi %add3A_452, %add3A_453 : i32
      %dma_start3A_455 = arith.constant 0 : i32
      %dma_start3A_456 = arith.constant 0 : i32
      %dma_start3A_457 = arith.constant 0 : i32
      %dma_start3A_458 = tpu.memref_slice %arg6[%dma_start3A_455, %dma_start3A_456, %dma_start3A_457] : memref<5x40x128xf32, #tpu.memory_space<vmem>> -> memref<1x40x128xf32, #tpu.memory_space<vmem>>
      %dma_start3A_459 = tpu.memref_squeeze %dma_start3A_458 : memref<1x40x128xf32, #tpu.memory_space<vmem>> -> memref<40x128xf32, #tpu.memory_space<vmem>>
      %dma_start3A_460 = arith.constant 0 : i32
      %dma_start3A_461 = tpu.memref_slice %arg5[%add3A_454, %dma_start3A_460] : memref<125x40xi32, #tpu.memory_space<vmem>> -> memref<1x40xi32, #tpu.memory_space<vmem>>
      %dma_start3A_462 = tpu.memref_squeeze %dma_start3A_461 : memref<1x40xi32, #tpu.memory_space<vmem>> -> memref<40xi32, #tpu.memory_space<vmem>>
      %dma_start3A_463 = arith.constant 0 : i32
      %dma_start3A_464 = arith.constant 0 : i32
      %dma_start3A_465 = tpu.memref_slice %arg2[%dma_start3A_463, %dma_start3A_464] : memref<10000x128xf32, #tpu.memory_space<hbm>> -> memref<10000x128xf32, #tpu.memory_space<hbm>>
      tpu.enqueue_indirect_dma source(%dma_start3A_465 : memref<10000x128xf32, #tpu.memory_space<hbm>>) target(%dma_start3A_459 : memref<40x128xf32, #tpu.memory_space<vmem>>) offsets(%dma_start3A_462 : memref<40xi32, #tpu.memory_space<vmem>>) semaphore(%arg7 : memref<!tpu.dma_semaphore, #tpu.memory_space<semaphore_mem>>)
      %add3A_466 = arith.constant 1 : i32
      %add3A_467 = arith.addi %mul3A_277, %add3A_466 : i32
      %mul3A_468 = arith.constant 40 : i32
      %mul3A_469 = arith.muli %add3A_467, %mul3A_468 : i32
      %add3A_470 = arith.addi %mul3A_2, %mul3A_469 : i32
      %dma_wait3A_471 = arith.constant 1 : i32
      %dma_wait3A_472 = arith.constant 0 : i32
      %dma_wait3A_473 = arith.constant 0 : i32
      %dma_wait3A_474 = tpu.memref_slice %arg6[%dma_wait3A_471, %dma_wait3A_472, %dma_wait3A_473] : memref<5x40x128xf32, #tpu.memory_space<vmem>> -> memref<1x40x128xf32, #tpu.memory_space<vmem>>
      %dma_wait3A_475 = tpu.memref_squeeze %dma_wait3A_474 : memref<1x40x128xf32, #tpu.memory_space<vmem>> -> memref<40x128xf32, #tpu.memory_space<vmem>>
      %dma_wait3A_476 = arith.constant 0 : i32
      %dma_wait3A_477 = tpu.memref_slice %arg4[%add3A_470, %dma_wait3A_476] : memref<160000x128xf32, #tpu.memory_space<hbm>> -> memref<40x128xf32, #tpu.memory_space<hbm>>
      %dma_wait3A_478 = arith.constant 0 : i32
      %dma_wait3A_479 = tpu.memref_slice %arg4[%add3A_470, %dma_wait3A_478] : memref<160000x128xf32, #tpu.memory_space<hbm>> -> memref<40x128xf32, #tpu.memory_space<hbm>>
      %dma_wait3A_480 = arith.constant 0 : i32
      %dma_wait3A_481 = arith.constant 0 : i32
      %dma_wait3A_482 = tpu.memref_slice %arg6[%dma_wait3A_471, %dma_wait3A_480, %dma_wait3A_481] : memref<5x40x128xf32, #tpu.memory_space<vmem>> -> memref<1x40x128xf32, #tpu.memory_space<vmem>>
      %dma_wait3A_483 = tpu.memref_squeeze %dma_wait3A_482 : memref<1x40x128xf32, #tpu.memory_space<vmem>> -> memref<40x128xf32, #tpu.memory_space<vmem>>
      tpu.wait_dma2 semaphore(%arg13 : memref<!tpu.dma_semaphore, #tpu.memory_space<semaphore_mem>>) src(%dma_wait3A_483 : memref<40x128xf32, #tpu.memory_space<vmem>>) dst(%dma_wait3A_479 : memref<40x128xf32, #tpu.memory_space<hbm>>)
      %add3A_484 = arith.constant 5 : i32
      %add3A_485 = arith.addi %mul3A_277, %add3A_484 : i32
      %add3A_486 = arith.constant 1 : i32
      %add3A_487 = arith.addi %add3A_485, %add3A_486 : i32
      %dma_start3A_488 = arith.constant 1 : i32
      %dma_start3A_489 = arith.constant 0 : i32
      %dma_start3A_490 = arith.constant 0 : i32
      %dma_start3A_491 = tpu.memref_slice %arg6[%dma_start3A_488, %dma_start3A_489, %dma_start3A_490] : memref<5x40x128xf32, #tpu.memory_space<vmem>> -> memref<1x40x128xf32, #tpu.memory_space<vmem>>
      %dma_start3A_492 = tpu.memref_squeeze %dma_start3A_491 : memref<1x40x128xf32, #tpu.memory_space<vmem>> -> memref<40x128xf32, #tpu.memory_space<vmem>>
      %dma_start3A_493 = arith.constant 0 : i32
      %dma_start3A_494 = tpu.memref_slice %arg5[%add3A_487, %dma_start3A_493] : memref<125x40xi32, #tpu.memory_space<vmem>> -> memref<1x40xi32, #tpu.memory_space<vmem>>
      %dma_start3A_495 = tpu.memref_squeeze %dma_start3A_494 : memref<1x40xi32, #tpu.memory_space<vmem>> -> memref<40xi32, #tpu.memory_space<vmem>>
      %dma_start3A_496 = arith.constant 0 : i32
      %dma_start3A_497 = arith.constant 0 : i32
      %dma_start3A_498 = tpu.memref_slice %arg2[%dma_start3A_496, %dma_start3A_497] : memref<10000x128xf32, #tpu.memory_space<hbm>> -> memref<10000x128xf32, #tpu.memory_space<hbm>>
      tpu.enqueue_indirect_dma source(%dma_start3A_498 : memref<10000x128xf32, #tpu.memory_space<hbm>>) target(%dma_start3A_492 : memref<40x128xf32, #tpu.memory_space<vmem>>) offsets(%dma_start3A_495 : memref<40xi32, #tpu.memory_space<vmem>>) semaphore(%arg8 : memref<!tpu.dma_semaphore, #tpu.memory_space<semaphore_mem>>)
      %add3A_499 = arith.constant 2 : i32
      %add3A_500 = arith.addi %mul3A_277, %add3A_499 : i32
      %mul3A_501 = arith.constant 40 : i32
      %mul3A_502 = arith.muli %add3A_500, %mul3A_501 : i32
      %add3A_503 = arith.addi %mul3A_2, %mul3A_502 : i32
      %dma_wait3A_504 = arith.constant 2 : i32
      %dma_wait3A_505 = arith.constant 0 : i32
      %dma_wait3A_506 = arith.constant 0 : i32
      %dma_wait3A_507 = tpu.memref_slice %arg6[%dma_wait3A_504, %dma_wait3A_505, %dma_wait3A_506] : memref<5x40x128xf32, #tpu.memory_space<vmem>> -> memref<1x40x128xf32, #tpu.memory_space<vmem>>
      %dma_wait3A_508 = tpu.memref_squeeze %dma_wait3A_507 : memref<1x40x128xf32, #tpu.memory_space<vmem>> -> memref<40x128xf32, #tpu.memory_space<vmem>>
      %dma_wait3A_509 = arith.constant 0 : i32
      %dma_wait3A_510 = tpu.memref_slice %arg4[%add3A_503, %dma_wait3A_509] : memref<160000x128xf32, #tpu.memory_space<hbm>> -> memref<40x128xf32, #tpu.memory_space<hbm>>
      %dma_wait3A_511 = arith.constant 0 : i32
      %dma_wait3A_512 = tpu.memref_slice %arg4[%add3A_503, %dma_wait3A_511] : memref<160000x128xf32, #tpu.memory_space<hbm>> -> memref<40x128xf32, #tpu.memory_space<hbm>>
      %dma_wait3A_513 = arith.constant 0 : i32
      %dma_wait3A_514 = arith.constant 0 : i32
      %dma_wait3A_515 = tpu.memref_slice %arg6[%dma_wait3A_504, %dma_wait3A_513, %dma_wait3A_514] : memref<5x40x128xf32, #tpu.memory_space<vmem>> -> memref<1x40x128xf32, #tpu.memory_space<vmem>>
      %dma_wait3A_516 = tpu.memref_squeeze %dma_wait3A_515 : memref<1x40x128xf32, #tpu.memory_space<vmem>> -> memref<40x128xf32, #tpu.memory_space<vmem>>
      tpu.wait_dma2 semaphore(%arg14 : memref<!tpu.dma_semaphore, #tpu.memory_space<semaphore_mem>>) src(%dma_wait3A_516 : memref<40x128xf32, #tpu.memory_space<vmem>>) dst(%dma_wait3A_512 : memref<40x128xf32, #tpu.memory_space<hbm>>)
      %add3A_517 = arith.constant 5 : i32
      %add3A_518 = arith.addi %mul3A_277, %add3A_517 : i32
      %add3A_519 = arith.constant 2 : i32
      %add3A_520 = arith.addi %add3A_518, %add3A_519 : i32
      %dma_start3A_521 = arith.constant 2 : i32
      %dma_start3A_522 = arith.constant 0 : i32
      %dma_start3A_523 = arith.constant 0 : i32
      %dma_start3A_524 = tpu.memref_slice %arg6[%dma_start3A_521, %dma_start3A_522, %dma_start3A_523] : memref<5x40x128xf32, #tpu.memory_space<vmem>> -> memref<1x40x128xf32, #tpu.memory_space<vmem>>
      %dma_start3A_525 = tpu.memref_squeeze %dma_start3A_524 : memref<1x40x128xf32, #tpu.memory_space<vmem>> -> memref<40x128xf32, #tpu.memory_space<vmem>>
      %dma_start3A_526 = arith.constant 0 : i32
      %dma_start3A_527 = tpu.memref_slice %arg5[%add3A_520, %dma_start3A_526] : memref<125x40xi32, #tpu.memory_space<vmem>> -> memref<1x40xi32, #tpu.memory_space<vmem>>
      %dma_start3A_528 = tpu.memref_squeeze %dma_start3A_527 : memref<1x40xi32, #tpu.memory_space<vmem>> -> memref<40xi32, #tpu.memory_space<vmem>>
      %dma_start3A_529 = arith.constant 0 : i32
      %dma_start3A_530 = arith.constant 0 : i32
      %dma_start3A_531 = tpu.memref_slice %arg2[%dma_start3A_529, %dma_start3A_530] : memref<10000x128xf32, #tpu.memory_space<hbm>> -> memref<10000x128xf32, #tpu.memory_space<hbm>>
      tpu.enqueue_indirect_dma source(%dma_start3A_531 : memref<10000x128xf32, #tpu.memory_space<hbm>>) target(%dma_start3A_525 : memref<40x128xf32, #tpu.memory_space<vmem>>) offsets(%dma_start3A_528 : memref<40xi32, #tpu.memory_space<vmem>>) semaphore(%arg9 : memref<!tpu.dma_semaphore, #tpu.memory_space<semaphore_mem>>)
      %add3A_532 = arith.constant 3 : i32
      %add3A_533 = arith.addi %mul3A_277, %add3A_532 : i32
      %mul3A_534 = arith.constant 40 : i32
      %mul3A_535 = arith.muli %add3A_533, %mul3A_534 : i32
      %add3A_536 = arith.addi %mul3A_2, %mul3A_535 : i32
      %dma_wait3A_537 = arith.constant 3 : i32
      %dma_wait3A_538 = arith.constant 0 : i32
      %dma_wait3A_539 = arith.constant 0 : i32
      %dma_wait3A_540 = tpu.memref_slice %arg6[%dma_wait3A_537, %dma_wait3A_538, %dma_wait3A_539] : memref<5x40x128xf32, #tpu.memory_space<vmem>> -> memref<1x40x128xf32, #tpu.memory_space<vmem>>
      %dma_wait3A_541 = tpu.memref_squeeze %dma_wait3A_540 : memref<1x40x128xf32, #tpu.memory_space<vmem>> -> memref<40x128xf32, #tpu.memory_space<vmem>>
      %dma_wait3A_542 = arith.constant 0 : i32
      %dma_wait3A_543 = tpu.memref_slice %arg4[%add3A_536, %dma_wait3A_542] : memref<160000x128xf32, #tpu.memory_space<hbm>> -> memref<40x128xf32, #tpu.memory_space<hbm>>
      %dma_wait3A_544 = arith.constant 0 : i32
      %dma_wait3A_545 = tpu.memref_slice %arg4[%add3A_536, %dma_wait3A_544] : memref<160000x128xf32, #tpu.memory_space<hbm>> -> memref<40x128xf32, #tpu.memory_space<hbm>>
      %dma_wait3A_546 = arith.constant 0 : i32
      %dma_wait3A_547 = arith.constant 0 : i32
      %dma_wait3A_548 = tpu.memref_slice %arg6[%dma_wait3A_537, %dma_wait3A_546, %dma_wait3A_547] : memref<5x40x128xf32, #tpu.memory_space<vmem>> -> memref<1x40x128xf32, #tpu.memory_space<vmem>>
      %dma_wait3A_549 = tpu.memref_squeeze %dma_wait3A_548 : memref<1x40x128xf32, #tpu.memory_space<vmem>> -> memref<40x128xf32, #tpu.memory_space<vmem>>
      tpu.wait_dma2 semaphore(%arg15 : memref<!tpu.dma_semaphore, #tpu.memory_space<semaphore_mem>>) src(%dma_wait3A_549 : memref<40x128xf32, #tpu.memory_space<vmem>>) dst(%dma_wait3A_545 : memref<40x128xf32, #tpu.memory_space<hbm>>)
      %add3A_550 = arith.constant 5 : i32
      %add3A_551 = arith.addi %mul3A_277, %add3A_550 : i32
      %add3A_552 = arith.constant 3 : i32
      %add3A_553 = arith.addi %add3A_551, %add3A_552 : i32
      %dma_start3A_554 = arith.constant 3 : i32
      %dma_start3A_555 = arith.constant 0 : i32
      %dma_start3A_556 = arith.constant 0 : i32
      %dma_start3A_557 = tpu.memref_slice %arg6[%dma_start3A_554, %dma_start3A_555, %dma_start3A_556] : memref<5x40x128xf32, #tpu.memory_space<vmem>> -> memref<1x40x128xf32, #tpu.memory_space<vmem>>
      %dma_start3A_558 = tpu.memref_squeeze %dma_start3A_557 : memref<1x40x128xf32, #tpu.memory_space<vmem>> -> memref<40x128xf32, #tpu.memory_space<vmem>>
      %dma_start3A_559 = arith.constant 0 : i32
      %dma_start3A_560 = tpu.memref_slice %arg5[%add3A_553, %dma_start3A_559] : memref<125x40xi32, #tpu.memory_space<vmem>> -> memref<1x40xi32, #tpu.memory_space<vmem>>
      %dma_start3A_561 = tpu.memref_squeeze %dma_start3A_560 : memref<1x40xi32, #tpu.memory_space<vmem>> -> memref<40xi32, #tpu.memory_space<vmem>>
      %dma_start3A_562 = arith.constant 0 : i32
      %dma_start3A_563 = arith.constant 0 : i32
      %dma_start3A_564 = tpu.memref_slice %arg2[%dma_start3A_562, %dma_start3A_563] : memref<10000x128xf32, #tpu.memory_space<hbm>> -> memref<10000x128xf32, #tpu.memory_space<hbm>>
      tpu.enqueue_indirect_dma source(%dma_start3A_564 : memref<10000x128xf32, #tpu.memory_space<hbm>>) target(%dma_start3A_558 : memref<40x128xf32, #tpu.memory_space<vmem>>) offsets(%dma_start3A_561 : memref<40xi32, #tpu.memory_space<vmem>>) semaphore(%arg10 : memref<!tpu.dma_semaphore, #tpu.memory_space<semaphore_mem>>)
      %add3A_565 = arith.constant 4 : i32
      %add3A_566 = arith.addi %mul3A_277, %add3A_565 : i32
      %mul3A_567 = arith.constant 40 : i32
      %mul3A_568 = arith.muli %add3A_566, %mul3A_567 : i32
      %add3A_569 = arith.addi %mul3A_2, %mul3A_568 : i32
      %dma_wait3A_570 = arith.constant 4 : i32
      %dma_wait3A_571 = arith.constant 0 : i32
      %dma_wait3A_572 = arith.constant 0 : i32
      %dma_wait3A_573 = tpu.memref_slice %arg6[%dma_wait3A_570, %dma_wait3A_571, %dma_wait3A_572] : memref<5x40x128xf32, #tpu.memory_space<vmem>> -> memref<1x40x128xf32, #tpu.memory_space<vmem>>
      %dma_wait3A_574 = tpu.memref_squeeze %dma_wait3A_573 : memref<1x40x128xf32, #tpu.memory_space<vmem>> -> memref<40x128xf32, #tpu.memory_space<vmem>>
      %dma_wait3A_575 = arith.constant 0 : i32
      %dma_wait3A_576 = tpu.memref_slice %arg4[%add3A_569, %dma_wait3A_575] : memref<160000x128xf32, #tpu.memory_space<hbm>> -> memref<40x128xf32, #tpu.memory_space<hbm>>
      %dma_wait3A_577 = arith.constant 0 : i32
      %dma_wait3A_578 = tpu.memref_slice %arg4[%add3A_569, %dma_wait3A_577] : memref<160000x128xf32, #tpu.memory_space<hbm>> -> memref<40x128xf32, #tpu.memory_space<hbm>>
      %dma_wait3A_579 = arith.constant 0 : i32
      %dma_wait3A_580 = arith.constant 0 : i32
      %dma_wait3A_581 = tpu.memref_slice %arg6[%dma_wait3A_570, %dma_wait3A_579, %dma_wait3A_580] : memref<5x40x128xf32, #tpu.memory_space<vmem>> -> memref<1x40x128xf32, #tpu.memory_space<vmem>>
      %dma_wait3A_582 = tpu.memref_squeeze %dma_wait3A_581 : memref<1x40x128xf32, #tpu.memory_space<vmem>> -> memref<40x128xf32, #tpu.memory_space<vmem>>
      tpu.wait_dma2 semaphore(%arg16 : memref<!tpu.dma_semaphore, #tpu.memory_space<semaphore_mem>>) src(%dma_wait3A_582 : memref<40x128xf32, #tpu.memory_space<vmem>>) dst(%dma_wait3A_578 : memref<40x128xf32, #tpu.memory_space<hbm>>)
      %add3A_583 = arith.constant 5 : i32
      %add3A_584 = arith.addi %mul3A_277, %add3A_583 : i32
      %add3A_585 = arith.constant 4 : i32
      %add3A_586 = arith.addi %add3A_584, %add3A_585 : i32
      %dma_start3A_587 = arith.constant 4 : i32
      %dma_start3A_588 = arith.constant 0 : i32
      %dma_start3A_589 = arith.constant 0 : i32
      %dma_start3A_590 = tpu.memref_slice %arg6[%dma_start3A_587, %dma_start3A_588, %dma_start3A_589] : memref<5x40x128xf32, #tpu.memory_space<vmem>> -> memref<1x40x128xf32, #tpu.memory_space<vmem>>
      %dma_start3A_591 = tpu.memref_squeeze %dma_start3A_590 : memref<1x40x128xf32, #tpu.memory_space<vmem>> -> memref<40x128xf32, #tpu.memory_space<vmem>>
      %dma_start3A_592 = arith.constant 0 : i32
      %dma_start3A_593 = tpu.memref_slice %arg5[%add3A_586, %dma_start3A_592] : memref<125x40xi32, #tpu.memory_space<vmem>> -> memref<1x40xi32, #tpu.memory_space<vmem>>
      %dma_start3A_594 = tpu.memref_squeeze %dma_start3A_593 : memref<1x40xi32, #tpu.memory_space<vmem>> -> memref<40xi32, #tpu.memory_space<vmem>>
      %dma_start3A_595 = arith.constant 0 : i32
      %dma_start3A_596 = arith.constant 0 : i32
      %dma_start3A_597 = tpu.memref_slice %arg2[%dma_start3A_595, %dma_start3A_596] : memref<10000x128xf32, #tpu.memory_space<hbm>> -> memref<10000x128xf32, #tpu.memory_space<hbm>>
      tpu.enqueue_indirect_dma source(%dma_start3A_597 : memref<10000x128xf32, #tpu.memory_space<hbm>>) target(%dma_start3A_591 : memref<40x128xf32, #tpu.memory_space<vmem>>) offsets(%dma_start3A_594 : memref<40xi32, #tpu.memory_space<vmem>>) semaphore(%arg11 : memref<!tpu.dma_semaphore, #tpu.memory_space<semaphore_mem>>)
    }
    %scan3A_65 = arith.constant 24 : i32
    %dma_wait3A = arith.constant 120 : i32
    %dma_wait3A_66 = arith.constant 0 : i32
    %dma_wait3A_67 = arith.constant 0 : i32
    %dma_wait3A_68 = arith.constant 0 : i32
    %dma_wait3A_69 = tpu.memref_slice %arg6[%dma_wait3A_66, %dma_wait3A_67, %dma_wait3A_68] : memref<5x40x128xf32, #tpu.memory_space<vmem>> -> memref<1x40x128xf32, #tpu.memory_space<vmem>>
    %dma_wait3A_70 = tpu.memref_squeeze %dma_wait3A_69 : memref<1x40x128xf32, #tpu.memory_space<vmem>> -> memref<40x128xf32, #tpu.memory_space<vmem>>
    %dma_wait3A_71 = arith.constant 0 : i32
    %dma_wait3A_72 = tpu.memref_slice %arg5[%dma_wait3A, %dma_wait3A_71] : memref<125x40xi32, #tpu.memory_space<vmem>> -> memref<1x40xi32, #tpu.memory_space<vmem>>
    %dma_wait3A_73 = tpu.memref_squeeze %dma_wait3A_72 : memref<1x40xi32, #tpu.memory_space<vmem>> -> memref<40xi32, #tpu.memory_space<vmem>>
    %dma_wait3A_74 = arith.constant 0 : i32
    %dma_wait3A_75 = arith.constant 0 : i32
    %dma_wait3A_76 = tpu.memref_slice %arg2[%dma_wait3A_74, %dma_wait3A_75] : memref<10000x128xf32, #tpu.memory_space<hbm>> -> memref<10000x128xf32, #tpu.memory_space<hbm>>
    tpu.wait_indirect_dma semaphore(%arg7 : memref<!tpu.dma_semaphore, #tpu.memory_space<semaphore_mem>>) src(%dma_wait3A_76 : memref<10000x128xf32, #tpu.memory_space<hbm>>) dst(%dma_wait3A_70 : memref<40x128xf32, #tpu.memory_space<vmem>>)
    %add3A_77 = arith.constant 4800 : i32
    %add3A_78 = arith.addi %mul3A_2, %add3A_77 : i32
    %dma_start3A_79 = arith.constant 0 : i32
    %dma_start3A_80 = arith.constant 0 : i32
    %dma_start3A_81 = arith.constant 0 : i32
    %dma_start3A_82 = tpu.memref_slice %arg6[%dma_start3A_79, %dma_start3A_80, %dma_start3A_81] : memref<5x40x128xf32, #tpu.memory_space<vmem>> -> memref<1x40x128xf32, #tpu.memory_space<vmem>>
    %dma_start3A_83 = tpu.memref_squeeze %dma_start3A_82 : memref<1x40x128xf32, #tpu.memory_space<vmem>> -> memref<40x128xf32, #tpu.memory_space<vmem>>
    %dma_start3A_84 = arith.constant 0 : i32
    %dma_start3A_85 = tpu.memref_slice %arg4[%add3A_78, %dma_start3A_84] : memref<160000x128xf32, #tpu.memory_space<hbm>> -> memref<40x128xf32, #tpu.memory_space<hbm>>
    %dma_start3A_86 = arith.constant 0 : i32
    %dma_start3A_87 = tpu.memref_slice %arg4[%add3A_78, %dma_start3A_86] : memref<160000x128xf32, #tpu.memory_space<hbm>> -> memref<40x128xf32, #tpu.memory_space<hbm>>
    %dma_start3A_88 = arith.constant 0 : i32
    %dma_start3A_89 = arith.constant 0 : i32
    %dma_start3A_90 = tpu.memref_slice %arg6[%dma_start3A_79, %dma_start3A_88, %dma_start3A_89] : memref<5x40x128xf32, #tpu.memory_space<vmem>> -> memref<1x40x128xf32, #tpu.memory_space<vmem>>
    %dma_start3A_91 = tpu.memref_squeeze %dma_start3A_90 : memref<1x40x128xf32, #tpu.memory_space<vmem>> -> memref<40x128xf32, #tpu.memory_space<vmem>>
    tpu.enqueue_dma source(%dma_start3A_91 : memref<40x128xf32, #tpu.memory_space<vmem>>) target(%dma_start3A_87 : memref<40x128xf32, #tpu.memory_space<hbm>>) target_semaphore(%arg12 : memref<!tpu.dma_semaphore, #tpu.memory_space<semaphore_mem>>)
    %dma_wait3A_92 = arith.constant 121 : i32
    %dma_wait3A_93 = arith.constant 1 : i32
    %dma_wait3A_94 = arith.constant 0 : i32
    %dma_wait3A_95 = arith.constant 0 : i32
    %dma_wait3A_96 = tpu.memref_slice %arg6[%dma_wait3A_93, %dma_wait3A_94, %dma_wait3A_95] : memref<5x40x128xf32, #tpu.memory_space<vmem>> -> memref<1x40x128xf32, #tpu.memory_space<vmem>>
    %dma_wait3A_97 = tpu.memref_squeeze %dma_wait3A_96 : memref<1x40x128xf32, #tpu.memory_space<vmem>> -> memref<40x128xf32, #tpu.memory_space<vmem>>
    %dma_wait3A_98 = arith.constant 0 : i32
    %dma_wait3A_99 = tpu.memref_slice %arg5[%dma_wait3A_92, %dma_wait3A_98] : memref<125x40xi32, #tpu.memory_space<vmem>> -> memref<1x40xi32, #tpu.memory_space<vmem>>
    %dma_wait3A_100 = tpu.memref_squeeze %dma_wait3A_99 : memref<1x40xi32, #tpu.memory_space<vmem>> -> memref<40xi32, #tpu.memory_space<vmem>>
    %dma_wait3A_101 = arith.constant 0 : i32
    %dma_wait3A_102 = arith.constant 0 : i32
    %dma_wait3A_103 = tpu.memref_slice %arg2[%dma_wait3A_101, %dma_wait3A_102] : memref<10000x128xf32, #tpu.memory_space<hbm>> -> memref<10000x128xf32, #tpu.memory_space<hbm>>
    tpu.wait_indirect_dma semaphore(%arg8 : memref<!tpu.dma_semaphore, #tpu.memory_space<semaphore_mem>>) src(%dma_wait3A_103 : memref<10000x128xf32, #tpu.memory_space<hbm>>) dst(%dma_wait3A_97 : memref<40x128xf32, #tpu.memory_space<vmem>>)
    %add3A_104 = arith.constant 4840 : i32
    %add3A_105 = arith.addi %mul3A_2, %add3A_104 : i32
    %dma_start3A_106 = arith.constant 1 : i32
    %dma_start3A_107 = arith.constant 0 : i32
    %dma_start3A_108 = arith.constant 0 : i32
    %dma_start3A_109 = tpu.memref_slice %arg6[%dma_start3A_106, %dma_start3A_107, %dma_start3A_108] : memref<5x40x128xf32, #tpu.memory_space<vmem>> -> memref<1x40x128xf32, #tpu.memory_space<vmem>>
    %dma_start3A_110 = tpu.memref_squeeze %dma_start3A_109 : memref<1x40x128xf32, #tpu.memory_space<vmem>> -> memref<40x128xf32, #tpu.memory_space<vmem>>
    %dma_start3A_111 = arith.constant 0 : i32
    %dma_start3A_112 = tpu.memref_slice %arg4[%add3A_105, %dma_start3A_111] : memref<160000x128xf32, #tpu.memory_space<hbm>> -> memref<40x128xf32, #tpu.memory_space<hbm>>
    %dma_start3A_113 = arith.constant 0 : i32
    %dma_start3A_114 = tpu.memref_slice %arg4[%add3A_105, %dma_start3A_113] : memref<160000x128xf32, #tpu.memory_space<hbm>> -> memref<40x128xf32, #tpu.memory_space<hbm>>
    %dma_start3A_115 = arith.constant 0 : i32
    %dma_start3A_116 = arith.constant 0 : i32
    %dma_start3A_117 = tpu.memref_slice %arg6[%dma_start3A_106, %dma_start3A_115, %dma_start3A_116] : memref<5x40x128xf32, #tpu.memory_space<vmem>> -> memref<1x40x128xf32, #tpu.memory_space<vmem>>
    %dma_start3A_118 = tpu.memref_squeeze %dma_start3A_117 : memref<1x40x128xf32, #tpu.memory_space<vmem>> -> memref<40x128xf32, #tpu.memory_space<vmem>>
    tpu.enqueue_dma source(%dma_start3A_118 : memref<40x128xf32, #tpu.memory_space<vmem>>) target(%dma_start3A_114 : memref<40x128xf32, #tpu.memory_space<hbm>>) target_semaphore(%arg13 : memref<!tpu.dma_semaphore, #tpu.memory_space<semaphore_mem>>)
    %dma_wait3A_119 = arith.constant 122 : i32
    %dma_wait3A_120 = arith.constant 2 : i32
    %dma_wait3A_121 = arith.constant 0 : i32
    %dma_wait3A_122 = arith.constant 0 : i32
    %dma_wait3A_123 = tpu.memref_slice %arg6[%dma_wait3A_120, %dma_wait3A_121, %dma_wait3A_122] : memref<5x40x128xf32, #tpu.memory_space<vmem>> -> memref<1x40x128xf32, #tpu.memory_space<vmem>>
    %dma_wait3A_124 = tpu.memref_squeeze %dma_wait3A_123 : memref<1x40x128xf32, #tpu.memory_space<vmem>> -> memref<40x128xf32, #tpu.memory_space<vmem>>
    %dma_wait3A_125 = arith.constant 0 : i32
    %dma_wait3A_126 = tpu.memref_slice %arg5[%dma_wait3A_119, %dma_wait3A_125] : memref<125x40xi32, #tpu.memory_space<vmem>> -> memref<1x40xi32, #tpu.memory_space<vmem>>
    %dma_wait3A_127 = tpu.memref_squeeze %dma_wait3A_126 : memref<1x40xi32, #tpu.memory_space<vmem>> -> memref<40xi32, #tpu.memory_space<vmem>>
    %dma_wait3A_128 = arith.constant 0 : i32
    %dma_wait3A_129 = arith.constant 0 : i32
    %dma_wait3A_130 = tpu.memref_slice %arg2[%dma_wait3A_128, %dma_wait3A_129] : memref<10000x128xf32, #tpu.memory_space<hbm>> -> memref<10000x128xf32, #tpu.memory_space<hbm>>
    tpu.wait_indirect_dma semaphore(%arg9 : memref<!tpu.dma_semaphore, #tpu.memory_space<semaphore_mem>>) src(%dma_wait3A_130 : memref<10000x128xf32, #tpu.memory_space<hbm>>) dst(%dma_wait3A_124 : memref<40x128xf32, #tpu.memory_space<vmem>>)
    %add3A_131 = arith.constant 4880 : i32
    %add3A_132 = arith.addi %mul3A_2, %add3A_131 : i32
    %dma_start3A_133 = arith.constant 2 : i32
    %dma_start3A_134 = arith.constant 0 : i32
    %dma_start3A_135 = arith.constant 0 : i32
    %dma_start3A_136 = tpu.memref_slice %arg6[%dma_start3A_133, %dma_start3A_134, %dma_start3A_135] : memref<5x40x128xf32, #tpu.memory_space<vmem>> -> memref<1x40x128xf32, #tpu.memory_space<vmem>>
    %dma_start3A_137 = tpu.memref_squeeze %dma_start3A_136 : memref<1x40x128xf32, #tpu.memory_space<vmem>> -> memref<40x128xf32, #tpu.memory_space<vmem>>
    %dma_start3A_138 = arith.constant 0 : i32
    %dma_start3A_139 = tpu.memref_slice %arg4[%add3A_132, %dma_start3A_138] : memref<160000x128xf32, #tpu.memory_space<hbm>> -> memref<40x128xf32, #tpu.memory_space<hbm>>
    %dma_start3A_140 = arith.constant 0 : i32
    %dma_start3A_141 = tpu.memref_slice %arg4[%add3A_132, %dma_start3A_140] : memref<160000x128xf32, #tpu.memory_space<hbm>> -> memref<40x128xf32, #tpu.memory_space<hbm>>
    %dma_start3A_142 = arith.constant 0 : i32
    %dma_start3A_143 = arith.constant 0 : i32
    %dma_start3A_144 = tpu.memref_slice %arg6[%dma_start3A_133, %dma_start3A_142, %dma_start3A_143] : memref<5x40x128xf32, #tpu.memory_space<vmem>> -> memref<1x40x128xf32, #tpu.memory_space<vmem>>
    %dma_start3A_145 = tpu.memref_squeeze %dma_start3A_144 : memref<1x40x128xf32, #tpu.memory_space<vmem>> -> memref<40x128xf32, #tpu.memory_space<vmem>>
    tpu.enqueue_dma source(%dma_start3A_145 : memref<40x128xf32, #tpu.memory_space<vmem>>) target(%dma_start3A_141 : memref<40x128xf32, #tpu.memory_space<hbm>>) target_semaphore(%arg14 : memref<!tpu.dma_semaphore, #tpu.memory_space<semaphore_mem>>)
    %dma_wait3A_146 = arith.constant 123 : i32
    %dma_wait3A_147 = arith.constant 3 : i32
    %dma_wait3A_148 = arith.constant 0 : i32
    %dma_wait3A_149 = arith.constant 0 : i32
    %dma_wait3A_150 = tpu.memref_slice %arg6[%dma_wait3A_147, %dma_wait3A_148, %dma_wait3A_149] : memref<5x40x128xf32, #tpu.memory_space<vmem>> -> memref<1x40x128xf32, #tpu.memory_space<vmem>>
    %dma_wait3A_151 = tpu.memref_squeeze %dma_wait3A_150 : memref<1x40x128xf32, #tpu.memory_space<vmem>> -> memref<40x128xf32, #tpu.memory_space<vmem>>
    %dma_wait3A_152 = arith.constant 0 : i32
    %dma_wait3A_153 = tpu.memref_slice %arg5[%dma_wait3A_146, %dma_wait3A_152] : memref<125x40xi32, #tpu.memory_space<vmem>> -> memref<1x40xi32, #tpu.memory_space<vmem>>
    %dma_wait3A_154 = tpu.memref_squeeze %dma_wait3A_153 : memref<1x40xi32, #tpu.memory_space<vmem>> -> memref<40xi32, #tpu.memory_space<vmem>>
    %dma_wait3A_155 = arith.constant 0 : i32
    %dma_wait3A_156 = arith.constant 0 : i32
    %dma_wait3A_157 = tpu.memref_slice %arg2[%dma_wait3A_155, %dma_wait3A_156] : memref<10000x128xf32, #tpu.memory_space<hbm>> -> memref<10000x128xf32, #tpu.memory_space<hbm>>
    tpu.wait_indirect_dma semaphore(%arg10 : memref<!tpu.dma_semaphore, #tpu.memory_space<semaphore_mem>>) src(%dma_wait3A_157 : memref<10000x128xf32, #tpu.memory_space<hbm>>) dst(%dma_wait3A_151 : memref<40x128xf32, #tpu.memory_space<vmem>>)
    %add3A_158 = arith.constant 4920 : i32
    %add3A_159 = arith.addi %mul3A_2, %add3A_158 : i32
    %dma_start3A_160 = arith.constant 3 : i32
    %dma_start3A_161 = arith.constant 0 : i32
    %dma_start3A_162 = arith.constant 0 : i32
    %dma_start3A_163 = tpu.memref_slice %arg6[%dma_start3A_160, %dma_start3A_161, %dma_start3A_162] : memref<5x40x128xf32, #tpu.memory_space<vmem>> -> memref<1x40x128xf32, #tpu.memory_space<vmem>>
    %dma_start3A_164 = tpu.memref_squeeze %dma_start3A_163 : memref<1x40x128xf32, #tpu.memory_space<vmem>> -> memref<40x128xf32, #tpu.memory_space<vmem>>
    %dma_start3A_165 = arith.constant 0 : i32
    %dma_start3A_166 = tpu.memref_slice %arg4[%add3A_159, %dma_start3A_165] : memref<160000x128xf32, #tpu.memory_space<hbm>> -> memref<40x128xf32, #tpu.memory_space<hbm>>
    %dma_start3A_167 = arith.constant 0 : i32
    %dma_start3A_168 = tpu.memref_slice %arg4[%add3A_159, %dma_start3A_167] : memref<160000x128xf32, #tpu.memory_space<hbm>> -> memref<40x128xf32, #tpu.memory_space<hbm>>
    %dma_start3A_169 = arith.constant 0 : i32
    %dma_start3A_170 = arith.constant 0 : i32
    %dma_start3A_171 = tpu.memref_slice %arg6[%dma_start3A_160, %dma_start3A_169, %dma_start3A_170] : memref<5x40x128xf32, #tpu.memory_space<vmem>> -> memref<1x40x128xf32, #tpu.memory_space<vmem>>
    %dma_start3A_172 = tpu.memref_squeeze %dma_start3A_171 : memref<1x40x128xf32, #tpu.memory_space<vmem>> -> memref<40x128xf32, #tpu.memory_space<vmem>>
    tpu.enqueue_dma source(%dma_start3A_172 : memref<40x128xf32, #tpu.memory_space<vmem>>) target(%dma_start3A_168 : memref<40x128xf32, #tpu.memory_space<hbm>>) target_semaphore(%arg15 : memref<!tpu.dma_semaphore, #tpu.memory_space<semaphore_mem>>)
    %dma_wait3A_173 = arith.constant 124 : i32
    %dma_wait3A_174 = arith.constant 4 : i32
    %dma_wait3A_175 = arith.constant 0 : i32
    %dma_wait3A_176 = arith.constant 0 : i32
    %dma_wait3A_177 = tpu.memref_slice %arg6[%dma_wait3A_174, %dma_wait3A_175, %dma_wait3A_176] : memref<5x40x128xf32, #tpu.memory_space<vmem>> -> memref<1x40x128xf32, #tpu.memory_space<vmem>>
    %dma_wait3A_178 = tpu.memref_squeeze %dma_wait3A_177 : memref<1x40x128xf32, #tpu.memory_space<vmem>> -> memref<40x128xf32, #tpu.memory_space<vmem>>
    %dma_wait3A_179 = arith.constant 0 : i32
    %dma_wait3A_180 = tpu.memref_slice %arg5[%dma_wait3A_173, %dma_wait3A_179] : memref<125x40xi32, #tpu.memory_space<vmem>> -> memref<1x40xi32, #tpu.memory_space<vmem>>
    %dma_wait3A_181 = tpu.memref_squeeze %dma_wait3A_180 : memref<1x40xi32, #tpu.memory_space<vmem>> -> memref<40xi32, #tpu.memory_space<vmem>>
    %dma_wait3A_182 = arith.constant 0 : i32
    %dma_wait3A_183 = arith.constant 0 : i32
    %dma_wait3A_184 = tpu.memref_slice %arg2[%dma_wait3A_182, %dma_wait3A_183] : memref<10000x128xf32, #tpu.memory_space<hbm>> -> memref<10000x128xf32, #tpu.memory_space<hbm>>
    tpu.wait_indirect_dma semaphore(%arg11 : memref<!tpu.dma_semaphore, #tpu.memory_space<semaphore_mem>>) src(%dma_wait3A_184 : memref<10000x128xf32, #tpu.memory_space<hbm>>) dst(%dma_wait3A_178 : memref<40x128xf32, #tpu.memory_space<vmem>>)
    %add3A_185 = arith.constant 4960 : i32
    %add3A_186 = arith.addi %mul3A_2, %add3A_185 : i32
    %dma_start3A_187 = arith.constant 4 : i32
    %dma_start3A_188 = arith.constant 0 : i32
    %dma_start3A_189 = arith.constant 0 : i32
    %dma_start3A_190 = tpu.memref_slice %arg6[%dma_start3A_187, %dma_start3A_188, %dma_start3A_189] : memref<5x40x128xf32, #tpu.memory_space<vmem>> -> memref<1x40x128xf32, #tpu.memory_space<vmem>>
    %dma_start3A_191 = tpu.memref_squeeze %dma_start3A_190 : memref<1x40x128xf32, #tpu.memory_space<vmem>> -> memref<40x128xf32, #tpu.memory_space<vmem>>
    %dma_start3A_192 = arith.constant 0 : i32
    %dma_start3A_193 = tpu.memref_slice %arg4[%add3A_186, %dma_start3A_192] : memref<160000x128xf32, #tpu.memory_space<hbm>> -> memref<40x128xf32, #tpu.memory_space<hbm>>
    %dma_start3A_194 = arith.constant 0 : i32
    %dma_start3A_195 = tpu.memref_slice %arg4[%add3A_186, %dma_start3A_194] : memref<160000x128xf32, #tpu.memory_space<hbm>> -> memref<40x128xf32, #tpu.memory_space<hbm>>
    %dma_start3A_196 = arith.constant 0 : i32
    %dma_start3A_197 = arith.constant 0 : i32
    %dma_start3A_198 = tpu.memref_slice %arg6[%dma_start3A_187, %dma_start3A_196, %dma_start3A_197] : memref<5x40x128xf32, #tpu.memory_space<vmem>> -> memref<1x40x128xf32, #tpu.memory_space<vmem>>
    %dma_start3A_199 = tpu.memref_squeeze %dma_start3A_198 : memref<1x40x128xf32, #tpu.memory_space<vmem>> -> memref<40x128xf32, #tpu.memory_space<vmem>>
    tpu.enqueue_dma source(%dma_start3A_199 : memref<40x128xf32, #tpu.memory_space<vmem>>) target(%dma_start3A_195 : memref<40x128xf32, #tpu.memory_space<hbm>>) target_semaphore(%arg16 : memref<!tpu.dma_semaphore, #tpu.memory_space<semaphore_mem>>)
    %add3A_200 = arith.constant 4800 : i32
    %add3A_201 = arith.addi %mul3A_2, %add3A_200 : i32
    %dma_wait3A_202 = arith.constant 0 : i32
    %dma_wait3A_203 = arith.constant 0 : i32
    %dma_wait3A_204 = arith.constant 0 : i32
    %dma_wait3A_205 = tpu.memref_slice %arg6[%dma_wait3A_202, %dma_wait3A_203, %dma_wait3A_204] : memref<5x40x128xf32, #tpu.memory_space<vmem>> -> memref<1x40x128xf32, #tpu.memory_space<vmem>>
    %dma_wait3A_206 = tpu.memref_squeeze %dma_wait3A_205 : memref<1x40x128xf32, #tpu.memory_space<vmem>> -> memref<40x128xf32, #tpu.memory_space<vmem>>
    %dma_wait3A_207 = arith.constant 0 : i32
    %dma_wait3A_208 = tpu.memref_slice %arg4[%add3A_201, %dma_wait3A_207] : memref<160000x128xf32, #tpu.memory_space<hbm>> -> memref<40x128xf32, #tpu.memory_space<hbm>>
    %dma_wait3A_209 = arith.constant 0 : i32
    %dma_wait3A_210 = tpu.memref_slice %arg4[%add3A_201, %dma_wait3A_209] : memref<160000x128xf32, #tpu.memory_space<hbm>> -> memref<40x128xf32, #tpu.memory_space<hbm>>
    %dma_wait3A_211 = arith.constant 0 : i32
    %dma_wait3A_212 = arith.constant 0 : i32
    %dma_wait3A_213 = tpu.memref_slice %arg6[%dma_wait3A_202, %dma_wait3A_211, %dma_wait3A_212] : memref<5x40x128xf32, #tpu.memory_space<vmem>> -> memref<1x40x128xf32, #tpu.memory_space<vmem>>
    %dma_wait3A_214 = tpu.memref_squeeze %dma_wait3A_213 : memref<1x40x128xf32, #tpu.memory_space<vmem>> -> memref<40x128xf32, #tpu.memory_space<vmem>>
    tpu.wait_dma2 semaphore(%arg12 : memref<!tpu.dma_semaphore, #tpu.memory_space<semaphore_mem>>) src(%dma_wait3A_214 : memref<40x128xf32, #tpu.memory_space<vmem>>) dst(%dma_wait3A_210 : memref<40x128xf32, #tpu.memory_space<hbm>>)
    %add3A_215 = arith.constant 4840 : i32
    %add3A_216 = arith.addi %mul3A_2, %add3A_215 : i32
    %dma_wait3A_217 = arith.constant 1 : i32
    %dma_wait3A_218 = arith.constant 0 : i32
    %dma_wait3A_219 = arith.constant 0 : i32
    %dma_wait3A_220 = tpu.memref_slice %arg6[%dma_wait3A_217, %dma_wait3A_218, %dma_wait3A_219] : memref<5x40x128xf32, #tpu.memory_space<vmem>> -> memref<1x40x128xf32, #tpu.memory_space<vmem>>
    %dma_wait3A_221 = tpu.memref_squeeze %dma_wait3A_220 : memref<1x40x128xf32, #tpu.memory_space<vmem>> -> memref<40x128xf32, #tpu.memory_space<vmem>>
    %dma_wait3A_222 = arith.constant 0 : i32
    %dma_wait3A_223 = tpu.memref_slice %arg4[%add3A_216, %dma_wait3A_222] : memref<160000x128xf32, #tpu.memory_space<hbm>> -> memref<40x128xf32, #tpu.memory_space<hbm>>
    %dma_wait3A_224 = arith.constant 0 : i32
    %dma_wait3A_225 = tpu.memref_slice %arg4[%add3A_216, %dma_wait3A_224] : memref<160000x128xf32, #tpu.memory_space<hbm>> -> memref<40x128xf32, #tpu.memory_space<hbm>>
    %dma_wait3A_226 = arith.constant 0 : i32
    %dma_wait3A_227 = arith.constant 0 : i32
    %dma_wait3A_228 = tpu.memref_slice %arg6[%dma_wait3A_217, %dma_wait3A_226, %dma_wait3A_227] : memref<5x40x128xf32, #tpu.memory_space<vmem>> -> memref<1x40x128xf32, #tpu.memory_space<vmem>>
    %dma_wait3A_229 = tpu.memref_squeeze %dma_wait3A_228 : memref<1x40x128xf32, #tpu.memory_space<vmem>> -> memref<40x128xf32, #tpu.memory_space<vmem>>
    tpu.wait_dma2 semaphore(%arg13 : memref<!tpu.dma_semaphore, #tpu.memory_space<semaphore_mem>>) src(%dma_wait3A_229 : memref<40x128xf32, #tpu.memory_space<vmem>>) dst(%dma_wait3A_225 : memref<40x128xf32, #tpu.memory_space<hbm>>)
    %add3A_230 = arith.constant 4880 : i32
    %add3A_231 = arith.addi %mul3A_2, %add3A_230 : i32
    %dma_wait3A_232 = arith.constant 2 : i32
    %dma_wait3A_233 = arith.constant 0 : i32
    %dma_wait3A_234 = arith.constant 0 : i32
    %dma_wait3A_235 = tpu.memref_slice %arg6[%dma_wait3A_232, %dma_wait3A_233, %dma_wait3A_234] : memref<5x40x128xf32, #tpu.memory_space<vmem>> -> memref<1x40x128xf32, #tpu.memory_space<vmem>>
    %dma_wait3A_236 = tpu.memref_squeeze %dma_wait3A_235 : memref<1x40x128xf32, #tpu.memory_space<vmem>> -> memref<40x128xf32, #tpu.memory_space<vmem>>
    %dma_wait3A_237 = arith.constant 0 : i32
    %dma_wait3A_238 = tpu.memref_slice %arg4[%add3A_231, %dma_wait3A_237] : memref<160000x128xf32, #tpu.memory_space<hbm>> -> memref<40x128xf32, #tpu.memory_space<hbm>>
    %dma_wait3A_239 = arith.constant 0 : i32
    %dma_wait3A_240 = tpu.memref_slice %arg4[%add3A_231, %dma_wait3A_239] : memref<160000x128xf32, #tpu.memory_space<hbm>> -> memref<40x128xf32, #tpu.memory_space<hbm>>
    %dma_wait3A_241 = arith.constant 0 : i32
    %dma_wait3A_242 = arith.constant 0 : i32
    %dma_wait3A_243 = tpu.memref_slice %arg6[%dma_wait3A_232, %dma_wait3A_241, %dma_wait3A_242] : memref<5x40x128xf32, #tpu.memory_space<vmem>> -> memref<1x40x128xf32, #tpu.memory_space<vmem>>
    %dma_wait3A_244 = tpu.memref_squeeze %dma_wait3A_243 : memref<1x40x128xf32, #tpu.memory_space<vmem>> -> memref<40x128xf32, #tpu.memory_space<vmem>>
    tpu.wait_dma2 semaphore(%arg14 : memref<!tpu.dma_semaphore, #tpu.memory_space<semaphore_mem>>) src(%dma_wait3A_244 : memref<40x128xf32, #tpu.memory_space<vmem>>) dst(%dma_wait3A_240 : memref<40x128xf32, #tpu.memory_space<hbm>>)
    %add3A_245 = arith.constant 4920 : i32
    %add3A_246 = arith.addi %mul3A_2, %add3A_245 : i32
    %dma_wait3A_247 = arith.constant 3 : i32
    %dma_wait3A_248 = arith.constant 0 : i32
    %dma_wait3A_249 = arith.constant 0 : i32
    %dma_wait3A_250 = tpu.memref_slice %arg6[%dma_wait3A_247, %dma_wait3A_248, %dma_wait3A_249] : memref<5x40x128xf32, #tpu.memory_space<vmem>> -> memref<1x40x128xf32, #tpu.memory_space<vmem>>
    %dma_wait3A_251 = tpu.memref_squeeze %dma_wait3A_250 : memref<1x40x128xf32, #tpu.memory_space<vmem>> -> memref<40x128xf32, #tpu.memory_space<vmem>>
    %dma_wait3A_252 = arith.constant 0 : i32
    %dma_wait3A_253 = tpu.memref_slice %arg4[%add3A_246, %dma_wait3A_252] : memref<160000x128xf32, #tpu.memory_space<hbm>> -> memref<40x128xf32, #tpu.memory_space<hbm>>
    %dma_wait3A_254 = arith.constant 0 : i32
    %dma_wait3A_255 = tpu.memref_slice %arg4[%add3A_246, %dma_wait3A_254] : memref<160000x128xf32, #tpu.memory_space<hbm>> -> memref<40x128xf32, #tpu.memory_space<hbm>>
    %dma_wait3A_256 = arith.constant 0 : i32
    %dma_wait3A_257 = arith.constant 0 : i32
    %dma_wait3A_258 = tpu.memref_slice %arg6[%dma_wait3A_247, %dma_wait3A_256, %dma_wait3A_257] : memref<5x40x128xf32, #tpu.memory_space<vmem>> -> memref<1x40x128xf32, #tpu.memory_space<vmem>>
    %dma_wait3A_259 = tpu.memref_squeeze %dma_wait3A_258 : memref<1x40x128xf32, #tpu.memory_space<vmem>> -> memref<40x128xf32, #tpu.memory_space<vmem>>
    tpu.wait_dma2 semaphore(%arg15 : memref<!tpu.dma_semaphore, #tpu.memory_space<semaphore_mem>>) src(%dma_wait3A_259 : memref<40x128xf32, #tpu.memory_space<vmem>>) dst(%dma_wait3A_255 : memref<40x128xf32, #tpu.memory_space<hbm>>)
    %add3A_260 = arith.constant 4960 : i32
    %add3A_261 = arith.addi %mul3A_2, %add3A_260 : i32
    %dma_wait3A_262 = arith.constant 4 : i32
    %dma_wait3A_263 = arith.constant 0 : i32
    %dma_wait3A_264 = arith.constant 0 : i32
    %dma_wait3A_265 = tpu.memref_slice %arg6[%dma_wait3A_262, %dma_wait3A_263, %dma_wait3A_264] : memref<5x40x128xf32, #tpu.memory_space<vmem>> -> memref<1x40x128xf32, #tpu.memory_space<vmem>>
    %dma_wait3A_266 = tpu.memref_squeeze %dma_wait3A_265 : memref<1x40x128xf32, #tpu.memory_space<vmem>> -> memref<40x128xf32, #tpu.memory_space<vmem>>
    %dma_wait3A_267 = arith.constant 0 : i32
    %dma_wait3A_268 = tpu.memref_slice %arg4[%add3A_261, %dma_wait3A_267] : memref<160000x128xf32, #tpu.memory_space<hbm>> -> memref<40x128xf32, #tpu.memory_space<hbm>>
    %dma_wait3A_269 = arith.constant 0 : i32
    %dma_wait3A_270 = tpu.memref_slice %arg4[%add3A_261, %dma_wait3A_269] : memref<160000x128xf32, #tpu.memory_space<hbm>> -> memref<40x128xf32, #tpu.memory_space<hbm>>
    %dma_wait3A_271 = arith.constant 0 : i32
    %dma_wait3A_272 = arith.constant 0 : i32
    %dma_wait3A_273 = tpu.memref_slice %arg6[%dma_wait3A_262, %dma_wait3A_271, %dma_wait3A_272] : memref<5x40x128xf32, #tpu.memory_space<vmem>> -> memref<1x40x128xf32, #tpu.memory_space<vmem>>
    %dma_wait3A_274 = tpu.memref_squeeze %dma_wait3A_273 : memref<1x40x128xf32, #tpu.memory_space<vmem>> -> memref<40x128xf32, #tpu.memory_space<vmem>>
    tpu.wait_dma2 semaphore(%arg16 : memref<!tpu.dma_semaphore, #tpu.memory_space<semaphore_mem>>) src(%dma_wait3A_274 : memref<40x128xf32, #tpu.memory_space<vmem>>) dst(%dma_wait3A_270 : memref<40x128xf32, #tpu.memory_space<hbm>>)
    return
  }
}

#map = affine_map<(d0, d1) -> (0, 0)>
#map1 = affine_map<(d0, d1) -> (0, 0, 0)>
module attributes {stable_mosaic.version = 14 : i64} {
  func.func @sc_scatter(%arg0: i32, %arg1: i32, %arg2: memref<160000x128xf32, #tpu.memory_space<hbm>>, %arg3: memref<32x125x40xi32, #tpu.memory_space<hbm>>, %arg4: memref<10240x128xf32, #tpu.memory_space<hbm>>, %arg5: memref<2x10240x128xf32, #tpu.memory_space<hbm>>, %arg6: memref<125x40xi32, #tpu.memory_space<vmem>>, %arg7: memref<5x40x128xf32, #tpu.memory_space<vmem>>, %arg8: memref<10240x128xf32, #tpu.memory_space<vmem_shared>>, %arg9: memref<!tpu.dma_semaphore, #tpu.memory_space<semaphore_mem>>, %arg10: memref<!tpu.dma_semaphore, #tpu.memory_space<semaphore_mem>>, %arg11: memref<!tpu.dma_semaphore, #tpu.memory_space<semaphore_mem>>, %arg12: memref<!tpu.dma_semaphore, #tpu.memory_space<semaphore_mem>>, %arg13: memref<!tpu.dma_semaphore, #tpu.memory_space<semaphore_mem>>, %arg14: memref<!tpu.dma_semaphore, #tpu.memory_space<semaphore_mem>>, %arg15: memref<!tpu.dma_semaphore, #tpu.memory_space<semaphore_mem>>, %arg16: memref<!tpu.dma_semaphore, #tpu.memory_space<semaphore_mem>>, %arg17: memref<!tpu.dma_semaphore, #tpu.memory_space<semaphore_mem>>, %arg18: memref<!tpu.dma_semaphore, #tpu.memory_space<semaphore_mem>>) attributes {dimension_semantics = [#tpu.dimension_semantics<core_parallel>, #tpu.dimension_semantics<subcore_parallel>], iteration_bounds = array<i64: 2, 16>, scalar_prefetch = 0 : i64, scratch_operands = 13 : i64, tpu.core_type = #tpu.core_type<sc_vector_subcore>, window_params = [{transform_indices = #map}, {transform_indices = #map1}, {transform_indices = #map}, {transform_indices = #map1}]} {
    %mul3A = arith.constant 2 : i32
    %mul3A_0 = arith.muli %arg1, %mul3A : i32
    %add3A = arith.addi %mul3A_0, %arg0 : i32
    %mul3A_1 = arith.constant 5000 : i32
    %mul3A_2 = arith.muli %add3A, %mul3A_1 : i32
    %mul3A_3 = arith.constant 640 : i32
    %mul3A_4 = arith.muli %arg1, %mul3A_3 : i32
    %mul3A_5 = arith.constant 640 : i32
    %mul3A_6 = arith.muli %arg1, %mul3A_5 : i32
    "tpu.region"() ({
      %run_scoped3A = tpu.sem_alloc : memref<!tpu.dma_semaphore, #tpu.memory_space<semaphore_mem>>
      %dma_start3A_284 = arith.constant 0 : i32
      %dma_start3A_285 = tpu.memref_slice %arg8[%mul3A_6, %dma_start3A_284] : memref<10240x128xf32, #tpu.memory_space<vmem_shared>> -> memref<640x128xf32, #tpu.memory_space<vmem_shared>>
      %dma_start3A_286 = arith.constant 0 : i32
      %dma_start3A_287 = tpu.memref_slice %arg4[%mul3A_4, %dma_start3A_286] : memref<10240x128xf32, #tpu.memory_space<hbm>> -> memref<640x128xf32, #tpu.memory_space<hbm>>
      tpu.enqueue_dma source(%dma_start3A_287 : memref<640x128xf32, #tpu.memory_space<hbm>>) target(%dma_start3A_285 : memref<640x128xf32, #tpu.memory_space<vmem_shared>>) target_semaphore(%run_scoped3A : memref<!tpu.dma_semaphore, #tpu.memory_space<semaphore_mem>>)
      %dma_wait3A_288 = arith.constant 0 : i32
      %dma_wait3A_289 = tpu.memref_slice %arg8[%mul3A_6, %dma_wait3A_288] : memref<10240x128xf32, #tpu.memory_space<vmem_shared>> -> memref<640x128xf32, #tpu.memory_space<vmem_shared>>
      %dma_wait3A_290 = arith.constant 0 : i32
      %dma_wait3A_291 = tpu.memref_slice %arg4[%mul3A_4, %dma_wait3A_290] : memref<10240x128xf32, #tpu.memory_space<hbm>> -> memref<640x128xf32, #tpu.memory_space<hbm>>
      tpu.wait_dma2 semaphore(%run_scoped3A : memref<!tpu.dma_semaphore, #tpu.memory_space<semaphore_mem>>) src(%dma_wait3A_291 : memref<640x128xf32, #tpu.memory_space<hbm>>) dst(%dma_wait3A_289 : memref<640x128xf32, #tpu.memory_space<vmem_shared>>)
      tpu.yield
    }) : () -> ()
    %barrier3A = arith.constant 0 : index
    tpu.barrier barrier_id(%barrier3A)
    "tpu.region"() ({
      %run_scoped3A = tpu.sem_alloc : memref<!tpu.dma_semaphore, #tpu.memory_space<semaphore_mem>>
      %dma_start3A_284 = arith.constant 0 : i32
      %dma_start3A_285 = arith.constant 0 : i32
      %dma_start3A_286 = tpu.memref_slice %arg3[%add3A, %dma_start3A_284, %dma_start3A_285] : memref<32x125x40xi32, #tpu.memory_space<hbm>> -> memref<1x125x40xi32, #tpu.memory_space<hbm>>
      %dma_start3A_287 = tpu.memref_squeeze %dma_start3A_286 : memref<1x125x40xi32, #tpu.memory_space<hbm>> -> memref<125x40xi32, #tpu.memory_space<hbm>>
      %dma_start3A_288 = arith.constant 0 : i32
      %dma_start3A_289 = arith.constant 0 : i32
      %dma_start3A_290 = tpu.memref_slice %arg3[%add3A, %dma_start3A_288, %dma_start3A_289] : memref<32x125x40xi32, #tpu.memory_space<hbm>> -> memref<1x125x40xi32, #tpu.memory_space<hbm>>
      %dma_start3A_291 = tpu.memref_squeeze %dma_start3A_290 : memref<1x125x40xi32, #tpu.memory_space<hbm>> -> memref<125x40xi32, #tpu.memory_space<hbm>>
      tpu.enqueue_dma source(%dma_start3A_291 : memref<125x40xi32, #tpu.memory_space<hbm>>) target(%arg6 : memref<125x40xi32, #tpu.memory_space<vmem>>) target_semaphore(%run_scoped3A : memref<!tpu.dma_semaphore, #tpu.memory_space<semaphore_mem>>)
      %dma_wait3A_292 = arith.constant 0 : i32
      %dma_wait3A_293 = arith.constant 0 : i32
      %dma_wait3A_294 = tpu.memref_slice %arg3[%add3A, %dma_wait3A_292, %dma_wait3A_293] : memref<32x125x40xi32, #tpu.memory_space<hbm>> -> memref<1x125x40xi32, #tpu.memory_space<hbm>>
      %dma_wait3A_295 = tpu.memref_squeeze %dma_wait3A_294 : memref<1x125x40xi32, #tpu.memory_space<hbm>> -> memref<125x40xi32, #tpu.memory_space<hbm>>
      %dma_wait3A_296 = arith.constant 0 : i32
      %dma_wait3A_297 = arith.constant 0 : i32
      %dma_wait3A_298 = tpu.memref_slice %arg3[%add3A, %dma_wait3A_296, %dma_wait3A_297] : memref<32x125x40xi32, #tpu.memory_space<hbm>> -> memref<1x125x40xi32, #tpu.memory_space<hbm>>
      %dma_wait3A_299 = tpu.memref_squeeze %dma_wait3A_298 : memref<1x125x40xi32, #tpu.memory_space<hbm>> -> memref<125x40xi32, #tpu.memory_space<hbm>>
      tpu.wait_dma2 semaphore(%run_scoped3A : memref<!tpu.dma_semaphore, #tpu.memory_space<semaphore_mem>>) src(%dma_wait3A_299 : memref<125x40xi32, #tpu.memory_space<hbm>>) dst(%arg6 : memref<125x40xi32, #tpu.memory_space<vmem>>)
      tpu.yield
    }) : () -> ()
    %add3A_7 = arith.constant 0 : i32
    %add3A_8 = arith.addi %mul3A_2, %add3A_7 : i32
    %dma_start3A = arith.constant 0 : i32
    %dma_start3A_9 = arith.constant 0 : i32
    %dma_start3A_10 = arith.constant 0 : i32
    %dma_start3A_11 = tpu.memref_slice %arg7[%dma_start3A, %dma_start3A_9, %dma_start3A_10] : memref<5x40x128xf32, #tpu.memory_space<vmem>> -> memref<1x40x128xf32, #tpu.memory_space<vmem>>
    %dma_start3A_12 = tpu.memref_squeeze %dma_start3A_11 : memref<1x40x128xf32, #tpu.memory_space<vmem>> -> memref<40x128xf32, #tpu.memory_space<vmem>>
    %dma_start3A_13 = arith.constant 0 : i32
    %dma_start3A_14 = tpu.memref_slice %arg2[%add3A_8, %dma_start3A_13] : memref<160000x128xf32, #tpu.memory_space<hbm>> -> memref<40x128xf32, #tpu.memory_space<hbm>>
    %dma_start3A_15 = arith.constant 0 : i32
    %dma_start3A_16 = arith.constant 0 : i32
    %dma_start3A_17 = tpu.memref_slice %arg7[%dma_start3A, %dma_start3A_15, %dma_start3A_16] : memref<5x40x128xf32, #tpu.memory_space<vmem>> -> memref<1x40x128xf32, #tpu.memory_space<vmem>>
    %dma_start3A_18 = tpu.memref_squeeze %dma_start3A_17 : memref<1x40x128xf32, #tpu.memory_space<vmem>> -> memref<40x128xf32, #tpu.memory_space<vmem>>
    %dma_start3A_19 = arith.constant 0 : i32
    %dma_start3A_20 = tpu.memref_slice %arg2[%add3A_8, %dma_start3A_19] : memref<160000x128xf32, #tpu.memory_space<hbm>> -> memref<40x128xf32, #tpu.memory_space<hbm>>
    tpu.enqueue_dma source(%dma_start3A_20 : memref<40x128xf32, #tpu.memory_space<hbm>>) target(%dma_start3A_18 : memref<40x128xf32, #tpu.memory_space<vmem>>) target_semaphore(%arg9 : memref<!tpu.dma_semaphore, #tpu.memory_space<semaphore_mem>>)
    %add3A_21 = arith.constant 40 : i32
    %add3A_22 = arith.addi %mul3A_2, %add3A_21 : i32
    %dma_start3A_23 = arith.constant 1 : i32
    %dma_start3A_24 = arith.constant 0 : i32
    %dma_start3A_25 = arith.constant 0 : i32
    %dma_start3A_26 = tpu.memref_slice %arg7[%dma_start3A_23, %dma_start3A_24, %dma_start3A_25] : memref<5x40x128xf32, #tpu.memory_space<vmem>> -> memref<1x40x128xf32, #tpu.memory_space<vmem>>
    %dma_start3A_27 = tpu.memref_squeeze %dma_start3A_26 : memref<1x40x128xf32, #tpu.memory_space<vmem>> -> memref<40x128xf32, #tpu.memory_space<vmem>>
    %dma_start3A_28 = arith.constant 0 : i32
    %dma_start3A_29 = tpu.memref_slice %arg2[%add3A_22, %dma_start3A_28] : memref<160000x128xf32, #tpu.memory_space<hbm>> -> memref<40x128xf32, #tpu.memory_space<hbm>>
    %dma_start3A_30 = arith.constant 0 : i32
    %dma_start3A_31 = arith.constant 0 : i32
    %dma_start3A_32 = tpu.memref_slice %arg7[%dma_start3A_23, %dma_start3A_30, %dma_start3A_31] : memref<5x40x128xf32, #tpu.memory_space<vmem>> -> memref<1x40x128xf32, #tpu.memory_space<vmem>>
    %dma_start3A_33 = tpu.memref_squeeze %dma_start3A_32 : memref<1x40x128xf32, #tpu.memory_space<vmem>> -> memref<40x128xf32, #tpu.memory_space<vmem>>
    %dma_start3A_34 = arith.constant 0 : i32
    %dma_start3A_35 = tpu.memref_slice %arg2[%add3A_22, %dma_start3A_34] : memref<160000x128xf32, #tpu.memory_space<hbm>> -> memref<40x128xf32, #tpu.memory_space<hbm>>
    tpu.enqueue_dma source(%dma_start3A_35 : memref<40x128xf32, #tpu.memory_space<hbm>>) target(%dma_start3A_33 : memref<40x128xf32, #tpu.memory_space<vmem>>) target_semaphore(%arg10 : memref<!tpu.dma_semaphore, #tpu.memory_space<semaphore_mem>>)
    %add3A_36 = arith.constant 80 : i32
    %add3A_37 = arith.addi %mul3A_2, %add3A_36 : i32
    %dma_start3A_38 = arith.constant 2 : i32
    %dma_start3A_39 = arith.constant 0 : i32
    %dma_start3A_40 = arith.constant 0 : i32
    %dma_start3A_41 = tpu.memref_slice %arg7[%dma_start3A_38, %dma_start3A_39, %dma_start3A_40] : memref<5x40x128xf32, #tpu.memory_space<vmem>> -> memref<1x40x128xf32, #tpu.memory_space<vmem>>
    %dma_start3A_42 = tpu.memref_squeeze %dma_start3A_41 : memref<1x40x128xf32, #tpu.memory_space<vmem>> -> memref<40x128xf32, #tpu.memory_space<vmem>>
    %dma_start3A_43 = arith.constant 0 : i32
    %dma_start3A_44 = tpu.memref_slice %arg2[%add3A_37, %dma_start3A_43] : memref<160000x128xf32, #tpu.memory_space<hbm>> -> memref<40x128xf32, #tpu.memory_space<hbm>>
    %dma_start3A_45 = arith.constant 0 : i32
    %dma_start3A_46 = arith.constant 0 : i32
    %dma_start3A_47 = tpu.memref_slice %arg7[%dma_start3A_38, %dma_start3A_45, %dma_start3A_46] : memref<5x40x128xf32, #tpu.memory_space<vmem>> -> memref<1x40x128xf32, #tpu.memory_space<vmem>>
    %dma_start3A_48 = tpu.memref_squeeze %dma_start3A_47 : memref<1x40x128xf32, #tpu.memory_space<vmem>> -> memref<40x128xf32, #tpu.memory_space<vmem>>
    %dma_start3A_49 = arith.constant 0 : i32
    %dma_start3A_50 = tpu.memref_slice %arg2[%add3A_37, %dma_start3A_49] : memref<160000x128xf32, #tpu.memory_space<hbm>> -> memref<40x128xf32, #tpu.memory_space<hbm>>
    tpu.enqueue_dma source(%dma_start3A_50 : memref<40x128xf32, #tpu.memory_space<hbm>>) target(%dma_start3A_48 : memref<40x128xf32, #tpu.memory_space<vmem>>) target_semaphore(%arg11 : memref<!tpu.dma_semaphore, #tpu.memory_space<semaphore_mem>>)
    %add3A_51 = arith.constant 120 : i32
    %add3A_52 = arith.addi %mul3A_2, %add3A_51 : i32
    %dma_start3A_53 = arith.constant 3 : i32
    %dma_start3A_54 = arith.constant 0 : i32
    %dma_start3A_55 = arith.constant 0 : i32
    %dma_start3A_56 = tpu.memref_slice %arg7[%dma_start3A_53, %dma_start3A_54, %dma_start3A_55] : memref<5x40x128xf32, #tpu.memory_space<vmem>> -> memref<1x40x128xf32, #tpu.memory_space<vmem>>
    %dma_start3A_57 = tpu.memref_squeeze %dma_start3A_56 : memref<1x40x128xf32, #tpu.memory_space<vmem>> -> memref<40x128xf32, #tpu.memory_space<vmem>>
    %dma_start3A_58 = arith.constant 0 : i32
    %dma_start3A_59 = tpu.memref_slice %arg2[%add3A_52, %dma_start3A_58] : memref<160000x128xf32, #tpu.memory_space<hbm>> -> memref<40x128xf32, #tpu.memory_space<hbm>>
    %dma_start3A_60 = arith.constant 0 : i32
    %dma_start3A_61 = arith.constant 0 : i32
    %dma_start3A_62 = tpu.memref_slice %arg7[%dma_start3A_53, %dma_start3A_60, %dma_start3A_61] : memref<5x40x128xf32, #tpu.memory_space<vmem>> -> memref<1x40x128xf32, #tpu.memory_space<vmem>>
    %dma_start3A_63 = tpu.memref_squeeze %dma_start3A_62 : memref<1x40x128xf32, #tpu.memory_space<vmem>> -> memref<40x128xf32, #tpu.memory_space<vmem>>
    %dma_start3A_64 = arith.constant 0 : i32
    %dma_start3A_65 = tpu.memref_slice %arg2[%add3A_52, %dma_start3A_64] : memref<160000x128xf32, #tpu.memory_space<hbm>> -> memref<40x128xf32, #tpu.memory_space<hbm>>
    tpu.enqueue_dma source(%dma_start3A_65 : memref<40x128xf32, #tpu.memory_space<hbm>>) target(%dma_start3A_63 : memref<40x128xf32, #tpu.memory_space<vmem>>) target_semaphore(%arg12 : memref<!tpu.dma_semaphore, #tpu.memory_space<semaphore_mem>>)
    %add3A_66 = arith.constant 160 : i32
    %add3A_67 = arith.addi %mul3A_2, %add3A_66 : i32
    %dma_start3A_68 = arith.constant 4 : i32
    %dma_start3A_69 = arith.constant 0 : i32
    %dma_start3A_70 = arith.constant 0 : i32
    %dma_start3A_71 = tpu.memref_slice %arg7[%dma_start3A_68, %dma_start3A_69, %dma_start3A_70] : memref<5x40x128xf32, #tpu.memory_space<vmem>> -> memref<1x40x128xf32, #tpu.memory_space<vmem>>
    %dma_start3A_72 = tpu.memref_squeeze %dma_start3A_71 : memref<1x40x128xf32, #tpu.memory_space<vmem>> -> memref<40x128xf32, #tpu.memory_space<vmem>>
    %dma_start3A_73 = arith.constant 0 : i32
    %dma_start3A_74 = tpu.memref_slice %arg2[%add3A_67, %dma_start3A_73] : memref<160000x128xf32, #tpu.memory_space<hbm>> -> memref<40x128xf32, #tpu.memory_space<hbm>>
    %dma_start3A_75 = arith.constant 0 : i32
    %dma_start3A_76 = arith.constant 0 : i32
    %dma_start3A_77 = tpu.memref_slice %arg7[%dma_start3A_68, %dma_start3A_75, %dma_start3A_76] : memref<5x40x128xf32, #tpu.memory_space<vmem>> -> memref<1x40x128xf32, #tpu.memory_space<vmem>>
    %dma_start3A_78 = tpu.memref_squeeze %dma_start3A_77 : memref<1x40x128xf32, #tpu.memory_space<vmem>> -> memref<40x128xf32, #tpu.memory_space<vmem>>
    %dma_start3A_79 = arith.constant 0 : i32
    %dma_start3A_80 = tpu.memref_slice %arg2[%add3A_67, %dma_start3A_79] : memref<160000x128xf32, #tpu.memory_space<hbm>> -> memref<40x128xf32, #tpu.memory_space<hbm>>
    tpu.enqueue_dma source(%dma_start3A_80 : memref<40x128xf32, #tpu.memory_space<hbm>>) target(%dma_start3A_78 : memref<40x128xf32, #tpu.memory_space<vmem>>) target_semaphore(%arg13 : memref<!tpu.dma_semaphore, #tpu.memory_space<semaphore_mem>>)
    %scan3A = arith.constant 0 : i32
    %scan3A_81 = arith.constant 24 : i32
    %scan3A_82 = arith.addi %scan3A, %scan3A_81 : i32
    %scan3A_83 = arith.constant 1 : i32
    scf.for %scan3A_284 = %scan3A to %scan3A_82 step %scan3A_83  : i32 {
      %mul3A_285 = arith.constant 5 : i32
      %mul3A_286 = arith.muli %scan3A_284, %mul3A_285 : i32
      %add3A_287 = arith.constant 0 : i32
      %add3A_288 = arith.addi %mul3A_286, %add3A_287 : i32
      %mul3A_289 = arith.constant 40 : i32
      %mul3A_290 = arith.muli %add3A_288, %mul3A_289 : i32
      %add3A_291 = arith.addi %mul3A_2, %mul3A_290 : i32
      %dma_wait3A_292 = arith.constant 0 : i32
      %dma_wait3A_293 = arith.constant 0 : i32
      %dma_wait3A_294 = arith.constant 0 : i32
      %dma_wait3A_295 = tpu.memref_slice %arg7[%dma_wait3A_292, %dma_wait3A_293, %dma_wait3A_294] : memref<5x40x128xf32, #tpu.memory_space<vmem>> -> memref<1x40x128xf32, #tpu.memory_space<vmem>>
      %dma_wait3A_296 = tpu.memref_squeeze %dma_wait3A_295 : memref<1x40x128xf32, #tpu.memory_space<vmem>> -> memref<40x128xf32, #tpu.memory_space<vmem>>
      %dma_wait3A_297 = arith.constant 0 : i32
      %dma_wait3A_298 = tpu.memref_slice %arg2[%add3A_291, %dma_wait3A_297] : memref<160000x128xf32, #tpu.memory_space<hbm>> -> memref<40x128xf32, #tpu.memory_space<hbm>>
      %dma_wait3A_299 = arith.constant 0 : i32
      %dma_wait3A_300 = arith.constant 0 : i32
      %dma_wait3A_301 = tpu.memref_slice %arg7[%dma_wait3A_292, %dma_wait3A_299, %dma_wait3A_300] : memref<5x40x128xf32, #tpu.memory_space<vmem>> -> memref<1x40x128xf32, #tpu.memory_space<vmem>>
      %dma_wait3A_302 = tpu.memref_squeeze %dma_wait3A_301 : memref<1x40x128xf32, #tpu.memory_space<vmem>> -> memref<40x128xf32, #tpu.memory_space<vmem>>
      %dma_wait3A_303 = arith.constant 0 : i32
      %dma_wait3A_304 = tpu.memref_slice %arg2[%add3A_291, %dma_wait3A_303] : memref<160000x128xf32, #tpu.memory_space<hbm>> -> memref<40x128xf32, #tpu.memory_space<hbm>>
      tpu.wait_dma2 semaphore(%arg9 : memref<!tpu.dma_semaphore, #tpu.memory_space<semaphore_mem>>) src(%dma_wait3A_304 : memref<40x128xf32, #tpu.memory_space<hbm>>) dst(%dma_wait3A_302 : memref<40x128xf32, #tpu.memory_space<vmem>>)
      %add3A_305 = arith.constant 0 : i32
      %add3A_306 = arith.addi %mul3A_286, %add3A_305 : i32
      %dma_start3A_307 = arith.constant 0 : i32
      %dma_start3A_308 = arith.constant 0 : i32
      %dma_start3A_309 = arith.constant 0 : i32
      %dma_start3A_310 = tpu.memref_slice %arg7[%dma_start3A_307, %dma_start3A_308, %dma_start3A_309] : memref<5x40x128xf32, #tpu.memory_space<vmem>> -> memref<1x40x128xf32, #tpu.memory_space<vmem>>
      %dma_start3A_311 = tpu.memref_squeeze %dma_start3A_310 : memref<1x40x128xf32, #tpu.memory_space<vmem>> -> memref<40x128xf32, #tpu.memory_space<vmem>>
      %dma_start3A_312 = arith.constant 0 : i32
      %dma_start3A_313 = tpu.memref_slice %arg6[%add3A_306, %dma_start3A_312] : memref<125x40xi32, #tpu.memory_space<vmem>> -> memref<1x40xi32, #tpu.memory_space<vmem>>
      %dma_start3A_314 = tpu.memref_squeeze %dma_start3A_313 : memref<1x40xi32, #tpu.memory_space<vmem>> -> memref<40xi32, #tpu.memory_space<vmem>>
      %dma_start3A_315 = arith.constant 0 : i32
      %dma_start3A_316 = arith.constant 0 : i32
      %dma_start3A_317 = tpu.memref_slice %arg8[%dma_start3A_315, %dma_start3A_316] : memref<10240x128xf32, #tpu.memory_space<vmem_shared>> -> memref<10240x128xf32, #tpu.memory_space<vmem_shared>>
      tpu.enqueue_indirect_dma source(%dma_start3A_311 : memref<40x128xf32, #tpu.memory_space<vmem>>) target(%dma_start3A_317 : memref<10240x128xf32, #tpu.memory_space<vmem_shared>>) offsets(%dma_start3A_314 : memref<40xi32, #tpu.memory_space<vmem>>) semaphore(%arg14 : memref<!tpu.dma_semaphore, #tpu.memory_space<semaphore_mem>>) {add = true}
      %add3A_318 = arith.constant 1 : i32
      %add3A_319 = arith.addi %mul3A_286, %add3A_318 : i32
      %mul3A_320 = arith.constant 40 : i32
      %mul3A_321 = arith.muli %add3A_319, %mul3A_320 : i32
      %add3A_322 = arith.addi %mul3A_2, %mul3A_321 : i32
      %dma_wait3A_323 = arith.constant 1 : i32
      %dma_wait3A_324 = arith.constant 0 : i32
      %dma_wait3A_325 = arith.constant 0 : i32
      %dma_wait3A_326 = tpu.memref_slice %arg7[%dma_wait3A_323, %dma_wait3A_324, %dma_wait3A_325] : memref<5x40x128xf32, #tpu.memory_space<vmem>> -> memref<1x40x128xf32, #tpu.memory_space<vmem>>
      %dma_wait3A_327 = tpu.memref_squeeze %dma_wait3A_326 : memref<1x40x128xf32, #tpu.memory_space<vmem>> -> memref<40x128xf32, #tpu.memory_space<vmem>>
      %dma_wait3A_328 = arith.constant 0 : i32
      %dma_wait3A_329 = tpu.memref_slice %arg2[%add3A_322, %dma_wait3A_328] : memref<160000x128xf32, #tpu.memory_space<hbm>> -> memref<40x128xf32, #tpu.memory_space<hbm>>
      %dma_wait3A_330 = arith.constant 0 : i32
      %dma_wait3A_331 = arith.constant 0 : i32
      %dma_wait3A_332 = tpu.memref_slice %arg7[%dma_wait3A_323, %dma_wait3A_330, %dma_wait3A_331] : memref<5x40x128xf32, #tpu.memory_space<vmem>> -> memref<1x40x128xf32, #tpu.memory_space<vmem>>
      %dma_wait3A_333 = tpu.memref_squeeze %dma_wait3A_332 : memref<1x40x128xf32, #tpu.memory_space<vmem>> -> memref<40x128xf32, #tpu.memory_space<vmem>>
      %dma_wait3A_334 = arith.constant 0 : i32
      %dma_wait3A_335 = tpu.memref_slice %arg2[%add3A_322, %dma_wait3A_334] : memref<160000x128xf32, #tpu.memory_space<hbm>> -> memref<40x128xf32, #tpu.memory_space<hbm>>
      tpu.wait_dma2 semaphore(%arg10 : memref<!tpu.dma_semaphore, #tpu.memory_space<semaphore_mem>>) src(%dma_wait3A_335 : memref<40x128xf32, #tpu.memory_space<hbm>>) dst(%dma_wait3A_333 : memref<40x128xf32, #tpu.memory_space<vmem>>)
      %add3A_336 = arith.constant 1 : i32
      %add3A_337 = arith.addi %mul3A_286, %add3A_336 : i32
      %dma_start3A_338 = arith.constant 1 : i32
      %dma_start3A_339 = arith.constant 0 : i32
      %dma_start3A_340 = arith.constant 0 : i32
      %dma_start3A_341 = tpu.memref_slice %arg7[%dma_start3A_338, %dma_start3A_339, %dma_start3A_340] : memref<5x40x128xf32, #tpu.memory_space<vmem>> -> memref<1x40x128xf32, #tpu.memory_space<vmem>>
      %dma_start3A_342 = tpu.memref_squeeze %dma_start3A_341 : memref<1x40x128xf32, #tpu.memory_space<vmem>> -> memref<40x128xf32, #tpu.memory_space<vmem>>
      %dma_start3A_343 = arith.constant 0 : i32
      %dma_start3A_344 = tpu.memref_slice %arg6[%add3A_337, %dma_start3A_343] : memref<125x40xi32, #tpu.memory_space<vmem>> -> memref<1x40xi32, #tpu.memory_space<vmem>>
      %dma_start3A_345 = tpu.memref_squeeze %dma_start3A_344 : memref<1x40xi32, #tpu.memory_space<vmem>> -> memref<40xi32, #tpu.memory_space<vmem>>
      %dma_start3A_346 = arith.constant 0 : i32
      %dma_start3A_347 = arith.constant 0 : i32
      %dma_start3A_348 = tpu.memref_slice %arg8[%dma_start3A_346, %dma_start3A_347] : memref<10240x128xf32, #tpu.memory_space<vmem_shared>> -> memref<10240x128xf32, #tpu.memory_space<vmem_shared>>
      tpu.enqueue_indirect_dma source(%dma_start3A_342 : memref<40x128xf32, #tpu.memory_space<vmem>>) target(%dma_start3A_348 : memref<10240x128xf32, #tpu.memory_space<vmem_shared>>) offsets(%dma_start3A_345 : memref<40xi32, #tpu.memory_space<vmem>>) semaphore(%arg15 : memref<!tpu.dma_semaphore, #tpu.memory_space<semaphore_mem>>) {add = true}
      %add3A_349 = arith.constant 2 : i32
      %add3A_350 = arith.addi %mul3A_286, %add3A_349 : i32
      %mul3A_351 = arith.constant 40 : i32
      %mul3A_352 = arith.muli %add3A_350, %mul3A_351 : i32
      %add3A_353 = arith.addi %mul3A_2, %mul3A_352 : i32
      %dma_wait3A_354 = arith.constant 2 : i32
      %dma_wait3A_355 = arith.constant 0 : i32
      %dma_wait3A_356 = arith.constant 0 : i32
      %dma_wait3A_357 = tpu.memref_slice %arg7[%dma_wait3A_354, %dma_wait3A_355, %dma_wait3A_356] : memref<5x40x128xf32, #tpu.memory_space<vmem>> -> memref<1x40x128xf32, #tpu.memory_space<vmem>>
      %dma_wait3A_358 = tpu.memref_squeeze %dma_wait3A_357 : memref<1x40x128xf32, #tpu.memory_space<vmem>> -> memref<40x128xf32, #tpu.memory_space<vmem>>
      %dma_wait3A_359 = arith.constant 0 : i32
      %dma_wait3A_360 = tpu.memref_slice %arg2[%add3A_353, %dma_wait3A_359] : memref<160000x128xf32, #tpu.memory_space<hbm>> -> memref<40x128xf32, #tpu.memory_space<hbm>>
      %dma_wait3A_361 = arith.constant 0 : i32
      %dma_wait3A_362 = arith.constant 0 : i32
      %dma_wait3A_363 = tpu.memref_slice %arg7[%dma_wait3A_354, %dma_wait3A_361, %dma_wait3A_362] : memref<5x40x128xf32, #tpu.memory_space<vmem>> -> memref<1x40x128xf32, #tpu.memory_space<vmem>>
      %dma_wait3A_364 = tpu.memref_squeeze %dma_wait3A_363 : memref<1x40x128xf32, #tpu.memory_space<vmem>> -> memref<40x128xf32, #tpu.memory_space<vmem>>
      %dma_wait3A_365 = arith.constant 0 : i32
      %dma_wait3A_366 = tpu.memref_slice %arg2[%add3A_353, %dma_wait3A_365] : memref<160000x128xf32, #tpu.memory_space<hbm>> -> memref<40x128xf32, #tpu.memory_space<hbm>>
      tpu.wait_dma2 semaphore(%arg11 : memref<!tpu.dma_semaphore, #tpu.memory_space<semaphore_mem>>) src(%dma_wait3A_366 : memref<40x128xf32, #tpu.memory_space<hbm>>) dst(%dma_wait3A_364 : memref<40x128xf32, #tpu.memory_space<vmem>>)
      %add3A_367 = arith.constant 2 : i32
      %add3A_368 = arith.addi %mul3A_286, %add3A_367 : i32
      %dma_start3A_369 = arith.constant 2 : i32
      %dma_start3A_370 = arith.constant 0 : i32
      %dma_start3A_371 = arith.constant 0 : i32
      %dma_start3A_372 = tpu.memref_slice %arg7[%dma_start3A_369, %dma_start3A_370, %dma_start3A_371] : memref<5x40x128xf32, #tpu.memory_space<vmem>> -> memref<1x40x128xf32, #tpu.memory_space<vmem>>
      %dma_start3A_373 = tpu.memref_squeeze %dma_start3A_372 : memref<1x40x128xf32, #tpu.memory_space<vmem>> -> memref<40x128xf32, #tpu.memory_space<vmem>>
      %dma_start3A_374 = arith.constant 0 : i32
      %dma_start3A_375 = tpu.memref_slice %arg6[%add3A_368, %dma_start3A_374] : memref<125x40xi32, #tpu.memory_space<vmem>> -> memref<1x40xi32, #tpu.memory_space<vmem>>
      %dma_start3A_376 = tpu.memref_squeeze %dma_start3A_375 : memref<1x40xi32, #tpu.memory_space<vmem>> -> memref<40xi32, #tpu.memory_space<vmem>>
      %dma_start3A_377 = arith.constant 0 : i32
      %dma_start3A_378 = arith.constant 0 : i32
      %dma_start3A_379 = tpu.memref_slice %arg8[%dma_start3A_377, %dma_start3A_378] : memref<10240x128xf32, #tpu.memory_space<vmem_shared>> -> memref<10240x128xf32, #tpu.memory_space<vmem_shared>>
      tpu.enqueue_indirect_dma source(%dma_start3A_373 : memref<40x128xf32, #tpu.memory_space<vmem>>) target(%dma_start3A_379 : memref<10240x128xf32, #tpu.memory_space<vmem_shared>>) offsets(%dma_start3A_376 : memref<40xi32, #tpu.memory_space<vmem>>) semaphore(%arg16 : memref<!tpu.dma_semaphore, #tpu.memory_space<semaphore_mem>>) {add = true}
      %add3A_380 = arith.constant 3 : i32
      %add3A_381 = arith.addi %mul3A_286, %add3A_380 : i32
      %mul3A_382 = arith.constant 40 : i32
      %mul3A_383 = arith.muli %add3A_381, %mul3A_382 : i32
      %add3A_384 = arith.addi %mul3A_2, %mul3A_383 : i32
      %dma_wait3A_385 = arith.constant 3 : i32
      %dma_wait3A_386 = arith.constant 0 : i32
      %dma_wait3A_387 = arith.constant 0 : i32
      %dma_wait3A_388 = tpu.memref_slice %arg7[%dma_wait3A_385, %dma_wait3A_386, %dma_wait3A_387] : memref<5x40x128xf32, #tpu.memory_space<vmem>> -> memref<1x40x128xf32, #tpu.memory_space<vmem>>
      %dma_wait3A_389 = tpu.memref_squeeze %dma_wait3A_388 : memref<1x40x128xf32, #tpu.memory_space<vmem>> -> memref<40x128xf32, #tpu.memory_space<vmem>>
      %dma_wait3A_390 = arith.constant 0 : i32
      %dma_wait3A_391 = tpu.memref_slice %arg2[%add3A_384, %dma_wait3A_390] : memref<160000x128xf32, #tpu.memory_space<hbm>> -> memref<40x128xf32, #tpu.memory_space<hbm>>
      %dma_wait3A_392 = arith.constant 0 : i32
      %dma_wait3A_393 = arith.constant 0 : i32
      %dma_wait3A_394 = tpu.memref_slice %arg7[%dma_wait3A_385, %dma_wait3A_392, %dma_wait3A_393] : memref<5x40x128xf32, #tpu.memory_space<vmem>> -> memref<1x40x128xf32, #tpu.memory_space<vmem>>
      %dma_wait3A_395 = tpu.memref_squeeze %dma_wait3A_394 : memref<1x40x128xf32, #tpu.memory_space<vmem>> -> memref<40x128xf32, #tpu.memory_space<vmem>>
      %dma_wait3A_396 = arith.constant 0 : i32
      %dma_wait3A_397 = tpu.memref_slice %arg2[%add3A_384, %dma_wait3A_396] : memref<160000x128xf32, #tpu.memory_space<hbm>> -> memref<40x128xf32, #tpu.memory_space<hbm>>
      tpu.wait_dma2 semaphore(%arg12 : memref<!tpu.dma_semaphore, #tpu.memory_space<semaphore_mem>>) src(%dma_wait3A_397 : memref<40x128xf32, #tpu.memory_space<hbm>>) dst(%dma_wait3A_395 : memref<40x128xf32, #tpu.memory_space<vmem>>)
      %add3A_398 = arith.constant 3 : i32
      %add3A_399 = arith.addi %mul3A_286, %add3A_398 : i32
      %dma_start3A_400 = arith.constant 3 : i32
      %dma_start3A_401 = arith.constant 0 : i32
      %dma_start3A_402 = arith.constant 0 : i32
      %dma_start3A_403 = tpu.memref_slice %arg7[%dma_start3A_400, %dma_start3A_401, %dma_start3A_402] : memref<5x40x128xf32, #tpu.memory_space<vmem>> -> memref<1x40x128xf32, #tpu.memory_space<vmem>>
      %dma_start3A_404 = tpu.memref_squeeze %dma_start3A_403 : memref<1x40x128xf32, #tpu.memory_space<vmem>> -> memref<40x128xf32, #tpu.memory_space<vmem>>
      %dma_start3A_405 = arith.constant 0 : i32
      %dma_start3A_406 = tpu.memref_slice %arg6[%add3A_399, %dma_start3A_405] : memref<125x40xi32, #tpu.memory_space<vmem>> -> memref<1x40xi32, #tpu.memory_space<vmem>>
      %dma_start3A_407 = tpu.memref_squeeze %dma_start3A_406 : memref<1x40xi32, #tpu.memory_space<vmem>> -> memref<40xi32, #tpu.memory_space<vmem>>
      %dma_start3A_408 = arith.constant 0 : i32
      %dma_start3A_409 = arith.constant 0 : i32
      %dma_start3A_410 = tpu.memref_slice %arg8[%dma_start3A_408, %dma_start3A_409] : memref<10240x128xf32, #tpu.memory_space<vmem_shared>> -> memref<10240x128xf32, #tpu.memory_space<vmem_shared>>
      tpu.enqueue_indirect_dma source(%dma_start3A_404 : memref<40x128xf32, #tpu.memory_space<vmem>>) target(%dma_start3A_410 : memref<10240x128xf32, #tpu.memory_space<vmem_shared>>) offsets(%dma_start3A_407 : memref<40xi32, #tpu.memory_space<vmem>>) semaphore(%arg17 : memref<!tpu.dma_semaphore, #tpu.memory_space<semaphore_mem>>) {add = true}
      %add3A_411 = arith.constant 4 : i32
      %add3A_412 = arith.addi %mul3A_286, %add3A_411 : i32
      %mul3A_413 = arith.constant 40 : i32
      %mul3A_414 = arith.muli %add3A_412, %mul3A_413 : i32
      %add3A_415 = arith.addi %mul3A_2, %mul3A_414 : i32
      %dma_wait3A_416 = arith.constant 4 : i32
      %dma_wait3A_417 = arith.constant 0 : i32
      %dma_wait3A_418 = arith.constant 0 : i32
      %dma_wait3A_419 = tpu.memref_slice %arg7[%dma_wait3A_416, %dma_wait3A_417, %dma_wait3A_418] : memref<5x40x128xf32, #tpu.memory_space<vmem>> -> memref<1x40x128xf32, #tpu.memory_space<vmem>>
      %dma_wait3A_420 = tpu.memref_squeeze %dma_wait3A_419 : memref<1x40x128xf32, #tpu.memory_space<vmem>> -> memref<40x128xf32, #tpu.memory_space<vmem>>
      %dma_wait3A_421 = arith.constant 0 : i32
      %dma_wait3A_422 = tpu.memref_slice %arg2[%add3A_415, %dma_wait3A_421] : memref<160000x128xf32, #tpu.memory_space<hbm>> -> memref<40x128xf32, #tpu.memory_space<hbm>>
      %dma_wait3A_423 = arith.constant 0 : i32
      %dma_wait3A_424 = arith.constant 0 : i32
      %dma_wait3A_425 = tpu.memref_slice %arg7[%dma_wait3A_416, %dma_wait3A_423, %dma_wait3A_424] : memref<5x40x128xf32, #tpu.memory_space<vmem>> -> memref<1x40x128xf32, #tpu.memory_space<vmem>>
      %dma_wait3A_426 = tpu.memref_squeeze %dma_wait3A_425 : memref<1x40x128xf32, #tpu.memory_space<vmem>> -> memref<40x128xf32, #tpu.memory_space<vmem>>
      %dma_wait3A_427 = arith.constant 0 : i32
      %dma_wait3A_428 = tpu.memref_slice %arg2[%add3A_415, %dma_wait3A_427] : memref<160000x128xf32, #tpu.memory_space<hbm>> -> memref<40x128xf32, #tpu.memory_space<hbm>>
      tpu.wait_dma2 semaphore(%arg13 : memref<!tpu.dma_semaphore, #tpu.memory_space<semaphore_mem>>) src(%dma_wait3A_428 : memref<40x128xf32, #tpu.memory_space<hbm>>) dst(%dma_wait3A_426 : memref<40x128xf32, #tpu.memory_space<vmem>>)
      %add3A_429 = arith.constant 4 : i32
      %add3A_430 = arith.addi %mul3A_286, %add3A_429 : i32
      %dma_start3A_431 = arith.constant 4 : i32
      %dma_start3A_432 = arith.constant 0 : i32
      %dma_start3A_433 = arith.constant 0 : i32
      %dma_start3A_434 = tpu.memref_slice %arg7[%dma_start3A_431, %dma_start3A_432, %dma_start3A_433] : memref<5x40x128xf32, #tpu.memory_space<vmem>> -> memref<1x40x128xf32, #tpu.memory_space<vmem>>
      %dma_start3A_435 = tpu.memref_squeeze %dma_start3A_434 : memref<1x40x128xf32, #tpu.memory_space<vmem>> -> memref<40x128xf32, #tpu.memory_space<vmem>>
      %dma_start3A_436 = arith.constant 0 : i32
      %dma_start3A_437 = tpu.memref_slice %arg6[%add3A_430, %dma_start3A_436] : memref<125x40xi32, #tpu.memory_space<vmem>> -> memref<1x40xi32, #tpu.memory_space<vmem>>
      %dma_start3A_438 = tpu.memref_squeeze %dma_start3A_437 : memref<1x40xi32, #tpu.memory_space<vmem>> -> memref<40xi32, #tpu.memory_space<vmem>>
      %dma_start3A_439 = arith.constant 0 : i32
      %dma_start3A_440 = arith.constant 0 : i32
      %dma_start3A_441 = tpu.memref_slice %arg8[%dma_start3A_439, %dma_start3A_440] : memref<10240x128xf32, #tpu.memory_space<vmem_shared>> -> memref<10240x128xf32, #tpu.memory_space<vmem_shared>>
      tpu.enqueue_indirect_dma source(%dma_start3A_435 : memref<40x128xf32, #tpu.memory_space<vmem>>) target(%dma_start3A_441 : memref<10240x128xf32, #tpu.memory_space<vmem_shared>>) offsets(%dma_start3A_438 : memref<40xi32, #tpu.memory_space<vmem>>) semaphore(%arg18 : memref<!tpu.dma_semaphore, #tpu.memory_space<semaphore_mem>>) {add = true}
      %add3A_442 = arith.constant 0 : i32
      %add3A_443 = arith.addi %mul3A_286, %add3A_442 : i32
      %dma_wait3A_444 = arith.constant 0 : i32
      %dma_wait3A_445 = arith.constant 0 : i32
      %dma_wait3A_446 = arith.constant 0 : i32
      %dma_wait3A_447 = tpu.memref_slice %arg7[%dma_wait3A_444, %dma_wait3A_445, %dma_wait3A_446] : memref<5x40x128xf32, #tpu.memory_space<vmem>> -> memref<1x40x128xf32, #tpu.memory_space<vmem>>
      %dma_wait3A_448 = tpu.memref_squeeze %dma_wait3A_447 : memref<1x40x128xf32, #tpu.memory_space<vmem>> -> memref<40x128xf32, #tpu.memory_space<vmem>>
      %dma_wait3A_449 = arith.constant 0 : i32
      %dma_wait3A_450 = tpu.memref_slice %arg6[%add3A_443, %dma_wait3A_449] : memref<125x40xi32, #tpu.memory_space<vmem>> -> memref<1x40xi32, #tpu.memory_space<vmem>>
      %dma_wait3A_451 = tpu.memref_squeeze %dma_wait3A_450 : memref<1x40xi32, #tpu.memory_space<vmem>> -> memref<40xi32, #tpu.memory_space<vmem>>
      %dma_wait3A_452 = arith.constant 0 : i32
      %dma_wait3A_453 = arith.constant 0 : i32
      %dma_wait3A_454 = tpu.memref_slice %arg8[%dma_wait3A_452, %dma_wait3A_453] : memref<10240x128xf32, #tpu.memory_space<vmem_shared>> -> memref<10240x128xf32, #tpu.memory_space<vmem_shared>>
      tpu.wait_indirect_dma semaphore(%arg14 : memref<!tpu.dma_semaphore, #tpu.memory_space<semaphore_mem>>) src(%dma_wait3A_448 : memref<40x128xf32, #tpu.memory_space<vmem>>) dst(%dma_wait3A_454 : memref<10240x128xf32, #tpu.memory_space<vmem_shared>>)
      %add3A_455 = arith.constant 5 : i32
      %add3A_456 = arith.addi %mul3A_286, %add3A_455 : i32
      %add3A_457 = arith.constant 0 : i32
      %add3A_458 = arith.addi %add3A_456, %add3A_457 : i32
      %mul3A_459 = arith.constant 40 : i32
      %mul3A_460 = arith.muli %add3A_458, %mul3A_459 : i32
      %add3A_461 = arith.addi %mul3A_2, %mul3A_460 : i32
      %dma_start3A_462 = arith.constant 0 : i32
      %dma_start3A_463 = arith.constant 0 : i32
      %dma_start3A_464 = arith.constant 0 : i32
      %dma_start3A_465 = tpu.memref_slice %arg7[%dma_start3A_462, %dma_start3A_463, %dma_start3A_464] : memref<5x40x128xf32, #tpu.memory_space<vmem>> -> memref<1x40x128xf32, #tpu.memory_space<vmem>>
      %dma_start3A_466 = tpu.memref_squeeze %dma_start3A_465 : memref<1x40x128xf32, #tpu.memory_space<vmem>> -> memref<40x128xf32, #tpu.memory_space<vmem>>
      %dma_start3A_467 = arith.constant 0 : i32
      %dma_start3A_468 = tpu.memref_slice %arg2[%add3A_461, %dma_start3A_467] : memref<160000x128xf32, #tpu.memory_space<hbm>> -> memref<40x128xf32, #tpu.memory_space<hbm>>
      %dma_start3A_469 = arith.constant 0 : i32
      %dma_start3A_470 = arith.constant 0 : i32
      %dma_start3A_471 = tpu.memref_slice %arg7[%dma_start3A_462, %dma_start3A_469, %dma_start3A_470] : memref<5x40x128xf32, #tpu.memory_space<vmem>> -> memref<1x40x128xf32, #tpu.memory_space<vmem>>
      %dma_start3A_472 = tpu.memref_squeeze %dma_start3A_471 : memref<1x40x128xf32, #tpu.memory_space<vmem>> -> memref<40x128xf32, #tpu.memory_space<vmem>>
      %dma_start3A_473 = arith.constant 0 : i32
      %dma_start3A_474 = tpu.memref_slice %arg2[%add3A_461, %dma_start3A_473] : memref<160000x128xf32, #tpu.memory_space<hbm>> -> memref<40x128xf32, #tpu.memory_space<hbm>>
      tpu.enqueue_dma source(%dma_start3A_474 : memref<40x128xf32, #tpu.memory_space<hbm>>) target(%dma_start3A_472 : memref<40x128xf32, #tpu.memory_space<vmem>>) target_semaphore(%arg9 : memref<!tpu.dma_semaphore, #tpu.memory_space<semaphore_mem>>)
      %add3A_475 = arith.constant 1 : i32
      %add3A_476 = arith.addi %mul3A_286, %add3A_475 : i32
      %dma_wait3A_477 = arith.constant 1 : i32
      %dma_wait3A_478 = arith.constant 0 : i32
      %dma_wait3A_479 = arith.constant 0 : i32
      %dma_wait3A_480 = tpu.memref_slice %arg7[%dma_wait3A_477, %dma_wait3A_478, %dma_wait3A_479] : memref<5x40x128xf32, #tpu.memory_space<vmem>> -> memref<1x40x128xf32, #tpu.memory_space<vmem>>
      %dma_wait3A_481 = tpu.memref_squeeze %dma_wait3A_480 : memref<1x40x128xf32, #tpu.memory_space<vmem>> -> memref<40x128xf32, #tpu.memory_space<vmem>>
      %dma_wait3A_482 = arith.constant 0 : i32
      %dma_wait3A_483 = tpu.memref_slice %arg6[%add3A_476, %dma_wait3A_482] : memref<125x40xi32, #tpu.memory_space<vmem>> -> memref<1x40xi32, #tpu.memory_space<vmem>>
      %dma_wait3A_484 = tpu.memref_squeeze %dma_wait3A_483 : memref<1x40xi32, #tpu.memory_space<vmem>> -> memref<40xi32, #tpu.memory_space<vmem>>
      %dma_wait3A_485 = arith.constant 0 : i32
      %dma_wait3A_486 = arith.constant 0 : i32
      %dma_wait3A_487 = tpu.memref_slice %arg8[%dma_wait3A_485, %dma_wait3A_486] : memref<10240x128xf32, #tpu.memory_space<vmem_shared>> -> memref<10240x128xf32, #tpu.memory_space<vmem_shared>>
      tpu.wait_indirect_dma semaphore(%arg15 : memref<!tpu.dma_semaphore, #tpu.memory_space<semaphore_mem>>) src(%dma_wait3A_481 : memref<40x128xf32, #tpu.memory_space<vmem>>) dst(%dma_wait3A_487 : memref<10240x128xf32, #tpu.memory_space<vmem_shared>>)
      %add3A_488 = arith.constant 5 : i32
      %add3A_489 = arith.addi %mul3A_286, %add3A_488 : i32
      %add3A_490 = arith.constant 1 : i32
      %add3A_491 = arith.addi %add3A_489, %add3A_490 : i32
      %mul3A_492 = arith.constant 40 : i32
      %mul3A_493 = arith.muli %add3A_491, %mul3A_492 : i32
      %add3A_494 = arith.addi %mul3A_2, %mul3A_493 : i32
      %dma_start3A_495 = arith.constant 1 : i32
      %dma_start3A_496 = arith.constant 0 : i32
      %dma_start3A_497 = arith.constant 0 : i32
      %dma_start3A_498 = tpu.memref_slice %arg7[%dma_start3A_495, %dma_start3A_496, %dma_start3A_497] : memref<5x40x128xf32, #tpu.memory_space<vmem>> -> memref<1x40x128xf32, #tpu.memory_space<vmem>>
      %dma_start3A_499 = tpu.memref_squeeze %dma_start3A_498 : memref<1x40x128xf32, #tpu.memory_space<vmem>> -> memref<40x128xf32, #tpu.memory_space<vmem>>
      %dma_start3A_500 = arith.constant 0 : i32
      %dma_start3A_501 = tpu.memref_slice %arg2[%add3A_494, %dma_start3A_500] : memref<160000x128xf32, #tpu.memory_space<hbm>> -> memref<40x128xf32, #tpu.memory_space<hbm>>
      %dma_start3A_502 = arith.constant 0 : i32
      %dma_start3A_503 = arith.constant 0 : i32
      %dma_start3A_504 = tpu.memref_slice %arg7[%dma_start3A_495, %dma_start3A_502, %dma_start3A_503] : memref<5x40x128xf32, #tpu.memory_space<vmem>> -> memref<1x40x128xf32, #tpu.memory_space<vmem>>
      %dma_start3A_505 = tpu.memref_squeeze %dma_start3A_504 : memref<1x40x128xf32, #tpu.memory_space<vmem>> -> memref<40x128xf32, #tpu.memory_space<vmem>>
      %dma_start3A_506 = arith.constant 0 : i32
      %dma_start3A_507 = tpu.memref_slice %arg2[%add3A_494, %dma_start3A_506] : memref<160000x128xf32, #tpu.memory_space<hbm>> -> memref<40x128xf32, #tpu.memory_space<hbm>>
      tpu.enqueue_dma source(%dma_start3A_507 : memref<40x128xf32, #tpu.memory_space<hbm>>) target(%dma_start3A_505 : memref<40x128xf32, #tpu.memory_space<vmem>>) target_semaphore(%arg10 : memref<!tpu.dma_semaphore, #tpu.memory_space<semaphore_mem>>)
      %add3A_508 = arith.constant 2 : i32
      %add3A_509 = arith.addi %mul3A_286, %add3A_508 : i32
      %dma_wait3A_510 = arith.constant 2 : i32
      %dma_wait3A_511 = arith.constant 0 : i32
      %dma_wait3A_512 = arith.constant 0 : i32
      %dma_wait3A_513 = tpu.memref_slice %arg7[%dma_wait3A_510, %dma_wait3A_511, %dma_wait3A_512] : memref<5x40x128xf32, #tpu.memory_space<vmem>> -> memref<1x40x128xf32, #tpu.memory_space<vmem>>
      %dma_wait3A_514 = tpu.memref_squeeze %dma_wait3A_513 : memref<1x40x128xf32, #tpu.memory_space<vmem>> -> memref<40x128xf32, #tpu.memory_space<vmem>>
      %dma_wait3A_515 = arith.constant 0 : i32
      %dma_wait3A_516 = tpu.memref_slice %arg6[%add3A_509, %dma_wait3A_515] : memref<125x40xi32, #tpu.memory_space<vmem>> -> memref<1x40xi32, #tpu.memory_space<vmem>>
      %dma_wait3A_517 = tpu.memref_squeeze %dma_wait3A_516 : memref<1x40xi32, #tpu.memory_space<vmem>> -> memref<40xi32, #tpu.memory_space<vmem>>
      %dma_wait3A_518 = arith.constant 0 : i32
      %dma_wait3A_519 = arith.constant 0 : i32
      %dma_wait3A_520 = tpu.memref_slice %arg8[%dma_wait3A_518, %dma_wait3A_519] : memref<10240x128xf32, #tpu.memory_space<vmem_shared>> -> memref<10240x128xf32, #tpu.memory_space<vmem_shared>>
      tpu.wait_indirect_dma semaphore(%arg16 : memref<!tpu.dma_semaphore, #tpu.memory_space<semaphore_mem>>) src(%dma_wait3A_514 : memref<40x128xf32, #tpu.memory_space<vmem>>) dst(%dma_wait3A_520 : memref<10240x128xf32, #tpu.memory_space<vmem_shared>>)
      %add3A_521 = arith.constant 5 : i32
      %add3A_522 = arith.addi %mul3A_286, %add3A_521 : i32
      %add3A_523 = arith.constant 2 : i32
      %add3A_524 = arith.addi %add3A_522, %add3A_523 : i32
      %mul3A_525 = arith.constant 40 : i32
      %mul3A_526 = arith.muli %add3A_524, %mul3A_525 : i32
      %add3A_527 = arith.addi %mul3A_2, %mul3A_526 : i32
      %dma_start3A_528 = arith.constant 2 : i32
      %dma_start3A_529 = arith.constant 0 : i32
      %dma_start3A_530 = arith.constant 0 : i32
      %dma_start3A_531 = tpu.memref_slice %arg7[%dma_start3A_528, %dma_start3A_529, %dma_start3A_530] : memref<5x40x128xf32, #tpu.memory_space<vmem>> -> memref<1x40x128xf32, #tpu.memory_space<vmem>>
      %dma_start3A_532 = tpu.memref_squeeze %dma_start3A_531 : memref<1x40x128xf32, #tpu.memory_space<vmem>> -> memref<40x128xf32, #tpu.memory_space<vmem>>
      %dma_start3A_533 = arith.constant 0 : i32
      %dma_start3A_534 = tpu.memref_slice %arg2[%add3A_527, %dma_start3A_533] : memref<160000x128xf32, #tpu.memory_space<hbm>> -> memref<40x128xf32, #tpu.memory_space<hbm>>
      %dma_start3A_535 = arith.constant 0 : i32
      %dma_start3A_536 = arith.constant 0 : i32
      %dma_start3A_537 = tpu.memref_slice %arg7[%dma_start3A_528, %dma_start3A_535, %dma_start3A_536] : memref<5x40x128xf32, #tpu.memory_space<vmem>> -> memref<1x40x128xf32, #tpu.memory_space<vmem>>
      %dma_start3A_538 = tpu.memref_squeeze %dma_start3A_537 : memref<1x40x128xf32, #tpu.memory_space<vmem>> -> memref<40x128xf32, #tpu.memory_space<vmem>>
      %dma_start3A_539 = arith.constant 0 : i32
      %dma_start3A_540 = tpu.memref_slice %arg2[%add3A_527, %dma_start3A_539] : memref<160000x128xf32, #tpu.memory_space<hbm>> -> memref<40x128xf32, #tpu.memory_space<hbm>>
      tpu.enqueue_dma source(%dma_start3A_540 : memref<40x128xf32, #tpu.memory_space<hbm>>) target(%dma_start3A_538 : memref<40x128xf32, #tpu.memory_space<vmem>>) target_semaphore(%arg11 : memref<!tpu.dma_semaphore, #tpu.memory_space<semaphore_mem>>)
      %add3A_541 = arith.constant 3 : i32
      %add3A_542 = arith.addi %mul3A_286, %add3A_541 : i32
      %dma_wait3A_543 = arith.constant 3 : i32
      %dma_wait3A_544 = arith.constant 0 : i32
      %dma_wait3A_545 = arith.constant 0 : i32
      %dma_wait3A_546 = tpu.memref_slice %arg7[%dma_wait3A_543, %dma_wait3A_544, %dma_wait3A_545] : memref<5x40x128xf32, #tpu.memory_space<vmem>> -> memref<1x40x128xf32, #tpu.memory_space<vmem>>
      %dma_wait3A_547 = tpu.memref_squeeze %dma_wait3A_546 : memref<1x40x128xf32, #tpu.memory_space<vmem>> -> memref<40x128xf32, #tpu.memory_space<vmem>>
      %dma_wait3A_548 = arith.constant 0 : i32
      %dma_wait3A_549 = tpu.memref_slice %arg6[%add3A_542, %dma_wait3A_548] : memref<125x40xi32, #tpu.memory_space<vmem>> -> memref<1x40xi32, #tpu.memory_space<vmem>>
      %dma_wait3A_550 = tpu.memref_squeeze %dma_wait3A_549 : memref<1x40xi32, #tpu.memory_space<vmem>> -> memref<40xi32, #tpu.memory_space<vmem>>
      %dma_wait3A_551 = arith.constant 0 : i32
      %dma_wait3A_552 = arith.constant 0 : i32
      %dma_wait3A_553 = tpu.memref_slice %arg8[%dma_wait3A_551, %dma_wait3A_552] : memref<10240x128xf32, #tpu.memory_space<vmem_shared>> -> memref<10240x128xf32, #tpu.memory_space<vmem_shared>>
      tpu.wait_indirect_dma semaphore(%arg17 : memref<!tpu.dma_semaphore, #tpu.memory_space<semaphore_mem>>) src(%dma_wait3A_547 : memref<40x128xf32, #tpu.memory_space<vmem>>) dst(%dma_wait3A_553 : memref<10240x128xf32, #tpu.memory_space<vmem_shared>>)
      %add3A_554 = arith.constant 5 : i32
      %add3A_555 = arith.addi %mul3A_286, %add3A_554 : i32
      %add3A_556 = arith.constant 3 : i32
      %add3A_557 = arith.addi %add3A_555, %add3A_556 : i32
      %mul3A_558 = arith.constant 40 : i32
      %mul3A_559 = arith.muli %add3A_557, %mul3A_558 : i32
      %add3A_560 = arith.addi %mul3A_2, %mul3A_559 : i32
      %dma_start3A_561 = arith.constant 3 : i32
      %dma_start3A_562 = arith.constant 0 : i32
      %dma_start3A_563 = arith.constant 0 : i32
      %dma_start3A_564 = tpu.memref_slice %arg7[%dma_start3A_561, %dma_start3A_562, %dma_start3A_563] : memref<5x40x128xf32, #tpu.memory_space<vmem>> -> memref<1x40x128xf32, #tpu.memory_space<vmem>>
      %dma_start3A_565 = tpu.memref_squeeze %dma_start3A_564 : memref<1x40x128xf32, #tpu.memory_space<vmem>> -> memref<40x128xf32, #tpu.memory_space<vmem>>
      %dma_start3A_566 = arith.constant 0 : i32
      %dma_start3A_567 = tpu.memref_slice %arg2[%add3A_560, %dma_start3A_566] : memref<160000x128xf32, #tpu.memory_space<hbm>> -> memref<40x128xf32, #tpu.memory_space<hbm>>
      %dma_start3A_568 = arith.constant 0 : i32
      %dma_start3A_569 = arith.constant 0 : i32
      %dma_start3A_570 = tpu.memref_slice %arg7[%dma_start3A_561, %dma_start3A_568, %dma_start3A_569] : memref<5x40x128xf32, #tpu.memory_space<vmem>> -> memref<1x40x128xf32, #tpu.memory_space<vmem>>
      %dma_start3A_571 = tpu.memref_squeeze %dma_start3A_570 : memref<1x40x128xf32, #tpu.memory_space<vmem>> -> memref<40x128xf32, #tpu.memory_space<vmem>>
      %dma_start3A_572 = arith.constant 0 : i32
      %dma_start3A_573 = tpu.memref_slice %arg2[%add3A_560, %dma_start3A_572] : memref<160000x128xf32, #tpu.memory_space<hbm>> -> memref<40x128xf32, #tpu.memory_space<hbm>>
      tpu.enqueue_dma source(%dma_start3A_573 : memref<40x128xf32, #tpu.memory_space<hbm>>) target(%dma_start3A_571 : memref<40x128xf32, #tpu.memory_space<vmem>>) target_semaphore(%arg12 : memref<!tpu.dma_semaphore, #tpu.memory_space<semaphore_mem>>)
      %add3A_574 = arith.constant 4 : i32
      %add3A_575 = arith.addi %mul3A_286, %add3A_574 : i32
      %dma_wait3A_576 = arith.constant 4 : i32
      %dma_wait3A_577 = arith.constant 0 : i32
      %dma_wait3A_578 = arith.constant 0 : i32
      %dma_wait3A_579 = tpu.memref_slice %arg7[%dma_wait3A_576, %dma_wait3A_577, %dma_wait3A_578] : memref<5x40x128xf32, #tpu.memory_space<vmem>> -> memref<1x40x128xf32, #tpu.memory_space<vmem>>
      %dma_wait3A_580 = tpu.memref_squeeze %dma_wait3A_579 : memref<1x40x128xf32, #tpu.memory_space<vmem>> -> memref<40x128xf32, #tpu.memory_space<vmem>>
      %dma_wait3A_581 = arith.constant 0 : i32
      %dma_wait3A_582 = tpu.memref_slice %arg6[%add3A_575, %dma_wait3A_581] : memref<125x40xi32, #tpu.memory_space<vmem>> -> memref<1x40xi32, #tpu.memory_space<vmem>>
      %dma_wait3A_583 = tpu.memref_squeeze %dma_wait3A_582 : memref<1x40xi32, #tpu.memory_space<vmem>> -> memref<40xi32, #tpu.memory_space<vmem>>
      %dma_wait3A_584 = arith.constant 0 : i32
      %dma_wait3A_585 = arith.constant 0 : i32
      %dma_wait3A_586 = tpu.memref_slice %arg8[%dma_wait3A_584, %dma_wait3A_585] : memref<10240x128xf32, #tpu.memory_space<vmem_shared>> -> memref<10240x128xf32, #tpu.memory_space<vmem_shared>>
      tpu.wait_indirect_dma semaphore(%arg18 : memref<!tpu.dma_semaphore, #tpu.memory_space<semaphore_mem>>) src(%dma_wait3A_580 : memref<40x128xf32, #tpu.memory_space<vmem>>) dst(%dma_wait3A_586 : memref<10240x128xf32, #tpu.memory_space<vmem_shared>>)
      %add3A_587 = arith.constant 5 : i32
      %add3A_588 = arith.addi %mul3A_286, %add3A_587 : i32
      %add3A_589 = arith.constant 4 : i32
      %add3A_590 = arith.addi %add3A_588, %add3A_589 : i32
      %mul3A_591 = arith.constant 40 : i32
      %mul3A_592 = arith.muli %add3A_590, %mul3A_591 : i32
      %add3A_593 = arith.addi %mul3A_2, %mul3A_592 : i32
      %dma_start3A_594 = arith.constant 4 : i32
      %dma_start3A_595 = arith.constant 0 : i32
      %dma_start3A_596 = arith.constant 0 : i32
      %dma_start3A_597 = tpu.memref_slice %arg7[%dma_start3A_594, %dma_start3A_595, %dma_start3A_596] : memref<5x40x128xf32, #tpu.memory_space<vmem>> -> memref<1x40x128xf32, #tpu.memory_space<vmem>>
      %dma_start3A_598 = tpu.memref_squeeze %dma_start3A_597 : memref<1x40x128xf32, #tpu.memory_space<vmem>> -> memref<40x128xf32, #tpu.memory_space<vmem>>
      %dma_start3A_599 = arith.constant 0 : i32
      %dma_start3A_600 = tpu.memref_slice %arg2[%add3A_593, %dma_start3A_599] : memref<160000x128xf32, #tpu.memory_space<hbm>> -> memref<40x128xf32, #tpu.memory_space<hbm>>
      %dma_start3A_601 = arith.constant 0 : i32
      %dma_start3A_602 = arith.constant 0 : i32
      %dma_start3A_603 = tpu.memref_slice %arg7[%dma_start3A_594, %dma_start3A_601, %dma_start3A_602] : memref<5x40x128xf32, #tpu.memory_space<vmem>> -> memref<1x40x128xf32, #tpu.memory_space<vmem>>
      %dma_start3A_604 = tpu.memref_squeeze %dma_start3A_603 : memref<1x40x128xf32, #tpu.memory_space<vmem>> -> memref<40x128xf32, #tpu.memory_space<vmem>>
      %dma_start3A_605 = arith.constant 0 : i32
      %dma_start3A_606 = tpu.memref_slice %arg2[%add3A_593, %dma_start3A_605] : memref<160000x128xf32, #tpu.memory_space<hbm>> -> memref<40x128xf32, #tpu.memory_space<hbm>>
      tpu.enqueue_dma source(%dma_start3A_606 : memref<40x128xf32, #tpu.memory_space<hbm>>) target(%dma_start3A_604 : memref<40x128xf32, #tpu.memory_space<vmem>>) target_semaphore(%arg13 : memref<!tpu.dma_semaphore, #tpu.memory_space<semaphore_mem>>)
    }
    %scan3A_84 = arith.constant 24 : i32
    %add3A_85 = arith.constant 4800 : i32
    %add3A_86 = arith.addi %mul3A_2, %add3A_85 : i32
    %dma_wait3A = arith.constant 0 : i32
    %dma_wait3A_87 = arith.constant 0 : i32
    %dma_wait3A_88 = arith.constant 0 : i32
    %dma_wait3A_89 = tpu.memref_slice %arg7[%dma_wait3A, %dma_wait3A_87, %dma_wait3A_88] : memref<5x40x128xf32, #tpu.memory_space<vmem>> -> memref<1x40x128xf32, #tpu.memory_space<vmem>>
    %dma_wait3A_90 = tpu.memref_squeeze %dma_wait3A_89 : memref<1x40x128xf32, #tpu.memory_space<vmem>> -> memref<40x128xf32, #tpu.memory_space<vmem>>
    %dma_wait3A_91 = arith.constant 0 : i32
    %dma_wait3A_92 = tpu.memref_slice %arg2[%add3A_86, %dma_wait3A_91] : memref<160000x128xf32, #tpu.memory_space<hbm>> -> memref<40x128xf32, #tpu.memory_space<hbm>>
    %dma_wait3A_93 = arith.constant 0 : i32
    %dma_wait3A_94 = arith.constant 0 : i32
    %dma_wait3A_95 = tpu.memref_slice %arg7[%dma_wait3A, %dma_wait3A_93, %dma_wait3A_94] : memref<5x40x128xf32, #tpu.memory_space<vmem>> -> memref<1x40x128xf32, #tpu.memory_space<vmem>>
    %dma_wait3A_96 = tpu.memref_squeeze %dma_wait3A_95 : memref<1x40x128xf32, #tpu.memory_space<vmem>> -> memref<40x128xf32, #tpu.memory_space<vmem>>
    %dma_wait3A_97 = arith.constant 0 : i32
    %dma_wait3A_98 = tpu.memref_slice %arg2[%add3A_86, %dma_wait3A_97] : memref<160000x128xf32, #tpu.memory_space<hbm>> -> memref<40x128xf32, #tpu.memory_space<hbm>>
    tpu.wait_dma2 semaphore(%arg9 : memref<!tpu.dma_semaphore, #tpu.memory_space<semaphore_mem>>) src(%dma_wait3A_98 : memref<40x128xf32, #tpu.memory_space<hbm>>) dst(%dma_wait3A_96 : memref<40x128xf32, #tpu.memory_space<vmem>>)
    %dma_start3A_99 = arith.constant 0 : i32
    %dma_start3A_100 = arith.constant 120 : i32
    %dma_start3A_101 = arith.constant 0 : i32
    %dma_start3A_102 = arith.constant 0 : i32
    %dma_start3A_103 = tpu.memref_slice %arg7[%dma_start3A_99, %dma_start3A_101, %dma_start3A_102] : memref<5x40x128xf32, #tpu.memory_space<vmem>> -> memref<1x40x128xf32, #tpu.memory_space<vmem>>
    %dma_start3A_104 = tpu.memref_squeeze %dma_start3A_103 : memref<1x40x128xf32, #tpu.memory_space<vmem>> -> memref<40x128xf32, #tpu.memory_space<vmem>>
    %dma_start3A_105 = arith.constant 0 : i32
    %dma_start3A_106 = tpu.memref_slice %arg6[%dma_start3A_100, %dma_start3A_105] : memref<125x40xi32, #tpu.memory_space<vmem>> -> memref<1x40xi32, #tpu.memory_space<vmem>>
    %dma_start3A_107 = tpu.memref_squeeze %dma_start3A_106 : memref<1x40xi32, #tpu.memory_space<vmem>> -> memref<40xi32, #tpu.memory_space<vmem>>
    %dma_start3A_108 = arith.constant 0 : i32
    %dma_start3A_109 = arith.constant 0 : i32
    %dma_start3A_110 = tpu.memref_slice %arg8[%dma_start3A_108, %dma_start3A_109] : memref<10240x128xf32, #tpu.memory_space<vmem_shared>> -> memref<10240x128xf32, #tpu.memory_space<vmem_shared>>
    tpu.enqueue_indirect_dma source(%dma_start3A_104 : memref<40x128xf32, #tpu.memory_space<vmem>>) target(%dma_start3A_110 : memref<10240x128xf32, #tpu.memory_space<vmem_shared>>) offsets(%dma_start3A_107 : memref<40xi32, #tpu.memory_space<vmem>>) semaphore(%arg14 : memref<!tpu.dma_semaphore, #tpu.memory_space<semaphore_mem>>) {add = true}
    %add3A_111 = arith.constant 4840 : i32
    %add3A_112 = arith.addi %mul3A_2, %add3A_111 : i32
    %dma_wait3A_113 = arith.constant 1 : i32
    %dma_wait3A_114 = arith.constant 0 : i32
    %dma_wait3A_115 = arith.constant 0 : i32
    %dma_wait3A_116 = tpu.memref_slice %arg7[%dma_wait3A_113, %dma_wait3A_114, %dma_wait3A_115] : memref<5x40x128xf32, #tpu.memory_space<vmem>> -> memref<1x40x128xf32, #tpu.memory_space<vmem>>
    %dma_wait3A_117 = tpu.memref_squeeze %dma_wait3A_116 : memref<1x40x128xf32, #tpu.memory_space<vmem>> -> memref<40x128xf32, #tpu.memory_space<vmem>>
    %dma_wait3A_118 = arith.constant 0 : i32
    %dma_wait3A_119 = tpu.memref_slice %arg2[%add3A_112, %dma_wait3A_118] : memref<160000x128xf32, #tpu.memory_space<hbm>> -> memref<40x128xf32, #tpu.memory_space<hbm>>
    %dma_wait3A_120 = arith.constant 0 : i32
    %dma_wait3A_121 = arith.constant 0 : i32
    %dma_wait3A_122 = tpu.memref_slice %arg7[%dma_wait3A_113, %dma_wait3A_120, %dma_wait3A_121] : memref<5x40x128xf32, #tpu.memory_space<vmem>> -> memref<1x40x128xf32, #tpu.memory_space<vmem>>
    %dma_wait3A_123 = tpu.memref_squeeze %dma_wait3A_122 : memref<1x40x128xf32, #tpu.memory_space<vmem>> -> memref<40x128xf32, #tpu.memory_space<vmem>>
    %dma_wait3A_124 = arith.constant 0 : i32
    %dma_wait3A_125 = tpu.memref_slice %arg2[%add3A_112, %dma_wait3A_124] : memref<160000x128xf32, #tpu.memory_space<hbm>> -> memref<40x128xf32, #tpu.memory_space<hbm>>
    tpu.wait_dma2 semaphore(%arg10 : memref<!tpu.dma_semaphore, #tpu.memory_space<semaphore_mem>>) src(%dma_wait3A_125 : memref<40x128xf32, #tpu.memory_space<hbm>>) dst(%dma_wait3A_123 : memref<40x128xf32, #tpu.memory_space<vmem>>)
    %dma_start3A_126 = arith.constant 1 : i32
    %dma_start3A_127 = arith.constant 121 : i32
    %dma_start3A_128 = arith.constant 0 : i32
    %dma_start3A_129 = arith.constant 0 : i32
    %dma_start3A_130 = tpu.memref_slice %arg7[%dma_start3A_126, %dma_start3A_128, %dma_start3A_129] : memref<5x40x128xf32, #tpu.memory_space<vmem>> -> memref<1x40x128xf32, #tpu.memory_space<vmem>>
    %dma_start3A_131 = tpu.memref_squeeze %dma_start3A_130 : memref<1x40x128xf32, #tpu.memory_space<vmem>> -> memref<40x128xf32, #tpu.memory_space<vmem>>
    %dma_start3A_132 = arith.constant 0 : i32
    %dma_start3A_133 = tpu.memref_slice %arg6[%dma_start3A_127, %dma_start3A_132] : memref<125x40xi32, #tpu.memory_space<vmem>> -> memref<1x40xi32, #tpu.memory_space<vmem>>
    %dma_start3A_134 = tpu.memref_squeeze %dma_start3A_133 : memref<1x40xi32, #tpu.memory_space<vmem>> -> memref<40xi32, #tpu.memory_space<vmem>>
    %dma_start3A_135 = arith.constant 0 : i32
    %dma_start3A_136 = arith.constant 0 : i32
    %dma_start3A_137 = tpu.memref_slice %arg8[%dma_start3A_135, %dma_start3A_136] : memref<10240x128xf32, #tpu.memory_space<vmem_shared>> -> memref<10240x128xf32, #tpu.memory_space<vmem_shared>>
    tpu.enqueue_indirect_dma source(%dma_start3A_131 : memref<40x128xf32, #tpu.memory_space<vmem>>) target(%dma_start3A_137 : memref<10240x128xf32, #tpu.memory_space<vmem_shared>>) offsets(%dma_start3A_134 : memref<40xi32, #tpu.memory_space<vmem>>) semaphore(%arg15 : memref<!tpu.dma_semaphore, #tpu.memory_space<semaphore_mem>>) {add = true}
    %add3A_138 = arith.constant 4880 : i32
    %add3A_139 = arith.addi %mul3A_2, %add3A_138 : i32
    %dma_wait3A_140 = arith.constant 2 : i32
    %dma_wait3A_141 = arith.constant 0 : i32
    %dma_wait3A_142 = arith.constant 0 : i32
    %dma_wait3A_143 = tpu.memref_slice %arg7[%dma_wait3A_140, %dma_wait3A_141, %dma_wait3A_142] : memref<5x40x128xf32, #tpu.memory_space<vmem>> -> memref<1x40x128xf32, #tpu.memory_space<vmem>>
    %dma_wait3A_144 = tpu.memref_squeeze %dma_wait3A_143 : memref<1x40x128xf32, #tpu.memory_space<vmem>> -> memref<40x128xf32, #tpu.memory_space<vmem>>
    %dma_wait3A_145 = arith.constant 0 : i32
    %dma_wait3A_146 = tpu.memref_slice %arg2[%add3A_139, %dma_wait3A_145] : memref<160000x128xf32, #tpu.memory_space<hbm>> -> memref<40x128xf32, #tpu.memory_space<hbm>>
    %dma_wait3A_147 = arith.constant 0 : i32
    %dma_wait3A_148 = arith.constant 0 : i32
    %dma_wait3A_149 = tpu.memref_slice %arg7[%dma_wait3A_140, %dma_wait3A_147, %dma_wait3A_148] : memref<5x40x128xf32, #tpu.memory_space<vmem>> -> memref<1x40x128xf32, #tpu.memory_space<vmem>>
    %dma_wait3A_150 = tpu.memref_squeeze %dma_wait3A_149 : memref<1x40x128xf32, #tpu.memory_space<vmem>> -> memref<40x128xf32, #tpu.memory_space<vmem>>
    %dma_wait3A_151 = arith.constant 0 : i32
    %dma_wait3A_152 = tpu.memref_slice %arg2[%add3A_139, %dma_wait3A_151] : memref<160000x128xf32, #tpu.memory_space<hbm>> -> memref<40x128xf32, #tpu.memory_space<hbm>>
    tpu.wait_dma2 semaphore(%arg11 : memref<!tpu.dma_semaphore, #tpu.memory_space<semaphore_mem>>) src(%dma_wait3A_152 : memref<40x128xf32, #tpu.memory_space<hbm>>) dst(%dma_wait3A_150 : memref<40x128xf32, #tpu.memory_space<vmem>>)
    %dma_start3A_153 = arith.constant 2 : i32
    %dma_start3A_154 = arith.constant 122 : i32
    %dma_start3A_155 = arith.constant 0 : i32
    %dma_start3A_156 = arith.constant 0 : i32
    %dma_start3A_157 = tpu.memref_slice %arg7[%dma_start3A_153, %dma_start3A_155, %dma_start3A_156] : memref<5x40x128xf32, #tpu.memory_space<vmem>> -> memref<1x40x128xf32, #tpu.memory_space<vmem>>
    %dma_start3A_158 = tpu.memref_squeeze %dma_start3A_157 : memref<1x40x128xf32, #tpu.memory_space<vmem>> -> memref<40x128xf32, #tpu.memory_space<vmem>>
    %dma_start3A_159 = arith.constant 0 : i32
    %dma_start3A_160 = tpu.memref_slice %arg6[%dma_start3A_154, %dma_start3A_159] : memref<125x40xi32, #tpu.memory_space<vmem>> -> memref<1x40xi32, #tpu.memory_space<vmem>>
    %dma_start3A_161 = tpu.memref_squeeze %dma_start3A_160 : memref<1x40xi32, #tpu.memory_space<vmem>> -> memref<40xi32, #tpu.memory_space<vmem>>
    %dma_start3A_162 = arith.constant 0 : i32
    %dma_start3A_163 = arith.constant 0 : i32
    %dma_start3A_164 = tpu.memref_slice %arg8[%dma_start3A_162, %dma_start3A_163] : memref<10240x128xf32, #tpu.memory_space<vmem_shared>> -> memref<10240x128xf32, #tpu.memory_space<vmem_shared>>
    tpu.enqueue_indirect_dma source(%dma_start3A_158 : memref<40x128xf32, #tpu.memory_space<vmem>>) target(%dma_start3A_164 : memref<10240x128xf32, #tpu.memory_space<vmem_shared>>) offsets(%dma_start3A_161 : memref<40xi32, #tpu.memory_space<vmem>>) semaphore(%arg16 : memref<!tpu.dma_semaphore, #tpu.memory_space<semaphore_mem>>) {add = true}
    %add3A_165 = arith.constant 4920 : i32
    %add3A_166 = arith.addi %mul3A_2, %add3A_165 : i32
    %dma_wait3A_167 = arith.constant 3 : i32
    %dma_wait3A_168 = arith.constant 0 : i32
    %dma_wait3A_169 = arith.constant 0 : i32
    %dma_wait3A_170 = tpu.memref_slice %arg7[%dma_wait3A_167, %dma_wait3A_168, %dma_wait3A_169] : memref<5x40x128xf32, #tpu.memory_space<vmem>> -> memref<1x40x128xf32, #tpu.memory_space<vmem>>
    %dma_wait3A_171 = tpu.memref_squeeze %dma_wait3A_170 : memref<1x40x128xf32, #tpu.memory_space<vmem>> -> memref<40x128xf32, #tpu.memory_space<vmem>>
    %dma_wait3A_172 = arith.constant 0 : i32
    %dma_wait3A_173 = tpu.memref_slice %arg2[%add3A_166, %dma_wait3A_172] : memref<160000x128xf32, #tpu.memory_space<hbm>> -> memref<40x128xf32, #tpu.memory_space<hbm>>
    %dma_wait3A_174 = arith.constant 0 : i32
    %dma_wait3A_175 = arith.constant 0 : i32
    %dma_wait3A_176 = tpu.memref_slice %arg7[%dma_wait3A_167, %dma_wait3A_174, %dma_wait3A_175] : memref<5x40x128xf32, #tpu.memory_space<vmem>> -> memref<1x40x128xf32, #tpu.memory_space<vmem>>
    %dma_wait3A_177 = tpu.memref_squeeze %dma_wait3A_176 : memref<1x40x128xf32, #tpu.memory_space<vmem>> -> memref<40x128xf32, #tpu.memory_space<vmem>>
    %dma_wait3A_178 = arith.constant 0 : i32
    %dma_wait3A_179 = tpu.memref_slice %arg2[%add3A_166, %dma_wait3A_178] : memref<160000x128xf32, #tpu.memory_space<hbm>> -> memref<40x128xf32, #tpu.memory_space<hbm>>
    tpu.wait_dma2 semaphore(%arg12 : memref<!tpu.dma_semaphore, #tpu.memory_space<semaphore_mem>>) src(%dma_wait3A_179 : memref<40x128xf32, #tpu.memory_space<hbm>>) dst(%dma_wait3A_177 : memref<40x128xf32, #tpu.memory_space<vmem>>)
    %dma_start3A_180 = arith.constant 3 : i32
    %dma_start3A_181 = arith.constant 123 : i32
    %dma_start3A_182 = arith.constant 0 : i32
    %dma_start3A_183 = arith.constant 0 : i32
    %dma_start3A_184 = tpu.memref_slice %arg7[%dma_start3A_180, %dma_start3A_182, %dma_start3A_183] : memref<5x40x128xf32, #tpu.memory_space<vmem>> -> memref<1x40x128xf32, #tpu.memory_space<vmem>>
    %dma_start3A_185 = tpu.memref_squeeze %dma_start3A_184 : memref<1x40x128xf32, #tpu.memory_space<vmem>> -> memref<40x128xf32, #tpu.memory_space<vmem>>
    %dma_start3A_186 = arith.constant 0 : i32
    %dma_start3A_187 = tpu.memref_slice %arg6[%dma_start3A_181, %dma_start3A_186] : memref<125x40xi32, #tpu.memory_space<vmem>> -> memref<1x40xi32, #tpu.memory_space<vmem>>
    %dma_start3A_188 = tpu.memref_squeeze %dma_start3A_187 : memref<1x40xi32, #tpu.memory_space<vmem>> -> memref<40xi32, #tpu.memory_space<vmem>>
    %dma_start3A_189 = arith.constant 0 : i32
    %dma_start3A_190 = arith.constant 0 : i32
    %dma_start3A_191 = tpu.memref_slice %arg8[%dma_start3A_189, %dma_start3A_190] : memref<10240x128xf32, #tpu.memory_space<vmem_shared>> -> memref<10240x128xf32, #tpu.memory_space<vmem_shared>>
    tpu.enqueue_indirect_dma source(%dma_start3A_185 : memref<40x128xf32, #tpu.memory_space<vmem>>) target(%dma_start3A_191 : memref<10240x128xf32, #tpu.memory_space<vmem_shared>>) offsets(%dma_start3A_188 : memref<40xi32, #tpu.memory_space<vmem>>) semaphore(%arg17 : memref<!tpu.dma_semaphore, #tpu.memory_space<semaphore_mem>>) {add = true}
    %add3A_192 = arith.constant 4960 : i32
    %add3A_193 = arith.addi %mul3A_2, %add3A_192 : i32
    %dma_wait3A_194 = arith.constant 4 : i32
    %dma_wait3A_195 = arith.constant 0 : i32
    %dma_wait3A_196 = arith.constant 0 : i32
    %dma_wait3A_197 = tpu.memref_slice %arg7[%dma_wait3A_194, %dma_wait3A_195, %dma_wait3A_196] : memref<5x40x128xf32, #tpu.memory_space<vmem>> -> memref<1x40x128xf32, #tpu.memory_space<vmem>>
    %dma_wait3A_198 = tpu.memref_squeeze %dma_wait3A_197 : memref<1x40x128xf32, #tpu.memory_space<vmem>> -> memref<40x128xf32, #tpu.memory_space<vmem>>
    %dma_wait3A_199 = arith.constant 0 : i32
    %dma_wait3A_200 = tpu.memref_slice %arg2[%add3A_193, %dma_wait3A_199] : memref<160000x128xf32, #tpu.memory_space<hbm>> -> memref<40x128xf32, #tpu.memory_space<hbm>>
    %dma_wait3A_201 = arith.constant 0 : i32
    %dma_wait3A_202 = arith.constant 0 : i32
    %dma_wait3A_203 = tpu.memref_slice %arg7[%dma_wait3A_194, %dma_wait3A_201, %dma_wait3A_202] : memref<5x40x128xf32, #tpu.memory_space<vmem>> -> memref<1x40x128xf32, #tpu.memory_space<vmem>>
    %dma_wait3A_204 = tpu.memref_squeeze %dma_wait3A_203 : memref<1x40x128xf32, #tpu.memory_space<vmem>> -> memref<40x128xf32, #tpu.memory_space<vmem>>
    %dma_wait3A_205 = arith.constant 0 : i32
    %dma_wait3A_206 = tpu.memref_slice %arg2[%add3A_193, %dma_wait3A_205] : memref<160000x128xf32, #tpu.memory_space<hbm>> -> memref<40x128xf32, #tpu.memory_space<hbm>>
    tpu.wait_dma2 semaphore(%arg13 : memref<!tpu.dma_semaphore, #tpu.memory_space<semaphore_mem>>) src(%dma_wait3A_206 : memref<40x128xf32, #tpu.memory_space<hbm>>) dst(%dma_wait3A_204 : memref<40x128xf32, #tpu.memory_space<vmem>>)
    %dma_start3A_207 = arith.constant 4 : i32
    %dma_start3A_208 = arith.constant 124 : i32
    %dma_start3A_209 = arith.constant 0 : i32
    %dma_start3A_210 = arith.constant 0 : i32
    %dma_start3A_211 = tpu.memref_slice %arg7[%dma_start3A_207, %dma_start3A_209, %dma_start3A_210] : memref<5x40x128xf32, #tpu.memory_space<vmem>> -> memref<1x40x128xf32, #tpu.memory_space<vmem>>
    %dma_start3A_212 = tpu.memref_squeeze %dma_start3A_211 : memref<1x40x128xf32, #tpu.memory_space<vmem>> -> memref<40x128xf32, #tpu.memory_space<vmem>>
    %dma_start3A_213 = arith.constant 0 : i32
    %dma_start3A_214 = tpu.memref_slice %arg6[%dma_start3A_208, %dma_start3A_213] : memref<125x40xi32, #tpu.memory_space<vmem>> -> memref<1x40xi32, #tpu.memory_space<vmem>>
    %dma_start3A_215 = tpu.memref_squeeze %dma_start3A_214 : memref<1x40xi32, #tpu.memory_space<vmem>> -> memref<40xi32, #tpu.memory_space<vmem>>
    %dma_start3A_216 = arith.constant 0 : i32
    %dma_start3A_217 = arith.constant 0 : i32
    %dma_start3A_218 = tpu.memref_slice %arg8[%dma_start3A_216, %dma_start3A_217] : memref<10240x128xf32, #tpu.memory_space<vmem_shared>> -> memref<10240x128xf32, #tpu.memory_space<vmem_shared>>
    tpu.enqueue_indirect_dma source(%dma_start3A_212 : memref<40x128xf32, #tpu.memory_space<vmem>>) target(%dma_start3A_218 : memref<10240x128xf32, #tpu.memory_space<vmem_shared>>) offsets(%dma_start3A_215 : memref<40xi32, #tpu.memory_space<vmem>>) semaphore(%arg18 : memref<!tpu.dma_semaphore, #tpu.memory_space<semaphore_mem>>) {add = true}
    %dma_wait3A_219 = arith.constant 0 : i32
    %dma_wait3A_220 = arith.constant 120 : i32
    %dma_wait3A_221 = arith.constant 0 : i32
    %dma_wait3A_222 = arith.constant 0 : i32
    %dma_wait3A_223 = tpu.memref_slice %arg7[%dma_wait3A_219, %dma_wait3A_221, %dma_wait3A_222] : memref<5x40x128xf32, #tpu.memory_space<vmem>> -> memref<1x40x128xf32, #tpu.memory_space<vmem>>
    %dma_wait3A_224 = tpu.memref_squeeze %dma_wait3A_223 : memref<1x40x128xf32, #tpu.memory_space<vmem>> -> memref<40x128xf32, #tpu.memory_space<vmem>>
    %dma_wait3A_225 = arith.constant 0 : i32
    %dma_wait3A_226 = tpu.memref_slice %arg6[%dma_wait3A_220, %dma_wait3A_225] : memref<125x40xi32, #tpu.memory_space<vmem>> -> memref<1x40xi32, #tpu.memory_space<vmem>>
    %dma_wait3A_227 = tpu.memref_squeeze %dma_wait3A_226 : memref<1x40xi32, #tpu.memory_space<vmem>> -> memref<40xi32, #tpu.memory_space<vmem>>
    %dma_wait3A_228 = arith.constant 0 : i32
    %dma_wait3A_229 = arith.constant 0 : i32
    %dma_wait3A_230 = tpu.memref_slice %arg8[%dma_wait3A_228, %dma_wait3A_229] : memref<10240x128xf32, #tpu.memory_space<vmem_shared>> -> memref<10240x128xf32, #tpu.memory_space<vmem_shared>>
    tpu.wait_indirect_dma semaphore(%arg14 : memref<!tpu.dma_semaphore, #tpu.memory_space<semaphore_mem>>) src(%dma_wait3A_224 : memref<40x128xf32, #tpu.memory_space<vmem>>) dst(%dma_wait3A_230 : memref<10240x128xf32, #tpu.memory_space<vmem_shared>>)
    %dma_wait3A_231 = arith.constant 1 : i32
    %dma_wait3A_232 = arith.constant 121 : i32
    %dma_wait3A_233 = arith.constant 0 : i32
    %dma_wait3A_234 = arith.constant 0 : i32
    %dma_wait3A_235 = tpu.memref_slice %arg7[%dma_wait3A_231, %dma_wait3A_233, %dma_wait3A_234] : memref<5x40x128xf32, #tpu.memory_space<vmem>> -> memref<1x40x128xf32, #tpu.memory_space<vmem>>
    %dma_wait3A_236 = tpu.memref_squeeze %dma_wait3A_235 : memref<1x40x128xf32, #tpu.memory_space<vmem>> -> memref<40x128xf32, #tpu.memory_space<vmem>>
    %dma_wait3A_237 = arith.constant 0 : i32
    %dma_wait3A_238 = tpu.memref_slice %arg6[%dma_wait3A_232, %dma_wait3A_237] : memref<125x40xi32, #tpu.memory_space<vmem>> -> memref<1x40xi32, #tpu.memory_space<vmem>>
    %dma_wait3A_239 = tpu.memref_squeeze %dma_wait3A_238 : memref<1x40xi32, #tpu.memory_space<vmem>> -> memref<40xi32, #tpu.memory_space<vmem>>
    %dma_wait3A_240 = arith.constant 0 : i32
    %dma_wait3A_241 = arith.constant 0 : i32
    %dma_wait3A_242 = tpu.memref_slice %arg8[%dma_wait3A_240, %dma_wait3A_241] : memref<10240x128xf32, #tpu.memory_space<vmem_shared>> -> memref<10240x128xf32, #tpu.memory_space<vmem_shared>>
    tpu.wait_indirect_dma semaphore(%arg15 : memref<!tpu.dma_semaphore, #tpu.memory_space<semaphore_mem>>) src(%dma_wait3A_236 : memref<40x128xf32, #tpu.memory_space<vmem>>) dst(%dma_wait3A_242 : memref<10240x128xf32, #tpu.memory_space<vmem_shared>>)
    %dma_wait3A_243 = arith.constant 2 : i32
    %dma_wait3A_244 = arith.constant 122 : i32
    %dma_wait3A_245 = arith.constant 0 : i32
    %dma_wait3A_246 = arith.constant 0 : i32
    %dma_wait3A_247 = tpu.memref_slice %arg7[%dma_wait3A_243, %dma_wait3A_245, %dma_wait3A_246] : memref<5x40x128xf32, #tpu.memory_space<vmem>> -> memref<1x40x128xf32, #tpu.memory_space<vmem>>
    %dma_wait3A_248 = tpu.memref_squeeze %dma_wait3A_247 : memref<1x40x128xf32, #tpu.memory_space<vmem>> -> memref<40x128xf32, #tpu.memory_space<vmem>>
    %dma_wait3A_249 = arith.constant 0 : i32
    %dma_wait3A_250 = tpu.memref_slice %arg6[%dma_wait3A_244, %dma_wait3A_249] : memref<125x40xi32, #tpu.memory_space<vmem>> -> memref<1x40xi32, #tpu.memory_space<vmem>>
    %dma_wait3A_251 = tpu.memref_squeeze %dma_wait3A_250 : memref<1x40xi32, #tpu.memory_space<vmem>> -> memref<40xi32, #tpu.memory_space<vmem>>
    %dma_wait3A_252 = arith.constant 0 : i32
    %dma_wait3A_253 = arith.constant 0 : i32
    %dma_wait3A_254 = tpu.memref_slice %arg8[%dma_wait3A_252, %dma_wait3A_253] : memref<10240x128xf32, #tpu.memory_space<vmem_shared>> -> memref<10240x128xf32, #tpu.memory_space<vmem_shared>>
    tpu.wait_indirect_dma semaphore(%arg16 : memref<!tpu.dma_semaphore, #tpu.memory_space<semaphore_mem>>) src(%dma_wait3A_248 : memref<40x128xf32, #tpu.memory_space<vmem>>) dst(%dma_wait3A_254 : memref<10240x128xf32, #tpu.memory_space<vmem_shared>>)
    %dma_wait3A_255 = arith.constant 3 : i32
    %dma_wait3A_256 = arith.constant 123 : i32
    %dma_wait3A_257 = arith.constant 0 : i32
    %dma_wait3A_258 = arith.constant 0 : i32
    %dma_wait3A_259 = tpu.memref_slice %arg7[%dma_wait3A_255, %dma_wait3A_257, %dma_wait3A_258] : memref<5x40x128xf32, #tpu.memory_space<vmem>> -> memref<1x40x128xf32, #tpu.memory_space<vmem>>
    %dma_wait3A_260 = tpu.memref_squeeze %dma_wait3A_259 : memref<1x40x128xf32, #tpu.memory_space<vmem>> -> memref<40x128xf32, #tpu.memory_space<vmem>>
    %dma_wait3A_261 = arith.constant 0 : i32
    %dma_wait3A_262 = tpu.memref_slice %arg6[%dma_wait3A_256, %dma_wait3A_261] : memref<125x40xi32, #tpu.memory_space<vmem>> -> memref<1x40xi32, #tpu.memory_space<vmem>>
    %dma_wait3A_263 = tpu.memref_squeeze %dma_wait3A_262 : memref<1x40xi32, #tpu.memory_space<vmem>> -> memref<40xi32, #tpu.memory_space<vmem>>
    %dma_wait3A_264 = arith.constant 0 : i32
    %dma_wait3A_265 = arith.constant 0 : i32
    %dma_wait3A_266 = tpu.memref_slice %arg8[%dma_wait3A_264, %dma_wait3A_265] : memref<10240x128xf32, #tpu.memory_space<vmem_shared>> -> memref<10240x128xf32, #tpu.memory_space<vmem_shared>>
    tpu.wait_indirect_dma semaphore(%arg17 : memref<!tpu.dma_semaphore, #tpu.memory_space<semaphore_mem>>) src(%dma_wait3A_260 : memref<40x128xf32, #tpu.memory_space<vmem>>) dst(%dma_wait3A_266 : memref<10240x128xf32, #tpu.memory_space<vmem_shared>>)
    %dma_wait3A_267 = arith.constant 4 : i32
    %dma_wait3A_268 = arith.constant 124 : i32
    %dma_wait3A_269 = arith.constant 0 : i32
    %dma_wait3A_270 = arith.constant 0 : i32
    %dma_wait3A_271 = tpu.memref_slice %arg7[%dma_wait3A_267, %dma_wait3A_269, %dma_wait3A_270] : memref<5x40x128xf32, #tpu.memory_space<vmem>> -> memref<1x40x128xf32, #tpu.memory_space<vmem>>
    %dma_wait3A_272 = tpu.memref_squeeze %dma_wait3A_271 : memref<1x40x128xf32, #tpu.memory_space<vmem>> -> memref<40x128xf32, #tpu.memory_space<vmem>>
    %dma_wait3A_273 = arith.constant 0 : i32
    %dma_wait3A_274 = tpu.memref_slice %arg6[%dma_wait3A_268, %dma_wait3A_273] : memref<125x40xi32, #tpu.memory_space<vmem>> -> memref<1x40xi32, #tpu.memory_space<vmem>>
    %dma_wait3A_275 = tpu.memref_squeeze %dma_wait3A_274 : memref<1x40xi32, #tpu.memory_space<vmem>> -> memref<40xi32, #tpu.memory_space<vmem>>
    %dma_wait3A_276 = arith.constant 0 : i32
    %dma_wait3A_277 = arith.constant 0 : i32
    %dma_wait3A_278 = tpu.memref_slice %arg8[%dma_wait3A_276, %dma_wait3A_277] : memref<10240x128xf32, #tpu.memory_space<vmem_shared>> -> memref<10240x128xf32, #tpu.memory_space<vmem_shared>>
    tpu.wait_indirect_dma semaphore(%arg18 : memref<!tpu.dma_semaphore, #tpu.memory_space<semaphore_mem>>) src(%dma_wait3A_272 : memref<40x128xf32, #tpu.memory_space<vmem>>) dst(%dma_wait3A_278 : memref<10240x128xf32, #tpu.memory_space<vmem_shared>>)
    %barrier3A_279 = arith.constant 0 : index
    tpu.barrier barrier_id(%barrier3A_279)
    %mul3A_280 = arith.constant 640 : i32
    %mul3A_281 = arith.muli %arg1, %mul3A_280 : i32
    %mul3A_282 = arith.constant 640 : i32
    %mul3A_283 = arith.muli %arg1, %mul3A_282 : i32
    "tpu.region"() ({
      %run_scoped3A = tpu.sem_alloc : memref<!tpu.dma_semaphore, #tpu.memory_space<semaphore_mem>>
      %dma_start3A_284 = arith.constant 0 : i32
      %dma_start3A_285 = arith.constant 0 : i32
      %dma_start3A_286 = tpu.memref_slice %arg5[%arg0, %dma_start3A_284, %dma_start3A_285] : memref<2x10240x128xf32, #tpu.memory_space<hbm>> -> memref<1x10240x128xf32, #tpu.memory_space<hbm>>
      %dma_start3A_287 = tpu.memref_squeeze %dma_start3A_286 : memref<1x10240x128xf32, #tpu.memory_space<hbm>> -> memref<10240x128xf32, #tpu.memory_space<hbm>>
      %dma_start3A_288 = arith.constant 0 : i32
      %dma_start3A_289 = tpu.memref_slice %dma_start3A_287[%mul3A_283, %dma_start3A_288] : memref<10240x128xf32, #tpu.memory_space<hbm>> -> memref<640x128xf32, #tpu.memory_space<hbm>>
      %dma_start3A_290 = arith.constant 0 : i32
      %dma_start3A_291 = tpu.memref_slice %arg8[%mul3A_281, %dma_start3A_290] : memref<10240x128xf32, #tpu.memory_space<vmem_shared>> -> memref<640x128xf32, #tpu.memory_space<vmem_shared>>
      tpu.enqueue_dma source(%dma_start3A_291 : memref<640x128xf32, #tpu.memory_space<vmem_shared>>) target(%dma_start3A_289 : memref<640x128xf32, #tpu.memory_space<hbm>>) target_semaphore(%run_scoped3A : memref<!tpu.dma_semaphore, #tpu.memory_space<semaphore_mem>>)
      %dma_wait3A_292 = arith.constant 0 : i32
      %dma_wait3A_293 = arith.constant 0 : i32
      %dma_wait3A_294 = tpu.memref_slice %arg5[%arg0, %dma_wait3A_292, %dma_wait3A_293] : memref<2x10240x128xf32, #tpu.memory_space<hbm>> -> memref<1x10240x128xf32, #tpu.memory_space<hbm>>
      %dma_wait3A_295 = tpu.memref_squeeze %dma_wait3A_294 : memref<1x10240x128xf32, #tpu.memory_space<hbm>> -> memref<10240x128xf32, #tpu.memory_space<hbm>>
      %dma_wait3A_296 = arith.constant 0 : i32
      %dma_wait3A_297 = tpu.memref_slice %dma_wait3A_295[%mul3A_283, %dma_wait3A_296] : memref<10240x128xf32, #tpu.memory_space<hbm>> -> memref<640x128xf32, #tpu.memory_space<hbm>>
      %dma_wait3A_298 = arith.constant 0 : i32
      %dma_wait3A_299 = tpu.memref_slice %arg8[%mul3A_281, %dma_wait3A_298] : memref<10240x128xf32, #tpu.memory_space<vmem_shared>> -> memref<640x128xf32, #tpu.memory_space<vmem_shared>>
      tpu.wait_dma2 semaphore(%run_scoped3A : memref<!tpu.dma_semaphore, #tpu.memory_space<semaphore_mem>>) src(%dma_wait3A_299 : memref<640x128xf32, #tpu.memory_space<vmem_shared>>) dst(%dma_wait3A_297 : memref<640x128xf32, #tpu.memory_space<hbm>>)
      tpu.yield
    }) : () -> ()
    return
  }
}

module attributes {stable_mosaic.version = 14 : i64} {
  func.func @_msg_body(%arg0: i32, %arg1: memref<4000x128xf32, #tpu.memory_space<vmem>>, %arg2: memref<4000x4xbf16, #tpu.memory_space<vmem>>, %arg3: memref<128x256xbf16, #tpu.memory_space<vmem>>, %arg4: memref<4x256xbf16, #tpu.memory_space<vmem>>, %arg5: memref<64x128xbf16, #tpu.memory_space<vmem>>, %arg6: memref<4000x128xf32, #tpu.memory_space<vmem>>) attributes {dimension_semantics = [#tpu.dimension_semantics<arbitrary>], iteration_bounds = array<i64: 40>, scalar_prefetch = 0 : i64, scratch_operands = 0 : i64, tpu.core_type = #tpu.core_type<tc>, window_params = [{transform_indices = @transform_0, window_bounds = array<i64: 4000, 128>}, {transform_indices = @transform_1, window_bounds = array<i64: 4000, 4>}, {pipeline_mode = #tpu.pipeline_mode<synchronous>, transform_indices = @transform_2, window_bounds = array<i64: 128, 256>}, {pipeline_mode = #tpu.pipeline_mode<synchronous>, transform_indices = @transform_3, window_bounds = array<i64: 4, 256>}, {pipeline_mode = #tpu.pipeline_mode<synchronous>, transform_indices = @transform_4, window_bounds = array<i64: 64, 128>}, {transform_indices = @transform_5, window_bounds = array<i64: 4000, 128>}]} {
    %get3A = arith.constant 0 : index
    %get3A_0 = arith.constant 0 : index
    %get3A_1 = vector.load %arg1[%get3A, %get3A_0] : memref<4000x128xf32, #tpu.memory_space<vmem>>, vector<4000x128xf32>
    %convert_element_type3A = arith.truncf %get3A_1 : vector<4000x128xf32> to vector<4000x128xbf16>
    %get3A_2 = arith.constant 0 : index
    %get3A_3 = arith.constant 0 : index
    %get3A_4 = vector.load %arg3[%get3A_2, %get3A_3] : memref<128x256xbf16, #tpu.memory_space<vmem>>, vector<128x256xbf16>
    %dot_general3A = arith.constant dense<0.000000e+00> : vector<4000x256xf32>
    %dot_general3A_5 = tpu.matmul %convert_element_type3A, %get3A_4, %dot_general3A {dimension_numbers = #tpu.dot_dimension_numbers<[1], [0], [0], [1], [0, 0, 1, 1], [], []>, transpose_lhs_hint = false} : vector<4000x128xbf16>, vector<128x256xbf16>, vector<4000x256xf32> -> vector<4000x256xf32>
    %get3A_6 = arith.constant 0 : index
    %get3A_7 = arith.constant 0 : index
    %get3A_8 = vector.load %arg2[%get3A_6, %get3A_7] : memref<4000x4xbf16, #tpu.memory_space<vmem>>, vector<4000x4xbf16>
    %get3A_9 = arith.constant 0 : index
    %get3A_10 = arith.constant 0 : index
    %get3A_11 = vector.load %arg4[%get3A_9, %get3A_10] : memref<4x256xbf16, #tpu.memory_space<vmem>>, vector<4x256xbf16>
    %dot_general3A_12 = arith.constant dense<0.000000e+00> : vector<4000x256xf32>
    %dot_general3A_13 = tpu.matmul %get3A_8, %get3A_11, %dot_general3A_12 {dimension_numbers = #tpu.dot_dimension_numbers<[1], [0], [0], [1], [0, 0, 1, 1], [], []>, transpose_lhs_hint = false} : vector<4000x4xbf16>, vector<4x256xbf16>, vector<4000x256xf32> -> vector<4000x256xf32>
    %mul3A = arith.mulf %dot_general3A_5, %dot_general3A_13 : vector<4000x256xf32>
    %slice3A = vector.extract_strided_slice %mul3A {offsets = [0, 0], sizes = [4000, 128], strides = [1, 1]} : vector<4000x256xf32> to vector<4000x128xf32>
    %slice3A_14 = vector.extract_strided_slice %mul3A {offsets = [0, 128], sizes = [4000, 128], strides = [1, 1]} : vector<4000x256xf32> to vector<4000x128xf32>
    %add3A = arith.addf %slice3A, %slice3A_14 : vector<4000x128xf32>
    %slice3A_15 = vector.extract_strided_slice %add3A {offsets = [0, 0], sizes = [4000, 64], strides = [1, 1]} : vector<4000x128xf32> to vector<4000x64xf32>
    %slice3A_16 = vector.extract_strided_slice %add3A {offsets = [0, 64], sizes = [4000, 64], strides = [1, 1]} : vector<4000x128xf32> to vector<4000x64xf32>
    %add3A_17 = arith.addf %slice3A_15, %slice3A_16 : vector<4000x64xf32>
    %mul3A_18 = arith.constant 0.0441941731 : f32
    %mul3A_19 = vector.broadcast %mul3A_18 : f32 to vector<4000x64xf32>
    %mul3A_20 = arith.mulf %add3A_17, %mul3A_19 : vector<4000x64xf32>
    %neg3A = arith.constant 0.000000e+00 : f32
    %neg3A_21 = vector.broadcast %neg3A : f32 to vector<4000x64xf32>
    %neg3A_22 = arith.subf %neg3A_21, %mul3A_20 : vector<4000x64xf32>
    %exp3A = math.exp %neg3A_22 : vector<4000x64xf32>
    %add3A_23 = arith.constant 1.000000e+00 : f32
    %add3A_24 = vector.broadcast %add3A_23 : f32 to vector<4000x64xf32>
    %add3A_25 = arith.addf %add3A_24, %exp3A : vector<4000x64xf32>
    %div3A = arith.constant 1.000000e+00 : f32
    %div3A_26 = vector.broadcast %div3A : f32 to vector<4000x64xf32>
    %div3A_27 = arith.divf %div3A_26, %add3A_25 : vector<4000x64xf32>
    %mul3A_28 = arith.mulf %mul3A_20, %div3A_27 : vector<4000x64xf32>
    %convert_element_type3A_29 = arith.truncf %mul3A_28 : vector<4000x64xf32> to vector<4000x64xbf16>
    %get3A_30 = arith.constant 0 : index
    %get3A_31 = arith.constant 0 : index
    %get3A_32 = vector.load %arg5[%get3A_30, %get3A_31] : memref<64x128xbf16, #tpu.memory_space<vmem>>, vector<64x128xbf16>
    %dot_general3A_33 = arith.constant dense<0.000000e+00> : vector<4000x128xf32>
    %dot_general3A_34 = tpu.matmul %convert_element_type3A_29, %get3A_32, %dot_general3A_33 {dimension_numbers = #tpu.dot_dimension_numbers<[1], [0], [0], [1], [0, 0, 1, 1], [], []>, transpose_lhs_hint = false} : vector<4000x64xbf16>, vector<64x128xbf16>, vector<4000x128xf32> -> vector<4000x128xf32>
    %mul3A_35 = arith.constant 1.250000e-01 : f32
    %mul3A_36 = vector.broadcast %mul3A_35 : f32 to vector<4000x128xf32>
    %mul3A_37 = arith.mulf %dot_general3A_34, %mul3A_36 : vector<4000x128xf32>
    %swap3A = arith.constant 0 : index
    %swap3A_38 = arith.constant 0 : index
    %swap3A_39 = vector.load %arg6[%swap3A, %swap3A_38] : memref<4000x128xf32, #tpu.memory_space<vmem>>, vector<4000x128xf32>
    tpu.vector_store %arg6[%swap3A, %swap3A_38], %mul3A_37 {strides = array<i32>} : memref<4000x128xf32, #tpu.memory_space<vmem>>, vector<4000x128xf32>,
    return
  }
  func.func @transform_0(%arg0: i32) -> (i32, i32) {
    %c0_i32 = arith.constant 0 : i32
    %c0_i32_0 = arith.constant 0 : i32
    return %arg0, %c0_i32 : i32, i32
  }
  func.func @transform_1(%arg0: i32) -> (i32, i32) {
    %c0_i32 = arith.constant 0 : i32
    %c0_i32_0 = arith.constant 0 : i32
    return %arg0, %c0_i32 : i32, i32
  }
  func.func @transform_2(%arg0: i32) -> (i32, i32) {
    %c0_i32 = arith.constant 0 : i32
    %c0_i32_0 = arith.constant 0 : i32
    %c0_i32_1 = arith.constant 0 : i32
    return %c0_i32, %c0_i32_0 : i32, i32
  }
  func.func @transform_3(%arg0: i32) -> (i32, i32) {
    %c0_i32 = arith.constant 0 : i32
    %c0_i32_0 = arith.constant 0 : i32
    %c0_i32_1 = arith.constant 0 : i32
    return %c0_i32, %c0_i32_0 : i32, i32
  }
  func.func @transform_4(%arg0: i32) -> (i32, i32) {
    %c0_i32 = arith.constant 0 : i32
    %c0_i32_0 = arith.constant 0 : i32
    %c0_i32_1 = arith.constant 0 : i32
    return %c0_i32, %c0_i32_0 : i32, i32
  }
  func.func @transform_5(%arg0: i32) -> (i32, i32) {
    %c0_i32 = arith.constant 0 : i32
    %c0_i32_0 = arith.constant 0 : i32
    return %arg0, %c0_i32 : i32, i32
  }
}

module attributes {stable_mosaic.version = 14 : i64} {
  func.func @_upd_body(%arg0: i32, %arg1: memref<1000x128xf32, #tpu.memory_space<vmem>>, %arg2: memref<2x1000x128xf32, #tpu.memory_space<vmem>>, %arg3: memref<128x4096xbf16, #tpu.memory_space<vmem>>, %arg4: memref<64x4096xbf16, #tpu.memory_space<vmem>>, %arg5: memref<64x128xbf16, #tpu.memory_space<vmem>>, %arg6: memref<1000x128xf32, #tpu.memory_space<vmem>>) attributes {dimension_semantics = [#tpu.dimension_semantics<arbitrary>], iteration_bounds = array<i64: 10>, scalar_prefetch = 0 : i64, scratch_operands = 0 : i64, tpu.core_type = #tpu.core_type<tc>, window_params = [{transform_indices = @transform_0, window_bounds = array<i64: 1000, 128>}, {transform_indices = @transform_1, window_bounds = array<i64: 2, 1000, 128>}, {pipeline_mode = #tpu.pipeline_mode<synchronous>, transform_indices = @transform_2, window_bounds = array<i64: 128, 4096>}, {pipeline_mode = #tpu.pipeline_mode<synchronous>, transform_indices = @transform_3, window_bounds = array<i64: 64, 4096>}, {pipeline_mode = #tpu.pipeline_mode<synchronous>, transform_indices = @transform_4, window_bounds = array<i64: 64, 128>}, {transform_indices = @transform_5, window_bounds = array<i64: 1000, 128>}]} {
    %get3A = arith.constant 0 : index
    %get3A_0 = arith.constant 0 : index
    %get3A_1 = vector.load %arg1[%get3A, %get3A_0] : memref<1000x128xf32, #tpu.memory_space<vmem>>, vector<1000x128xf32>
    %get3A_2 = arith.constant 0 : index
    %get3A_3 = arith.constant 0 : index
    %get3A_4 = arith.constant 0 : index
    %get3A_5 = vector.load %arg2[%get3A_2, %get3A_3, %get3A_4] : memref<2x1000x128xf32, #tpu.memory_space<vmem>>, vector<1x1000x64xf32>
    %get3A_6 = vector.shape_cast %get3A_5 : vector<1x1000x64xf32> to vector<1000x64xf32>
    %get3A_7 = arith.constant 1 : index
    %get3A_8 = arith.constant 0 : index
    %get3A_9 = arith.constant 0 : index
    %get3A_10 = vector.load %arg2[%get3A_7, %get3A_8, %get3A_9] : memref<2x1000x128xf32, #tpu.memory_space<vmem>>, vector<1x1000x64xf32>
    %get3A_11 = vector.shape_cast %get3A_10 : vector<1x1000x64xf32> to vector<1000x64xf32>
    %add3A = arith.addf %get3A_6, %get3A_11 : vector<1000x64xf32>
    %convert_element_type3A = arith.truncf %add3A : vector<1000x64xf32> to vector<1000x64xbf16>
    %convert_element_type3A_12 = arith.truncf %get3A_1 : vector<1000x128xf32> to vector<1000x128xbf16>
    %get3A_13 = arith.constant 0 : index
    %get3A_14 = arith.constant 0 : index
    %get3A_15 = vector.load %arg3[%get3A_13, %get3A_14] : memref<128x4096xbf16, #tpu.memory_space<vmem>>, vector<128x4096xbf16>
    %dot_general3A = arith.constant dense<0.000000e+00> : vector<1000x4096xf32>
    %dot_general3A_16 = tpu.matmul %convert_element_type3A_12, %get3A_15, %dot_general3A {dimension_numbers = #tpu.dot_dimension_numbers<[1], [0], [0], [1], [0, 0, 1, 1], [], []>, transpose_lhs_hint = false} : vector<1000x128xbf16>, vector<128x4096xbf16>, vector<1000x4096xf32> -> vector<1000x4096xf32>
    %get3A_17 = arith.constant 0 : index
    %get3A_18 = arith.constant 0 : index
    %get3A_19 = vector.load %arg4[%get3A_17, %get3A_18] : memref<64x4096xbf16, #tpu.memory_space<vmem>>, vector<64x4096xbf16>
    %dot_general3A_20 = arith.constant dense<0.000000e+00> : vector<1000x4096xf32>
    %dot_general3A_21 = tpu.matmul %convert_element_type3A, %get3A_19, %dot_general3A_20 {dimension_numbers = #tpu.dot_dimension_numbers<[1], [0], [0], [1], [0, 0, 1, 1], [], []>, transpose_lhs_hint = false} : vector<1000x64xbf16>, vector<64x4096xbf16>, vector<1000x4096xf32> -> vector<1000x4096xf32>
    %mul3A = arith.mulf %dot_general3A_16, %dot_general3A_21 : vector<1000x4096xf32>
    %slice3A = vector.extract_strided_slice %mul3A {offsets = [0, 0], sizes = [1000, 2048], strides = [1, 1]} : vector<1000x4096xf32> to vector<1000x2048xf32>
    %slice3A_22 = vector.extract_strided_slice %mul3A {offsets = [0, 2048], sizes = [1000, 2048], strides = [1, 1]} : vector<1000x4096xf32> to vector<1000x2048xf32>
    %add3A_23 = arith.addf %slice3A, %slice3A_22 : vector<1000x2048xf32>
    %slice3A_24 = vector.extract_strided_slice %add3A_23 {offsets = [0, 0], sizes = [1000, 1024], strides = [1, 1]} : vector<1000x2048xf32> to vector<1000x1024xf32>
    %slice3A_25 = vector.extract_strided_slice %add3A_23 {offsets = [0, 1024], sizes = [1000, 1024], strides = [1, 1]} : vector<1000x2048xf32> to vector<1000x1024xf32>
    %add3A_26 = arith.addf %slice3A_24, %slice3A_25 : vector<1000x1024xf32>
    %slice3A_27 = vector.extract_strided_slice %add3A_26 {offsets = [0, 0], sizes = [1000, 512], strides = [1, 1]} : vector<1000x1024xf32> to vector<1000x512xf32>
    %slice3A_28 = vector.extract_strided_slice %add3A_26 {offsets = [0, 512], sizes = [1000, 512], strides = [1, 1]} : vector<1000x1024xf32> to vector<1000x512xf32>
    %add3A_29 = arith.addf %slice3A_27, %slice3A_28 : vector<1000x512xf32>
    %slice3A_30 = vector.extract_strided_slice %add3A_29 {offsets = [0, 0], sizes = [1000, 256], strides = [1, 1]} : vector<1000x512xf32> to vector<1000x256xf32>
    %slice3A_31 = vector.extract_strided_slice %add3A_29 {offsets = [0, 256], sizes = [1000, 256], strides = [1, 1]} : vector<1000x512xf32> to vector<1000x256xf32>
    %add3A_32 = arith.addf %slice3A_30, %slice3A_31 : vector<1000x256xf32>
    %slice3A_33 = vector.extract_strided_slice %add3A_32 {offsets = [0, 0], sizes = [1000, 128], strides = [1, 1]} : vector<1000x256xf32> to vector<1000x128xf32>
    %slice3A_34 = vector.extract_strided_slice %add3A_32 {offsets = [0, 128], sizes = [1000, 128], strides = [1, 1]} : vector<1000x256xf32> to vector<1000x128xf32>
    %add3A_35 = arith.addf %slice3A_33, %slice3A_34 : vector<1000x128xf32>
    %slice3A_36 = vector.extract_strided_slice %add3A_35 {offsets = [0, 0], sizes = [1000, 64], strides = [1, 1]} : vector<1000x128xf32> to vector<1000x64xf32>
    %slice3A_37 = vector.extract_strided_slice %add3A_35 {offsets = [0, 64], sizes = [1000, 64], strides = [1, 1]} : vector<1000x128xf32> to vector<1000x64xf32>
    %add3A_38 = arith.addf %slice3A_36, %slice3A_37 : vector<1000x64xf32>
    %mul3A_39 = arith.constant 0.0110485433 : f32
    %mul3A_40 = vector.broadcast %mul3A_39 : f32 to vector<1000x64xf32>
    %mul3A_41 = arith.mulf %add3A_38, %mul3A_40 : vector<1000x64xf32>
    %neg3A = arith.constant 0.000000e+00 : f32
    %neg3A_42 = vector.broadcast %neg3A : f32 to vector<1000x64xf32>
    %neg3A_43 = arith.subf %neg3A_42, %mul3A_41 : vector<1000x64xf32>
    %exp3A = math.exp %neg3A_43 : vector<1000x64xf32>
    %add3A_44 = arith.constant 1.000000e+00 : f32
    %add3A_45 = vector.broadcast %add3A_44 : f32 to vector<1000x64xf32>
    %add3A_46 = arith.addf %add3A_45, %exp3A : vector<1000x64xf32>
    %div3A = arith.constant 1.000000e+00 : f32
    %div3A_47 = vector.broadcast %div3A : f32 to vector<1000x64xf32>
    %div3A_48 = arith.divf %div3A_47, %add3A_46 : vector<1000x64xf32>
    %mul3A_49 = arith.mulf %mul3A_41, %div3A_48 : vector<1000x64xf32>
    %convert_element_type3A_50 = arith.truncf %mul3A_49 : vector<1000x64xf32> to vector<1000x64xbf16>
    %get3A_51 = arith.constant 0 : index
    %get3A_52 = arith.constant 0 : index
    %get3A_53 = vector.load %arg5[%get3A_51, %get3A_52] : memref<64x128xbf16, #tpu.memory_space<vmem>>, vector<64x128xbf16>
    %dot_general3A_54 = arith.constant dense<0.000000e+00> : vector<1000x128xf32>
    %dot_general3A_55 = tpu.matmul %convert_element_type3A_50, %get3A_53, %dot_general3A_54 {dimension_numbers = #tpu.dot_dimension_numbers<[1], [0], [0], [1], [0, 0, 1, 1], [], []>, transpose_lhs_hint = false} : vector<1000x64xbf16>, vector<64x128xbf16>, vector<1000x128xf32> -> vector<1000x128xf32>
    %mul3A_56 = arith.constant 1.250000e-01 : f32
    %mul3A_57 = vector.broadcast %mul3A_56 : f32 to vector<1000x128xf32>
    %mul3A_58 = arith.mulf %dot_general3A_55, %mul3A_57 : vector<1000x128xf32>
    %add3A_59 = arith.addf %get3A_1, %mul3A_58 : vector<1000x128xf32>
    %swap3A = arith.constant 0 : index
    %swap3A_60 = arith.constant 0 : index
    %swap3A_61 = vector.load %arg6[%swap3A, %swap3A_60] : memref<1000x128xf32, #tpu.memory_space<vmem>>, vector<1000x128xf32>
    tpu.vector_store %arg6[%swap3A, %swap3A_60], %add3A_59 {strides = array<i32>} : memref<1000x128xf32, #tpu.memory_space<vmem>>, vector<1000x128xf32>,
    return
  }
  func.func @transform_0(%arg0: i32) -> (i32, i32) {
    %c0_i32 = arith.constant 0 : i32
    %c0_i32_0 = arith.constant 0 : i32
    return %arg0, %c0_i32 : i32, i32
  }
  func.func @transform_1(%arg0: i32) -> (i32, i32, i32) {
    %c0_i32 = arith.constant 0 : i32
    %c0_i32_0 = arith.constant 0 : i32
    %c0_i32_1 = arith.constant 0 : i32
    return %c0_i32, %arg0, %c0_i32_0 : i32, i32, i32
  }
  func.func @transform_2(%arg0: i32) -> (i32, i32) {
    %c0_i32 = arith.constant 0 : i32
    %c0_i32_0 = arith.constant 0 : i32
    %c0_i32_1 = arith.constant 0 : i32
    return %c0_i32, %c0_i32_0 : i32, i32
  }
  func.func @transform_3(%arg0: i32) -> (i32, i32) {
    %c0_i32 = arith.constant 0 : i32
    %c0_i32_0 = arith.constant 0 : i32
    %c0_i32_1 = arith.constant 0 : i32
    return %c0_i32, %c0_i32_0 : i32, i32
  }
  func.func @transform_4(%arg0: i32) -> (i32, i32) {
    %c0_i32 = arith.constant 0 : i32
    %c0_i32_0 = arith.constant 0 : i32
    %c0_i32_1 = arith.constant 0 : i32
    return %c0_i32, %c0_i32_0 : i32, i32
  }
  func.func @transform_5(%arg0: i32) -> (i32, i32) {
    %c0_i32 = arith.constant 0 : i32
    %c0_i32_0 = arith.constant 0 : i32
    return %arg0, %c0_i32 : i32, i32
  }
}

</mosaic_0001>

<sc_bundles>
// kernel: kernel.6.cloned.1.call-start
scs
__scs_entry_jumppad:
0x0: {  	(pc) =	sbr.rel $0x88, $3  }
0x1: {  	(tag) =	ssettag $0x0;
	lr =	simm.s32 $0x1  }
0x2: {  	[smem:$0x3F9A] =	sst lr;
	_ =	strace $0xD0000000  }
0x3: {  	_ = 	snop  }
0x4: {  	_ = 	snop  }
0x5: {  	_ = 	snop  }
0x6: {  	_ = 	snop  }
0x7: {  	_ = 	snop  }
__scs_overlays_trampoline_lowered:
0x8: {  	[smem:$0x3FA9] =	sst s0  }
0x9: {  	[smem:$0x3FAA] =	sst s1  }
0xa: {  	[smem:$0x3FAB] =	sst s2  }
0xb: {  	[smem:$0x3FAC] =	sst s3  }
0xc: {  	[smem:$0x3FAD] =	sst s4  }
0xd: {  	[smem:$0x3FAE] =	sst s5  }
0xe: {  	[smem:$0x3FAF] =	sst s6  }
0xf: {  	[smem:$0x3FB0] =	sst s7  }
0x10: {  	[smem:$0x3FB1] =	sst s8  }
0x11: {  	[smem:$0x3FB2] =	sst s9;
	s0 =	simm.s32 @!p0 $0x0  }
0x12: {  	s1 =	sld [smem:$0x3F98];
	s0 =	simm.s32 @p0 $0x1  }
0x13: {  	[smem:$0x3FB3] =	sst s0;
	s0 =	simm.s32 @!p1 $0x0  }
0x14: {  	s2 =	sld [smem:$0x3F97];
	s0 =	simm.s32 @p1 $0x1  }
0x15: {  	[smem:$0x3FB4] =	sst s0;
	s0 =	simm.s32 @!p2 $0x0  }
0x16: {  	s3 =	sld [smem:$0x3FDB];
	s0 =	simm.s32 @p2 $0x1  }
0x17: {  	s4 =	simm.s32 $0x1BF5;
	[smem:$0x3FB6] =	sst s0  }
0x18: {  	s0 =	sld [smem:$0x3F99];
	_ =	swait.ge [sflag:s4], $0x0  }
0x19: {  	s7 =	sld [smem:$0x3F9A]  }
0x1a: {  	s8 =	sadd.s32 $0xFFFFE003, lr  }
0x1b: {  	s9 =	sadd.s32 $0xFFFFFEF7, lr;
	s5 =	simm.s32 $0xFFFFFFFF;
	p2 =	slt.u32 s8, $0xFFFFF086  }
0x1c: {  	p1 =	slt.u32 s9, $0xF7A;
	s5 =	simm.s32 @!p2 $0x0  }
0x1d: {  	s5 =	simm.s32 @p1 $0x1;
	p0 =	seq.s32 s7, s2  }
0x1e: {  	s7 =	smul.u32 @!p0 $0xF7A, s2;
	p2 =	seq.s32 @!p0 s5, $0x0  }
0x1f: {  	s9 =	smul.u32 $0xF7A, s1;
	s8 =	simm.s32 @!p0 $0x1BF5;
	p2 =	por !p2, p0  }
0x20: {  	[sflag:s8] =	ssyncset.s32 @!p0 $0xFFFFF086;
	s6 =	sadd.s32 @!p0 s3, s7;
	s7 =	simm.s32 @!p0 $0x108  }
0x21: {  	s3 =	sadd.s32 s3, s9;
	s6 =	sadd.s32 @!p0 $0x88, s6;
	s7 =	simm.s32 @p2 $0x1082  }
0x22: {  	[simem:s7], [sflag:s8] =	dma.local @!p0 [hbm:s6], $0xF7A  }
0x23: {  	s9 =	sor.u32 $0xD0000000, s2;
	s6 =	simm.s32 $0x108;
	_ =	swait.ge @!p0 [sflag:s8], $0x0  }
0x24: {  	s3 =	sadd.s32 $0x88, s3;
	s6 =	simm.s32 @!p1 $0x1082;
	[sflag:s4] =	ssyncset.s32 $0xFFFFF086  }
0x25: {  	[simem:s6], [sflag:s4] =	dma.local [hbm:s3], $0xF7A  }
0x26: {  	[smem:$0x3F9A] =	sst s1;
	(tag) =	ssettag s2;
	_ =	strace s9  }
0x27: {  	s1 =	sld [smem:$0x3FAA]  }
0x28: {  	s2 =	sld [smem:$0x3FAB]  }
0x29: {  	s4 =	sld [smem:$0x3FAD]  }
0x2a: {  	p0 =	seq.s32 s5, $0x0;
	s5 =	sld [smem:$0x3FAE]  }
0x2b: {  	s6 =	sld [smem:$0x3FAF]  }
0x2c: {  	s7 =	sld [smem:$0x3FB0]  }
0x2d: {  	s3 =	simm.s32 $0x108;
	s8 =	sld [smem:$0x3FB1]  }
0x2e: {  	s3 =	simm.s32 @!p0 $0x1082;
	s9 =	sld [smem:$0x3FB2]  }
0x2f: {  	lr =	sadd.s32 s0, s3;
	s0 =	sld [smem:$0x3FA9]  }
0x30: {  	s3 =	sld [smem:$0x3FAC]  }
0x31: {  	[smem:$0x3FB5] =	sst s10  }
0x32: {  	s10 =	sld [smem:$0x3FB3];
	_ =	sdelay $0x3  }
0x33: {  	p0 =	seq.s32 s10, $0x1;
	s10 =	sld [smem:$0x3FB5];
	_ =	sdelay $0x3  }
0x34: {  	[smem:$0x3FB5] =	sst s10  }
0x35: {  	s10 =	sld [smem:$0x3FB4];
	_ =	sdelay $0x3  }
0x36: {  	p1 =	seq.s32 s10, $0x1;
	s10 =	sld [smem:$0x3FB5];
	_ =	sdelay $0x3  }
0x37: {  	[smem:$0x3FB5] =	sst s10  }
0x38: {  	s10 =	sld [smem:$0x3FB6]  }
0x39: {  	_ = 	snop;
	(pc) =	sbr.ind lr, $3  }
0x3a: {  	_ = 	snop  }
0x3b: {  	_ = 	snop  }
0x3c: {  	p2 =	seq.s32 s10, $0x1;
	s10 =	sld [smem:$0x3FB5]  }
0x3d: {  	_ =	shalt  }
0x3e: {  	_ =	shalt  }
0x3f: {  	_ =	shalt  }
0x40: {  	_ =	shalt  }
0x41: {  	_ =	shalt  }
0x42: {  	_ =	shalt  }
0x43: {  	_ =	shalt  }
0x44: {  	_ =	shalt  }
0x45: {  	_ =	shalt  }
0x46: {  	_ =	shalt  }
0x47: {  	_ =	shalt  }
0x48: {  	_ =	shalt  }
0x49: {  	_ =	shalt  }
0x4a: {  	_ =	shalt  }
0x4b: {  	_ =	shalt  }
0x4c: {  	_ =	shalt  }
0x4d: {  	_ =	shalt  }
0x4e: {  	_ =	shalt  }
0x4f: {  	_ =	shalt  }
0x50: {  	_ =	shalt  }
0x51: {  	_ =	shalt  }
0x52: {  	_ =	shalt  }
0x53: {  	_ =	shalt  }
0x54: {  	_ =	shalt  }
0x55: {  	_ =	shalt  }
0x56: {  	_ =	shalt  }
0x57: {  	_ =	shalt  }
0x58: {  	_ =	shalt  }
0x59: {  	_ =	shalt  }
0x5a: {  	_ =	shalt  }
0x5b: {  	_ =	shalt  }
0x5c: {  	_ =	shalt  }
0x5d: {  	_ =	shalt  }
0x5e: {  	_ =	shalt  }
0x5f: {  	_ =	shalt  }
0x60: {  	_ =	shalt  }
0x61: {  	_ =	shalt  }
0x62: {  	_ =	shalt  }
0x63: {  	_ =	shalt  }
0x64: {  	_ =	shalt  }
0x65: {  	_ =	shalt  }
0x66: {  	_ =	shalt  }
0x67: {  	_ =	shalt  }
0x68: {  	_ =	shalt  }
0x69: {  	_ =	shalt  }
0x6a: {  	_ =	shalt  }
0x6b: {  	_ =	shalt  }
0x6c: {  	_ =	shalt  }
0x6d: {  	_ =	shalt  }
0x6e: {  	_ =	shalt  }
0x6f: {  	_ =	shalt  }
0x70: {  	_ =	shalt  }
0x71: {  	_ =	shalt  }
0x72: {  	_ =	shalt  }
0x73: {  	_ =	shalt  }
0x74: {  	_ =	shalt  }
0x75: {  	_ =	shalt  }
0x76: {  	_ =	shalt  }
0x77: {  	_ =	shalt  }
0x78: {  	_ =	shalt  }
0x79: {  	_ =	shalt  }
0x7a: {  	_ =	shalt  }
0x7b: {  	_ =	shalt  }
0x7c: {  	_ =	shalt  }
0x7d: {  	_ =	shalt  }
0x7e: {  	_ =	shalt  }
0x7f: {  	_ =	shalt  }
0x80: {  	_ =	shalt  }
0x81: {  	_ =	shalt  }
0x82: {  	_ =	shalt  }
0x83: {  	_ =	shalt  }
0x84: {  	_ =	shalt  }
0x85: {  	_ =	shalt  }
0x86: {  	_ =	shalt  }
0x87: {  	_ =	shalt  }
.Lfunc_end0:
.L_simem_size_0:
called_computation_lowered:
.L_overlay_start_0:
0x88: {  	s2 =	sld [smem:$0x3FD9]  }
0x89: {  	s3 =	sld [smem:$0x3FFE];
	_ =	sdelay $0x1  }
0x8a: {  	s1 =	srdreg.scid  }
0x8b: {  	s0 =	sand.u32 $0x1, s1  }
0x8c: {  	s17 =	sshll.u32 s0, $0xA;
	s2 =	sadd.s32 s3, s2  }
0x8d: {  	s2 =	sadd.s32 s2, s17  }
0x8e: {  	[smem:$0x3FC1] =	sst s2  }
0x8f: {  	_ = 	snop  }
0x90: {  	s2 =	sld [smem:$0x3FC9]  }
0x91: {  	s18 =	sld [smem:$0x3FD0];
	(tm) =	ssettm $0x1  }
0x92: {  	s4 =	sld [smem:$0x3FFB];
	_ =	sdelay $0x3  }
0x93: {  	_ =	strace s4  }
0x94: {  	s4 =	sld [smem:$0x3FFC];
	_ =	sdelay $0x3  }
0x95: {  	_ =	strace s4  }
0x96: {  	s4 =	sld [smem:$0x3FFD];
	_ =	sdelay $0x3  }
0x97: {  	_ =	strace s4  }
0x98: {  	_ =	strace $0x8FFFFFFF  }
0x99: {  	s19 =	sld [smem:$0x3FDB];
	_ =	sdelay $0x1  }
0x9a: {  	s5 =	simm.s32 $_scs_section_size  }
0x9b: {  	s6 =	simm.s32 $_size__tile_overlayer_lowered;
	s7 =	simm.s32 $_tile_overlayer_lowered  }
0x9c: {  	s22 =	simm.s32 $0x1BFF;
	s21 =	sshll.u32 s7, $0x1;
	s4 =	sadd.s32 s5, s19  }
0x9d: {  	s8 =	simm.s32 $0x0;
	s20 =	sshll.u32 s6, $0x1;
	s6 =	sadd.s32 s21, s4  }
0x9e: {  	[timem:s8], [sflag:s22] =	dma.local [hbm:s6], s20  }
0x9f: {  	_ =	swait.ge [sflag:s22], s20  }
0xa0: {  	s5 =	ssub.s32 $0x0, s20;
	[sflag:s22] =	ssyncset.done $0x0  }
0xa1: {  	[sflag:s22] =	ssyncadd.s32 s5;
	_ =	sdelay $0x1  }
0xa2: {  	s23 =	simm.s32 $0x1B8B  }
0xa3: {  	_ =	swait.ge [sflag:s23], $0x1  }
0xa4: {  	[sflag:s23] =	ssyncset.done $0x0  }
0xa5: {  	s25 =	simm.s32 $0x1B8E;
	s24 =	sld [smem:$0x3FFE];
	[sflag:s23] =	ssyncadd.s32 $0xFFFFFFFF  }
0xa6: {  	s26 =	simm.s32 $execute0_lowered;
	[smem:$0x3FD2] =	sst s25  }
0xa7: {  	s6 =	sshll.u32 s26, $0x1;
	_ =	strace $0x80000046;
	[dreg:$0x1] =	wrdreg $0xFFFFFFFF  }
0xa8: {  	s28 =	simm.s32 $_size_execute0_lowered;
	s4 =	sadd.s32 s4, s6;
	[dreg:$0x0] =	wrdreg $0x0  }
0xa9: {  	s6 =	sshll.u32 s28, $0x1;
	[dreg:$0x2] =	wrdreg s4  }
0xaa: {  	[dreg:$0x3] =	wrdreg s6  }
0xab: {  	[dreg:$0x4] =	wrdreg $0xC0  }
0xac: {  	_ =	task [dreg:s8], $0x5FFFF  }
0xad: {  	[dreg:$0x1] =	wrdreg $0xFFFFFFFF  }
0xae: {  	[dreg:$0x0] =	wrdreg $0x60  }
0xaf: {  	[dreg:$0x2] =	wrdreg s2  }
0xb0: {  	[dreg:$0x3] =	wrdreg s18  }
0xb1: {  	[dreg:$0x4] =	wrdreg s24  }
0xb2: {  	[dreg:$0x5] =	wrdreg $0x9  }
0xb3: {  	_ =	task.clear_ibuf [dreg:s8], $0x6FFFF;
	_ =	strace $0x90000046  }
0xb4: {  	s29 =	simm.s32 $0x9;
	_ =	strace $0x80000048  }
0xb5: {  	_ =	swait.ge [sflag:s29], $0x1  }
0xb6: {  	[sflag:s29] =	ssyncadd.s32 $0xFFFFFFFF  }
0xb7: {  	_ =	strace $0x90000048  }
0xb8: {  	_ =	sfence  }
0xb9: {  	s30 =	sld [smem:$0x0];
	_ =	sdelay $0x2  }
0xba: {  	s31 =	sshll.u32 s1, $0xD;
	s1 =	sshrl.u32 s1, $0x2  }
0xbb: {  	s3 =	sand.u32 $0x4000, s31;
	s1 =	sadd.s32 s1, s30  }
0xbc: {  	s0 =	sor.u32 s3, s0;
	s1 =	sshll.u32 s1, $0x11  }
0xbd: {  	s0 =	sor.u32 s1, s0  }
0xbe: {  	s0 =	sadd.s32 $0x8F2B, s0  }
0xbf: {  	[sflag:s0] =	ssyncadd.remote.s32 $0x1  }
0xc0: {  	_ =	sfence.sel $0xFFFF  }
0xc1: {  	[dreg:$0x0] =	wrdreg $0xFFFFFFFF;
	(pc) =	sbr.abs _section_cstart, $3  }
0xc2: {  	[dreg:$0x1] =	wrdreg $0xFFFFFFFF  }
0xc3: {  	_ =	task.clear_ibuf [dreg:s8], $0x2FFFF;
	_ =	strace $0x9FFFFFFF  }
0xc4: {  	(tm) =	ssettm $0x7FFFFFFF  }
0xc5: {  	_ =	shalt  }
tec
execute0_lowered:
.L_overlay_start_1:
0x0: {  	(tag) =	ssettag $0x1  }
0x1: {  	s1 =	rddreg [dreg:$0x0]  }
0x2: {  	s0 =	rddreg [dreg:$0x1];
	s2 =	srdreg.scid  }
0x3: {  	s12 =	stileid.u32;
	s4 =	rddreg [dreg:$0x2]  }
0x4: {  	s3 =	simm.s32 $0x0;
	s13 =	simm.s32 $0x28;
	s14 =	simm.s32 $0x4000  }
0x5: {  	s16 =	simm.s32 $0x5400;
	s18 =	simm.s32 $0x6800;
	s20 =	simm.s32 $0x7C00  }
0x6: {  	s22 =	simm.s32 $0x9000;
	s28 =	simm.s32 $0x5;
	s29 =	simm.s32 $0x6  }
0x7: {  	s30 =	simm.s32 $0x7;
	s31 =	simm.s32 $0x8;
	s15 =	simm.s32 $0x0  }
0x8: {  	s2 =	sand.u32 $0x1, s2;
	s5 =	sshll.u32 s12, $0x1;
	[smem:$0x7FF] =	sst s3  }
0x9: {  	s9 =	sadd.s32 $0x1400, s4;
	s24 =	smul.u32 $0x27100, s12;
	s12 =	simm.s32 $0xB  }
0xa: {  	s5 =	sor.u32 s2, s5;
	s6 =	ssub.s32 $0x2, s2;
	s25 =	smul.u32 $0x13880, s2  }
0xb: {  	_ =	strace $0x80000047;
	s2 =	simm.s32 $0x9;
	s7 =	smul.u32 $0x9C400, s5  }
0xc: {  	s8 =	sshrl.u32 s6, $0x1;
	s5 =	sshll.u32 s5, $0xB;
	s26 =	sadd.s32 s24, s9  }
0xd: {  	s24 =	simm.s32 $0x2;
	s10 =	ssub.s32 s6, s8;
	s0 =	sadd.s32 s0, s5  }
0xe: {  	s23 =	sshrl.u32 s7, $0x3;
	[dreg:$0x4] =	wrdreg s0;
	s0 =	sadd.s32 s25, s26  }
0xf: {  	s10 =	smax.u32 s10, $0x1;
	s25 =	simm.s32 $0x3;
	s11 =	sadd.s32 s9, s23  }
0x10: {  	s26 =	simm.s32 $0x4;
	s23 =	simm.s32 $0x1;
	s5 =	sadd.s32 $0x12C00, s11  }
0x11: {  	s6 =	sadd.s32 $0x12E80, s11;
	s7 =	sadd.s32 $0x13100, s11;
	s8 =	sadd.s32 $0x13380, s11  }
0x12: {  	s9 =	sadd.s32 $0x13600, s11;
	s11 =	sadd.s32 $0xA00, s0;
	s0 =	simm.s32 $0xA  }
.LBB2_1:
0x13: {  	s4 =	rddreg [dreg:$0x4]  }
0x14: {  	[tilespmem:s3], [sflag:$0xB] =	stream.linear.gather [hbm4b:s4+s3], $0x3E80, $0x38;
	[tilespmem:$0xA400] =	vst v63  }
0x15: {  	_ =	swait.ge [sflag:s12], $0x3E80  }
0x16: {  	[sflag:s12] =	ssyncset.done $0x0  }
0x17: {  	[sflag:s12] =	ssyncadd.s32 $0xFFFFC180  }
0x18: {  	[tilespmem:s14], [sflag:$0x1] =	stream.indirect.gather [hbm4b:s1+s13], $0x80, s3, s13, $0xb8;
	[tilespmem:$0xA400] =	vst v63  }
0x19: {  	s19 =	simm.s32 $0x80  }
0x1a: {  	[tilespmem:s16], [sflag:$0x2] =	stream.indirect.gather [hbm4b:s1+s13], $0x80, s19, s13, $0xb8;
	[tilespmem:$0xA400] =	vst v63  }
0x1b: {  	s21 =	simm.s32 $0x100  }
0x1c: {  	[tilespmem:s18], [sflag:$0x3] =	stream.indirect.gather [hbm4b:s1+s13], $0x80, s21, s13, $0xb8;
	[tilespmem:$0xA400] =	vst v63  }
0x1d: {  	s17 =	simm.s32 $0x180  }
0x1e: {  	[tilespmem:s20], [sflag:$0x4] =	stream.indirect.gather [hbm4b:s1+s13], $0x80, s17, s13, $0xb8;
	[tilespmem:$0xA400] =	vst v63  }
0x1f: {  	s19 =	simm.s32 $0x200  }
0x20: {  	[tilespmem:s22], [sflag:$0x5] =	stream.indirect.gather [hbm4b:s1+s13], $0x80, s19, s13, $0xb8;
	[tilespmem:$0xA400] =	vst v63  }
0x21: {  	_ =	swait.ge [sflag:s23], $0x1400  }
0x22: {  	[sflag:s23] =	ssyncset.done $0x0  }
0x23: {  	s17 =	sadd.s32 $0xFFFFF600, s11;
	[sflag:s23] =	ssyncadd.s32 $0xFFFFEC00  }
0x24: {  	[hbm4b:s17+s3] =	stream.linear.scatter [tilespmem:s14], [sflag:$0x6], $0x1400, $0x38;
	[tilespmem:$0xA400] =	vst v63  }
0x25: {  	_ =	swait.ge [sflag:s24], $0x1400  }
0x26: {  	[sflag:s24] =	ssyncset.done $0x0  }
0x27: {  	s21 =	sadd.s32 $0xFFFFF880, s11;
	[sflag:s24] =	ssyncadd.s32 $0xFFFFEC00  }
0x28: {  	[hbm4b:s21+s3] =	stream.linear.scatter [tilespmem:s16], [sflag:$0x7], $0x1400, $0x38;
	[tilespmem:$0xA400] =	vst v63  }
0x29: {  	_ =	swait.ge [sflag:s25], $0x1400  }
0x2a: {  	[sflag:s25] =	ssyncset.done $0x0  }
0x2b: {  	s4 =	sadd.s32 $0xFFFFFB00, s11;
	[sflag:s25] =	ssyncadd.s32 $0xFFFFEC00  }
0x2c: {  	[hbm4b:s4+s3] =	stream.linear.scatter [tilespmem:s18], [sflag:$0x8], $0x1400, $0x38;
	[tilespmem:$0xA400] =	vst v63  }
0x2d: {  	_ =	swait.ge [sflag:s26], $0x1400  }
0x2e: {  	[sflag:s26] =	ssyncset.done $0x0  }
0x2f: {  	s19 =	sadd.s32 $0xFFFFFD80, s11;
	[sflag:s26] =	ssyncadd.s32 $0xFFFFEC00  }
0x30: {  	[hbm4b:s19+s3] =	stream.linear.scatter [tilespmem:s20], [sflag:$0x9], $0x1400, $0x38;
	[tilespmem:$0xA400] =	vst v63  }
0x31: {  	_ =	swait.ge [sflag:s28], $0x1400  }
0x32: {  	[sflag:s28] =	ssyncset.done $0x0  }
0x33: {  	[sflag:s28] =	ssyncadd.s32 $0xFFFFEC00  }
0x34: {  	[hbm4b:s11+s3] =	stream.linear.scatter [tilespmem:s22], [sflag:$0xA], $0x1400, $0x38;
	[tilespmem:$0xA400] =	vst v63  }
0x35: {  	_ =	swait.ge [sflag:s29], $0x1400  }
0x36: {  	[sflag:s29] =	ssyncset.done $0x0  }
0x37: {  	s21 =	simm.s32 $0x280;
	[sflag:s29] =	ssyncadd.s32 $0xFFFFEC00  }
0x38: {  	[tilespmem:s14], [sflag:$0x1] =	stream.indirect.gather [hbm4b:s1+s13], $0x80, s21, s13, $0xb8;
	[tilespmem:$0xA400] =	vst v63  }
0x39: {  	_ =	swait.ge [sflag:s30], $0x1400  }
0x3a: {  	[sflag:s30] =	ssyncset.done $0x0  }
0x3b: {  	s4 =	simm.s32 $0x300;
	[sflag:s30] =	ssyncadd.s32 $0xFFFFEC00  }
0x3c: {  	[tilespmem:s16], [sflag:$0x2] =	stream.indirect.gather [hbm4b:s1+s13], $0x80, s4, s13, $0xb8;
	[tilespmem:$0xA400] =	vst v63  }
0x3d: {  	_ =	swait.ge [sflag:s31], $0x1400  }
0x3e: {  	[sflag:s31] =	ssyncset.done $0x0  }
0x3f: {  	s19 =	simm.s32 $0x380;
	[sflag:s31] =	ssyncadd.s32 $0xFFFFEC00  }
0x40: {  	[tilespmem:s18], [sflag:$0x3] =	stream.indirect.gather [hbm4b:s1+s13], $0x80, s19, s13, $0xb8;
	[tilespmem:$0xA400] =	vst v63  }
0x41: {  	_ =	swait.ge [sflag:s2], $0x1400  }
0x42: {  	[sflag:s2] =	ssyncset.done $0x0  }
0x43: {  	s21 =	simm.s32 $0x400;
	[sflag:s2] =	ssyncadd.s32 $0xFFFFEC00  }
0x44: {  	[tilespmem:s20], [sflag:$0x4] =	stream.indirect.gather [hbm4b:s1+s13], $0x80, s21, s13, $0xb8;
	[tilespmem:$0xA400] =	vst v63  }
0x45: {  	_ =	swait.ge [sflag:s0], $0x1400  }
0x46: {  	s17 =	simm.s32 $0xA00;
	[sflag:s0] =	ssyncset.done $0x0  }
0x47: {  	s19 =	sadd.s32 $0xC80, s11;
	s21 =	simm.s32 $0x480;
	[sflag:s0] =	ssyncadd.s32 $0xFFFFEC00  }
.LBB2_2:
0x48: {  	[tilespmem:s22], [sflag:$0x5] =	stream.indirect.gather [hbm4b:s1+s13], $0x80, s21, s13, $0xb8;
	[tilespmem:$0xA400] =	vst v63  }
0x49: {  	s21 =	smov.u32 s17  }
0x4a: {  	p0 =	sne.s32 s17, $0xE600;
	s17 =	sadd.s32 $0xA00, s17;
	_ =	swait.ge [sflag:s23], $0x1400  }
0x4b: {  	[sflag:s23] =	ssyncset.done $0x0  }
0x4c: {  	s4 =	sadd.s32 $0xFFFFF600, s19;
	[sflag:s23] =	ssyncadd.s32 $0xFFFFEC00  }
0x4d: {  	[hbm4b:s4+s3] =	stream.linear.scatter [tilespmem:s14], [sflag:$0x6], $0x1400, $0x38;
	[tilespmem:$0xA400] =	vst v63  }
0x4e: {  	_ =	swait.ge [sflag:s24], $0x1400  }
0x4f: {  	[sflag:s24] =	ssyncset.done $0x0  }
0x50: {  	s4 =	sadd.s32 $0xFFFFF880, s19;
	[sflag:s24] =	ssyncadd.s32 $0xFFFFEC00  }
0x51: {  	[hbm4b:s4+s3] =	stream.linear.scatter [tilespmem:s16], [sflag:$0x7], $0x1400, $0x38;
	[tilespmem:$0xA400] =	vst v63  }
0x52: {  	_ =	swait.ge [sflag:s25], $0x1400  }
0x53: {  	[sflag:s25] =	ssyncset.done $0x0  }
0x54: {  	s4 =	sadd.s32 $0xFFFFFB00, s19;
	[sflag:s25] =	ssyncadd.s32 $0xFFFFEC00  }
0x55: {  	[hbm4b:s4+s3] =	stream.linear.scatter [tilespmem:s18], [sflag:$0x8], $0x1400, $0x38;
	[tilespmem:$0xA400] =	vst v63  }
0x56: {  	_ =	swait.ge [sflag:s26], $0x1400  }
0x57: {  	[sflag:s26] =	ssyncset.done $0x0  }
0x58: {  	s4 =	sadd.s32 $0xFFFFFD80, s19;
	[sflag:s26] =	ssyncadd.s32 $0xFFFFEC00  }
0x59: {  	[hbm4b:s4+s3] =	stream.linear.scatter [tilespmem:s20], [sflag:$0x9], $0x1400, $0x38;
	[tilespmem:$0xA400] =	vst v63  }
0x5a: {  	_ =	swait.ge [sflag:s28], $0x1400  }
0x5b: {  	[sflag:s28] =	ssyncset.done $0x0  }
0x5c: {  	[sflag:s28] =	ssyncadd.s32 $0xFFFFEC00  }
0x5d: {  	[hbm4b:s19+s3] =	stream.linear.scatter [tilespmem:s22], [sflag:$0xA], $0x1400, $0x38;
	[tilespmem:$0xA400] =	vst v63  }
0x5e: {  	_ =	swait.ge [sflag:s29], $0x1400  }
0x5f: {  	s4 =	sshra.s32 s21, $0x2;
	[sflag:s29] =	ssyncset.done $0x0  }
0x60: {  	s21 =	sadd.s32 $0x280, s4;
	[sflag:s29] =	ssyncadd.s32 $0xFFFFEC00  }
0x61: {  	[tilespmem:s14], [sflag:$0x1] =	stream.indirect.gather [hbm4b:s1+s13], $0x80, s21, s13, $0xb8;
	[tilespmem:$0xA400] =	vst v63  }
0x62: {  	_ =	swait.ge [sflag:s30], $0x1400  }
0x63: {  	[sflag:s30] =	ssyncset.done $0x0  }
0x64: {  	s21 =	sadd.s32 $0x300, s4;
	[sflag:s30] =	ssyncadd.s32 $0xFFFFEC00  }
0x65: {  	[tilespmem:s16], [sflag:$0x2] =	stream.indirect.gather [hbm4b:s1+s13], $0x80, s21, s13, $0xb8;
	[tilespmem:$0xA400] =	vst v63  }
0x66: {  	_ =	swait.ge [sflag:s31], $0x1400  }
0x67: {  	[sflag:s31] =	ssyncset.done $0x0  }
0x68: {  	s21 =	sadd.s32 $0x380, s4;
	[sflag:s31] =	ssyncadd.s32 $0xFFFFEC00  }
0x69: {  	[tilespmem:s18], [sflag:$0x3] =	stream.indirect.gather [hbm4b:s1+s13], $0x80, s21, s13, $0xb8;
	[tilespmem:$0xA400] =	vst v63  }
0x6a: {  	_ =	swait.ge [sflag:s2], $0x1400  }
0x6b: {  	[sflag:s2] =	ssyncset.done $0x0  }
.Ltmp0:
0x6c: {  	s21 =	sadd.s32 $0x400, s4;
	[sflag:s2] =	ssyncadd.s32 $0xFFFFEC00;
	(pc) =	sbr.rel @p0 .LBB2_2-.Ltmp0, $4  }
0x6d: {  	[tilespmem:s20], [sflag:$0x4] =	stream.indirect.gather [hbm4b:s1+s13], $0x80, s21, s13, $0xb8;
	[tilespmem:$0xA400] =	vst v63  }
0x6e: {  	_ =	swait.ge [sflag:s0], $0x1400  }
0x6f: {  	[sflag:s0] =	ssyncset.done $0x0  }
0x70: {  	s19 =	sadd.s32 $0xC80, s19;
	s21 =	sadd.s32 $0x480, s4;
	[sflag:s0] =	ssyncadd.s32 $0xFFFFEC00  }
0x71: {  	[tilespmem:s22], [sflag:$0x5] =	stream.indirect.gather [hbm4b:s1+s13], $0x80, s21, s13, $0xb8;
	[tilespmem:$0xA400] =	vst v63  }
0x72: {  	_ =	swait.ge [sflag:s23], $0x1400  }
0x73: {  	[sflag:s23] =	ssyncset.done $0x0  }
0x74: {  	[sflag:s23] =	ssyncadd.s32 $0xFFFFEC00  }
0x75: {  	[hbm4b:s5+s3] =	stream.linear.scatter [tilespmem:s14], [sflag:$0x6], $0x1400, $0x38;
	[tilespmem:$0xA400] =	vst v63  }
0x76: {  	_ =	swait.ge [sflag:s24], $0x1400  }
0x77: {  	[sflag:s24] =	ssyncset.done $0x0  }
0x78: {  	[sflag:s24] =	ssyncadd.s32 $0xFFFFEC00  }
0x79: {  	[hbm4b:s6+s3] =	stream.linear.scatter [tilespmem:s16], [sflag:$0x7], $0x1400, $0x38;
	[tilespmem:$0xA400] =	vst v63  }
0x7a: {  	_ =	swait.ge [sflag:s25], $0x1400  }
0x7b: {  	[sflag:s25] =	ssyncset.done $0x0  }
0x7c: {  	[sflag:s25] =	ssyncadd.s32 $0xFFFFEC00  }
0x7d: {  	[hbm4b:s7+s3] =	stream.linear.scatter [tilespmem:s18], [sflag:$0x8], $0x1400, $0x38;
	[tilespmem:$0xA400] =	vst v63  }
0x7e: {  	_ =	swait.ge [sflag:s26], $0x1400  }
0x7f: {  	[sflag:s26] =	ssyncset.done $0x0  }
0x80: {  	[sflag:s26] =	ssyncadd.s32 $0xFFFFEC00  }
0x81: {  	[hbm4b:s8+s3] =	stream.linear.scatter [tilespmem:s20], [sflag:$0x9], $0x1400, $0x38;
	[tilespmem:$0xA400] =	vst v63  }
0x82: {  	_ =	swait.ge [sflag:s28], $0x1400  }
0x83: {  	[sflag:s28] =	ssyncset.done $0x0  }
0x84: {  	[sflag:s28] =	ssyncadd.s32 $0xFFFFEC00  }
0x85: {  	[hbm4b:s9+s3] =	stream.linear.scatter [tilespmem:s22], [sflag:$0xA], $0x1400, $0x38;
	[tilespmem:$0xA400] =	vst v63  }
0x86: {  	_ =	swait.ge [sflag:s29], $0x1400  }
0x87: {  	[sflag:s29] =	ssyncset.done $0x0  }
0x88: {  	[sflag:s29] =	ssyncadd.s32 $0xFFFFEC00  }
0x89: {  	_ =	swait.ge [sflag:s30], $0x1400  }
0x8a: {  	[sflag:s30] =	ssyncset.done $0x0  }
0x8b: {  	[sflag:s30] =	ssyncadd.s32 $0xFFFFEC00  }
0x8c: {  	_ =	swait.ge [sflag:s31], $0x1400  }
0x8d: {  	[sflag:s31] =	ssyncset.done $0x0  }
0x8e: {  	s15 =	sadd.s32 $0x1, s15;
	[sflag:s31] =	ssyncadd.s32 $0xFFFFEC00  }
0x8f: {  	p0 =	sne.s32 s15, s10;
	_ =	swait.ge [sflag:s2], $0x1400  }
.Ltmp1:
0x90: {  	[sflag:s2] =	ssyncset.done $0x0;
	(pc) =	sbr.rel @p0 .LBB2_1-.Ltmp1, $4  }
0x91: {  	[sflag:s2] =	ssyncadd.s32 $0xFFFFEC00  }
0x92: {  	_ =	swait.ge [sflag:s0], $0x1400  }
0x93: {  	[sflag:s0] =	ssyncset.done $0x0  }
0x94: {  	[sflag:s0] =	ssyncadd.s32 $0xFFFFEC00  }
0x95: {  	_ =	sfence.sel $0x180000  }
0x96: {  	[bflag:$0x0] =	sbarrier.arrive $0xFFFF  }
0x97: {  	_ =	strace $0x90000047  }
0x98: {  	s0 =	stileid.u32;
	[bflag:$0x2] =	sbarrier.arrive $0xFFFF  }
0x99: {  	p0 =	sne.s32 s0, $0x0;
	s0 =	rddreg [dreg:$0x3]  }
0x9a: {  	s0 =	sadd.s32 @!p0 $0x100000, s0  }
0x9b: {  	[sflag:s0] =	ssyncadd.tile.s32 @!p0 $0x1;
	_ =	shalt  }
.Lfunc_end2:
_tile_overlayer_lowered:
.L_overlay_start_2:
0x9c: {  	(tag) =	ssettag $0x2  }
0x9d: {  	s0 =	rddreg [dreg:$0x0];
	s2 =	stileid.u32  }
0x9e: {  	s1 =	rddreg [dreg:$0x1];
	p0 =	sne.s32 s2, $0x0  }
0x9f: {  	s3 =	rddreg [dreg:$0x2];
	[bflag:$0x3] =	sbarrier.arrive $0xFFFF;
	s2 =	simm.s32 @!p0 $0x1C0B  }
0xa0: {  	[timem:s3], [sflag:s2] =	dma.local @!p0 [hbm:s0], s1  }
0xa1: {  	s0 =	simm.s32 @!p0 $0xB  }
0xa2: {  	_ =	swait.ge @!p0 [sflag:s0], s1  }
0xa3: {  	s1 =	ssub.s32 @!p0 $0x0, s1;
	[sflag:s0] =	ssyncset.done @!p0 $0x0  }
0xa4: {  	[sflag:s0] =	ssyncadd.s32 @!p0 s1  }
0xa5: {  	[bflag:$0x3] =	sbarrier.arrive $0xFFFF  }
0xa6: {  	_ =	shalt  }

// kernel: kernel.9.cloned.1.call-start
scs
__scs_entry_jumppad:
0x0: {  	(pc) =	sbr.rel $0x88, $3  }
0x1: {  	(tag) =	ssettag $0x0;
	lr =	simm.s32 $0x1  }
0x2: {  	[smem:$0x3F9A] =	sst lr;
	_ =	strace $0xD0000000  }
0x3: {  	_ = 	snop  }
0x4: {  	_ = 	snop  }
0x5: {  	_ = 	snop  }
0x6: {  	_ = 	snop  }
0x7: {  	_ = 	snop  }
__scs_overlays_trampoline_lowered:
0x8: {  	[smem:$0x3FA9] =	sst s0  }
0x9: {  	[smem:$0x3FAA] =	sst s1  }
0xa: {  	[smem:$0x3FAB] =	sst s2  }
0xb: {  	[smem:$0x3FAC] =	sst s3  }
0xc: {  	[smem:$0x3FAD] =	sst s4  }
0xd: {  	[smem:$0x3FAE] =	sst s5  }
0xe: {  	[smem:$0x3FAF] =	sst s6  }
0xf: {  	[smem:$0x3FB0] =	sst s7  }
0x10: {  	[smem:$0x3FB1] =	sst s8  }
0x11: {  	[smem:$0x3FB2] =	sst s9;
	s0 =	simm.s32 @!p0 $0x0  }
0x12: {  	s1 =	sld [smem:$0x3F98];
	s0 =	simm.s32 @p0 $0x1  }
0x13: {  	[smem:$0x3FB3] =	sst s0;
	s0 =	simm.s32 @!p1 $0x0  }
0x14: {  	s2 =	sld [smem:$0x3F97];
	s0 =	simm.s32 @p1 $0x1  }
0x15: {  	[smem:$0x3FB4] =	sst s0;
	s0 =	simm.s32 @!p2 $0x0  }
0x16: {  	s3 =	sld [smem:$0x3FDB];
	s0 =	simm.s32 @p2 $0x1  }
0x17: {  	s4 =	simm.s32 $0x1BF5;
	[smem:$0x3FB6] =	sst s0  }
0x18: {  	s0 =	sld [smem:$0x3F99];
	_ =	swait.ge [sflag:s4], $0x0  }
0x19: {  	s7 =	sld [smem:$0x3F9A]  }
0x1a: {  	s8 =	sadd.s32 $0xFFFFE003, lr  }
0x1b: {  	s9 =	sadd.s32 $0xFFFFFEF7, lr;
	s5 =	simm.s32 $0xFFFFFFFF;
	p2 =	slt.u32 s8, $0xFFFFF086  }
0x1c: {  	p1 =	slt.u32 s9, $0xF7A;
	s5 =	simm.s32 @!p2 $0x0  }
0x1d: {  	s5 =	simm.s32 @p1 $0x1;
	p0 =	seq.s32 s7, s2  }
0x1e: {  	s7 =	smul.u32 @!p0 $0xF7A, s2;
	p2 =	seq.s32 @!p0 s5, $0x0  }
0x1f: {  	s9 =	smul.u32 $0xF7A, s1;
	s8 =	simm.s32 @!p0 $0x1BF5;
	p2 =	por !p2, p0  }
0x20: {  	[sflag:s8] =	ssyncset.s32 @!p0 $0xFFFFF086;
	s6 =	sadd.s32 @!p0 s3, s7;
	s7 =	simm.s32 @!p0 $0x108  }
0x21: {  	s3 =	sadd.s32 s3, s9;
	s6 =	sadd.s32 @!p0 $0x88, s6;
	s7 =	simm.s32 @p2 $0x1082  }
0x22: {  	[simem:s7], [sflag:s8] =	dma.local @!p0 [hbm:s6], $0xF7A  }
0x23: {  	s9 =	sor.u32 $0xD0000000, s2;
	s6 =	simm.s32 $0x108;
	_ =	swait.ge @!p0 [sflag:s8], $0x0  }
0x24: {  	s3 =	sadd.s32 $0x88, s3;
	s6 =	simm.s32 @!p1 $0x1082;
	[sflag:s4] =	ssyncset.s32 $0xFFFFF086  }
0x25: {  	[simem:s6], [sflag:s4] =	dma.local [hbm:s3], $0xF7A  }
0x26: {  	[smem:$0x3F9A] =	sst s1;
	(tag) =	ssettag s2;
	_ =	strace s9  }
0x27: {  	s1 =	sld [smem:$0x3FAA]  }
0x28: {  	s2 =	sld [smem:$0x3FAB]  }
0x29: {  	s4 =	sld [smem:$0x3FAD]  }
0x2a: {  	p0 =	seq.s32 s5, $0x0;
	s5 =	sld [smem:$0x3FAE]  }
0x2b: {  	s6 =	sld [smem:$0x3FAF]  }
0x2c: {  	s7 =	sld [smem:$0x3FB0]  }
0x2d: {  	s3 =	simm.s32 $0x108;
	s8 =	sld [smem:$0x3FB1]  }
0x2e: {  	s3 =	simm.s32 @!p0 $0x1082;
	s9 =	sld [smem:$0x3FB2]  }
0x2f: {  	lr =	sadd.s32 s0, s3;
	s0 =	sld [smem:$0x3FA9]  }
0x30: {  	s3 =	sld [smem:$0x3FAC]  }
0x31: {  	[smem:$0x3FB5] =	sst s10  }
0x32: {  	s10 =	sld [smem:$0x3FB3];
	_ =	sdelay $0x3  }
0x33: {  	p0 =	seq.s32 s10, $0x1;
	s10 =	sld [smem:$0x3FB5];
	_ =	sdelay $0x3  }
0x34: {  	[smem:$0x3FB5] =	sst s10  }
0x35: {  	s10 =	sld [smem:$0x3FB4];
	_ =	sdelay $0x3  }
0x36: {  	p1 =	seq.s32 s10, $0x1;
	s10 =	sld [smem:$0x3FB5];
	_ =	sdelay $0x3  }
0x37: {  	[smem:$0x3FB5] =	sst s10  }
0x38: {  	s10 =	sld [smem:$0x3FB6]  }
0x39: {  	_ = 	snop;
	(pc) =	sbr.ind lr, $3  }
0x3a: {  	_ = 	snop  }
0x3b: {  	_ = 	snop  }
0x3c: {  	p2 =	seq.s32 s10, $0x1;
	s10 =	sld [smem:$0x3FB5]  }
0x3d: {  	_ =	shalt  }
0x3e: {  	_ =	shalt  }
0x3f: {  	_ =	shalt  }
0x40: {  	_ =	shalt  }
0x41: {  	_ =	shalt  }
0x42: {  	_ =	shalt  }
0x43: {  	_ =	shalt  }
0x44: {  	_ =	shalt  }
0x45: {  	_ =	shalt  }
0x46: {  	_ =	shalt  }
0x47: {  	_ =	shalt  }
0x48: {  	_ =	shalt  }
0x49: {  	_ =	shalt  }
0x4a: {  	_ =	shalt  }
0x4b: {  	_ =	shalt  }
0x4c: {  	_ =	shalt  }
0x4d: {  	_ =	shalt  }
0x4e: {  	_ =	shalt  }
0x4f: {  	_ =	shalt  }
0x50: {  	_ =	shalt  }
0x51: {  	_ =	shalt  }
0x52: {  	_ =	shalt  }
0x53: {  	_ =	shalt  }
0x54: {  	_ =	shalt  }
0x55: {  	_ =	shalt  }
0x56: {  	_ =	shalt  }
0x57: {  	_ =	shalt  }
0x58: {  	_ =	shalt  }
0x59: {  	_ =	shalt  }
0x5a: {  	_ =	shalt  }
0x5b: {  	_ =	shalt  }
0x5c: {  	_ =	shalt  }
0x5d: {  	_ =	shalt  }
0x5e: {  	_ =	shalt  }
0x5f: {  	_ =	shalt  }
0x60: {  	_ =	shalt  }
0x61: {  	_ =	shalt  }
0x62: {  	_ =	shalt  }
0x63: {  	_ =	shalt  }
0x64: {  	_ =	shalt  }
0x65: {  	_ =	shalt  }
0x66: {  	_ =	shalt  }
0x67: {  	_ =	shalt  }
0x68: {  	_ =	shalt  }
0x69: {  	_ =	shalt  }
0x6a: {  	_ =	shalt  }
0x6b: {  	_ =	shalt  }
0x6c: {  	_ =	shalt  }
0x6d: {  	_ =	shalt  }
0x6e: {  	_ =	shalt  }
0x6f: {  	_ =	shalt  }
0x70: {  	_ =	shalt  }
0x71: {  	_ =	shalt  }
0x72: {  	_ =	shalt  }
0x73: {  	_ =	shalt  }
0x74: {  	_ =	shalt  }
0x75: {  	_ =	shalt  }
0x76: {  	_ =	shalt  }
0x77: {  	_ =	shalt  }
0x78: {  	_ =	shalt  }
0x79: {  	_ =	shalt  }
0x7a: {  	_ =	shalt  }
0x7b: {  	_ =	shalt  }
0x7c: {  	_ =	shalt  }
0x7d: {  	_ =	shalt  }
0x7e: {  	_ =	shalt  }
0x7f: {  	_ =	shalt  }
0x80: {  	_ =	shalt  }
0x81: {  	_ =	shalt  }
0x82: {  	_ =	shalt  }
0x83: {  	_ =	shalt  }
0x84: {  	_ =	shalt  }
0x85: {  	_ =	shalt  }
0x86: {  	_ =	shalt  }
0x87: {  	_ =	shalt  }
.Lfunc_end0:
.L_simem_size_0:
called_computation.1_lowered:
.L_overlay_start_0:
0x88: {  	s2 =	sld [smem:$0x3FD9]  }
0x89: {  	s3 =	sld [smem:$0x3FFE];
	_ =	sdelay $0x1  }
0x8a: {  	s1 =	srdreg.scid  }
0x8b: {  	s0 =	sand.u32 $0x1, s1  }
0x8c: {  	s16 =	sshll.u32 s0, $0xA;
	s2 =	sadd.s32 s3, s2  }
0x8d: {  	s2 =	sadd.s32 s2, s16  }
0x8e: {  	[smem:$0x3FC1] =	sst s2  }
0x8f: {  	_ = 	snop  }
0x90: {  	(tm) =	ssettm $0x1  }
0x91: {  	s17 =	sld [smem:$0x3FFB];
	_ =	sdelay $0x3  }
0x92: {  	_ =	strace s17  }
0x93: {  	s2 =	sld [smem:$0x3FFC];
	_ =	sdelay $0x3  }
0x94: {  	_ =	strace s2  }
0x95: {  	s2 =	sld [smem:$0x3FFD];
	_ =	sdelay $0x3  }
0x96: {  	_ =	strace s2  }
0x97: {  	_ =	strace $0x8FFFFFFF  }
0x98: {  	s18 =	sld [smem:$0x3FDB];
	_ =	sdelay $0x1  }
0x99: {  	s19 =	simm.s32 $_scs_section_size  }
0x9a: {  	s4 =	simm.s32 $_size__tile_overlayer_lowered;
	s5 =	simm.s32 $_tile_overlayer_lowered  }
0x9b: {  	s22 =	simm.s32 $0x1BFF;
	s21 =	sshll.u32 s5, $0x1;
	s2 =	sadd.s32 s19, s18  }
0x9c: {  	s6 =	simm.s32 $0x0;
	s20 =	sshll.u32 s4, $0x1;
	s4 =	sadd.s32 s21, s2  }
0x9d: {  	[timem:s6], [sflag:s22] =	dma.local [hbm:s4], s20  }
0x9e: {  	_ =	swait.ge [sflag:s22], s20  }
0x9f: {  	s3 =	ssub.s32 $0x0, s20;
	[sflag:s22] =	ssyncset.done $0x0  }
0xa0: {  	[sflag:s22] =	ssyncadd.s32 s3;
	_ =	sdelay $0x1  }
0xa1: {  	s23 =	simm.s32 $0x1B8B  }
0xa2: {  	_ =	swait.ge [sflag:s23], $0x1  }
0xa3: {  	[sflag:s23] =	ssyncset.done $0x0  }
0xa4: {  	s25 =	simm.s32 $0x1B8E;
	s24 =	sld [smem:$0x3FFE];
	[sflag:s23] =	ssyncadd.s32 $0xFFFFFFFF  }
0xa5: {  	s26 =	simm.s32 $execute0_lowered;
	[smem:$0x3FD2] =	sst s25  }
0xa6: {  	s4 =	sshll.u32 s26, $0x1;
	_ =	strace $0x80000049;
	[dreg:$0x1] =	wrdreg $0xFFFFFFFF  }
0xa7: {  	s28 =	simm.s32 $_size_execute0_lowered;
	s2 =	sadd.s32 s2, s4;
	[dreg:$0x0] =	wrdreg $0x0  }
0xa8: {  	s4 =	sshll.u32 s28, $0x1;
	[dreg:$0x2] =	wrdreg s2  }
0xa9: {  	[dreg:$0x3] =	wrdreg s4  }
0xaa: {  	[dreg:$0x4] =	wrdreg $0xC0  }
0xab: {  	_ =	task [dreg:s6], $0x5FFFF  }
0xac: {  	[dreg:$0x1] =	wrdreg $0xFFFFFFFF  }
0xad: {  	[dreg:$0x0] =	wrdreg $0x60  }
0xae: {  	[dreg:$0x2] =	wrdreg s24  }
0xaf: {  	[dreg:$0x3] =	wrdreg $0xA4000  }
0xb0: {  	[dreg:$0x4] =	wrdreg $0x9  }
0xb1: {  	_ =	task.clear_ibuf [dreg:s6], $0x5FFFF;
	_ =	strace $0x90000049  }
0xb2: {  	s29 =	simm.s32 $0x9;
	_ =	strace $0x8000004B  }
0xb3: {  	_ =	swait.ge [sflag:s29], $0x1  }
0xb4: {  	[sflag:s29] =	ssyncadd.s32 $0xFFFFFFFF  }
0xb5: {  	_ =	strace $0x9000004B  }
0xb6: {  	_ =	sfence  }
0xb7: {  	s30 =	sld [smem:$0x0];
	_ =	sdelay $0x2  }
0xb8: {  	s31 =	sshll.u32 s1, $0xD;
	s1 =	sshrl.u32 s1, $0x2  }
0xb9: {  	s3 =	sand.u32 $0x4000, s31;
	s1 =	sadd.s32 s1, s30  }
0xba: {  	s0 =	sor.u32 s3, s0;
	s1 =	sshll.u32 s1, $0x11  }
0xbb: {  	s0 =	sor.u32 s1, s0  }
0xbc: {  	s0 =	sadd.s32 $0x8F2B, s0  }
0xbd: {  	[sflag:s0] =	ssyncadd.remote.s32 $0x1  }
0xbe: {  	_ =	sfence.sel $0xFFFF  }
0xbf: {  	[dreg:$0x0] =	wrdreg $0xFFFFFFFF;
	(pc) =	sbr.abs _section_cstart, $3  }
0xc0: {  	[dreg:$0x1] =	wrdreg $0xFFFFFFFF  }
0xc1: {  	_ =	task.clear_ibuf [dreg:s6], $0x2FFFF;
	_ =	strace $0x9FFFFFFF  }
0xc2: {  	(tm) =	ssettm $0x7FFFFFFF  }
0xc3: {  	_ =	shalt  }
tec
execute0_lowered:
.L_overlay_start_1:
0x0: {  	(tag) =	ssettag $0x1  }
0x1: {  	s0 =	rddreg [dreg:$0x0]  }
0x2: {  	s2 =	rddreg [dreg:$0x1];
	s3 =	simm.s32 $0x0;
	s1 =	srdreg.scid  }
0x3: {  	s14 =	stileid.u32;
	s15 =	simm.s32 $0x4000;
	s16 =	simm.s32 $0x5400  }
0x4: {  	s17 =	simm.s32 $0x6800;
	s28 =	simm.s32 $0x6;
	s29 =	simm.s32 $0x7  }
0x5: {  	s30 =	simm.s32 $0x8;
	[smem:$0x7FF] =	sst s3;
	s6 =	smul.u32 $0x2800, s14  }
0x6: {  	s1 =	sand.u32 $0x1, s1;
	s4 =	sshll.u32 s14, $0x1;
	s10 =	smul.u32 $0x50000, s14  }
0x7: {  	s7 =	sadd.s32 $0x3BAC00, s0;
	s23 =	sshll.u32 s14, $0x6;
	s14 =	smul.u32 $0x27100, s14  }
0x8: {  	s31 =	simm.s32 $0x9;
	_ =	strace $0x8000004A;
	s8 =	smul.u32 $0x28000, s1  }
0x9: {  	s4 =	sor.u32 s1, s4;
	s18 =	ssub.s32 $0x2, s1;
	s1 =	smul.u32 $0x13880, s1  }
0xa: {  	s5 =	sshll.u32 s4, $0xB;
	s11 =	sadd.s32 s6, s0;
	s21 =	smul.u32 $0x9C400, s4  }
0xb: {  	s19 =	sshrl.u32 s18, $0x1;
	s20 =	sshrl.u32 s10, $0x2;
	s4 =	smul.u32 $0x13880, s4  }
0xc: {  	s26 =	sadd.s32 s14, s7;
	s14 =	simm.s32 $0xB;
	s9 =	sadd.s32 s5, s0  }
0xd: {  	s0 =	sadd.s32 s8, s0;
	s12 =	ssub.s32 s18, s19;
	s13 =	sadd.s32 s20, s2  }
0xe: {  	s22 =	sadd.s32 $0x1400, s11;
	s5 =	sor.u32 $0x1C0B, s23;
	s1 =	sadd.s32 s1, s26  }
0xf: {  	s18 =	simm.s32 $0x7C00;
	s19 =	simm.s32 $0x9000;
	s20 =	simm.s32 $0x1  }
0x10: {  	s23 =	simm.s32 $0x3;
	s26 =	simm.s32 $0x5;
	[dreg:$0x4] =	wrdreg s22  }
0x11: {  	s8 =	sshrl.u32 s21, $0x3;
	s9 =	sadd.s32 $0x3AAC00, s9;
	s4 =	sadd.s32 s7, s4  }
0x12: {  	s0 =	sadd.s32 $0x29400, s0;
	s12 =	smax.u32 s12, $0x1;
	[dreg:$0x3] =	wrdreg s1  }
0x13: {  	s13 =	sshrl.u32 s13, $0x3;
	s21 =	simm.s32 $0x28;
	s22 =	simm.s32 $0x2  }
0x14: {  	s1 =	simm.s32 $0x0;
	[dreg:$0x5] =	wrdreg s9;
	s24 =	sadd.s32 s7, s8  }
0x15: {  	[dreg:$0x6] =	wrdreg s4;
	s25 =	sadd.s32 $0x280, s24;
	s9 =	sadd.s32 $0x500, s24  }
0x16: {  	s10 =	sadd.s32 $0x780, s24;
	s11 =	sadd.s32 $0xA00, s24;
	s24 =	sadd.s32 s6, s0  }
0x17: {  	s0 =	simm.s32 $0xA;
	[dreg:$0x7] =	wrdreg s25;
	s25 =	simm.s32 $0x4  }
.LBB2_1:
0x18: {  	s4 =	rddreg [dreg:$0x4]  }
0x19: {  	[spmem:s13], [sflag:s5] =	dma.local [hbm:s4], $0x2800  }
0x1a: {  	_ =	swait.ge [sflag:s14], $0x2800  }
0x1b: {  	[sflag:s14] =	ssyncset.done $0x0  }
0x1c: {  	[sflag:s14] =	ssyncadd.s32 $0xFFFFD800  }
0x1d: {  	[bflag:$0x0] =	sbarrier.arrive $0xFFFF  }
0x1e: {  	s8 =	rddreg [dreg:$0x5]  }
0x1f: {  	[tilespmem:s3], [sflag:$0xB] =	stream.linear.gather [hbm4b:s8+s3], $0x3E80, $0x38;
	[tilespmem:$0x1E400] =	vst v63  }
0x20: {  	_ =	swait.ge [sflag:s14], $0x3E80  }
0x21: {  	[sflag:s14] =	ssyncset.done $0x0  }
0x22: {  	s6 =	rddreg [dreg:$0x6];
	[sflag:s14] =	ssyncadd.s32 $0xFFFFC180  }
0x23: {  	[tilespmem:s15], [sflag:$0x1] =	stream.linear.gather [hbm4b:s6+s3], $0x1400, $0x38;
	[tilespmem:$0x1E400] =	vst v63  }
0x24: {  	s7 =	rddreg [dreg:$0x7]  }
0x25: {  	[tilespmem:s16], [sflag:$0x2] =	stream.linear.gather [hbm4b:s7+s3], $0x1400, $0x38;
	[tilespmem:$0x1E400] =	vst v63  }
0x26: {  	_ = 	snop  }
0x27: {  	[tilespmem:s17], [sflag:$0x3] =	stream.linear.gather [hbm4b:s9+s3], $0x1400, $0x38;
	[tilespmem:$0x1E400] =	vst v63  }
0x28: {  	_ = 	snop  }
0x29: {  	[tilespmem:s18], [sflag:$0x4] =	stream.linear.gather [hbm4b:s10+s3], $0x1400, $0x38;
	[tilespmem:$0x1E400] =	vst v63  }
0x2a: {  	_ = 	snop  }
0x2b: {  	[tilespmem:s19], [sflag:$0x5] =	stream.linear.gather [hbm4b:s11+s3], $0x1400, $0x38;
	[tilespmem:$0x1E400] =	vst v63  }
0x2c: {  	_ =	swait.ge [sflag:s20], $0x1400  }
0x2d: {  	[sflag:s20] =	ssyncset.done $0x0  }
0x2e: {  	s8 =	simm.s32 $0x0;
	[sflag:s20] =	ssyncadd.s32 $0xFFFFEC00  }
0x2f: {  	[spmem:s2] =	stream.indirect.scatter.add.f32 [tilespmem:s15], [sflag:$0x6], $0x80, s8, s21, $0xb8;
	[tilespmem:$0x1E400] =	vst v63  }
0x30: {  	_ =	swait.ge [sflag:s22], $0x1400  }
0x31: {  	[sflag:s22] =	ssyncset.done $0x0  }
0x32: {  	s6 =	simm.s32 $0x80;
	[sflag:s22] =	ssyncadd.s32 $0xFFFFEC00  }
0x33: {  	[spmem:s2] =	stream.indirect.scatter.add.f32 [tilespmem:s16], [sflag:$0x7], $0x80, s6, s21, $0xb8;
	[tilespmem:$0x1E400] =	vst v63  }
0x34: {  	_ =	swait.ge [sflag:s23], $0x1400  }
0x35: {  	[sflag:s23] =	ssyncset.done $0x0  }
0x36: {  	s7 =	simm.s32 $0x100;
	[sflag:s23] =	ssyncadd.s32 $0xFFFFEC00  }
0x37: {  	[spmem:s2] =	stream.indirect.scatter.add.f32 [tilespmem:s17], [sflag:$0x8], $0x80, s7, s21, $0xb8;
	[tilespmem:$0x1E400] =	vst v63  }
0x38: {  	_ =	swait.ge [sflag:s25], $0x1400  }
0x39: {  	[sflag:s25] =	ssyncset.done $0x0  }
0x3a: {  	s8 =	simm.s32 $0x180;
	[sflag:s25] =	ssyncadd.s32 $0xFFFFEC00  }
0x3b: {  	[spmem:s2] =	stream.indirect.scatter.add.f32 [tilespmem:s18], [sflag:$0x9], $0x80, s8, s21, $0xb8;
	[tilespmem:$0x1E400] =	vst v63  }
0x3c: {  	_ =	swait.ge [sflag:s26], $0x1400  }
0x3d: {  	[sflag:s26] =	ssyncset.done $0x0  }
0x3e: {  	s6 =	simm.s32 $0x200;
	[sflag:s26] =	ssyncadd.s32 $0xFFFFEC00  }
0x3f: {  	[spmem:s2] =	stream.indirect.scatter.add.f32 [tilespmem:s19], [sflag:$0xA], $0x80, s6, s21, $0xb8;
	[tilespmem:$0x1E400] =	vst v63  }
0x40: {  	_ =	swait.ge [sflag:s28], $0x1400  }
0x41: {  	s7 =	rddreg [dreg:$0x3]  }
0x42: {  	[sflag:s28] =	ssyncset.done $0x0;
	s6 =	sadd.s32 $0x0, s7  }
0x43: {  	[sflag:s28] =	ssyncadd.s32 $0xFFFFEC00;
	s4 =	sadd.s32 $0xC80, s6  }
0x44: {  	[tilespmem:s15], [sflag:$0x1] =	stream.linear.gather [hbm4b:s4+s3], $0x1400, $0x38;
	[tilespmem:$0x1E400] =	vst v63  }
0x45: {  	_ =	swait.ge [sflag:s29], $0x1400  }
0x46: {  	[sflag:s29] =	ssyncset.done $0x0  }
0x47: {  	s8 =	sadd.s32 $0xF00, s6;
	[sflag:s29] =	ssyncadd.s32 $0xFFFFEC00  }
0x48: {  	[tilespmem:s16], [sflag:$0x2] =	stream.linear.gather [hbm4b:s8+s3], $0x1400, $0x38;
	[tilespmem:$0x1E400] =	vst v63  }
0x49: {  	_ =	swait.ge [sflag:s30], $0x1400  }
0x4a: {  	[sflag:s30] =	ssyncset.done $0x0  }
0x4b: {  	s7 =	sadd.s32 $0x1180, s6;
	[sflag:s30] =	ssyncadd.s32 $0xFFFFEC00  }
0x4c: {  	[tilespmem:s17], [sflag:$0x3] =	stream.linear.gather [hbm4b:s7+s3], $0x1400, $0x38;
	[tilespmem:$0x1E400] =	vst v63  }
0x4d: {  	_ =	swait.ge [sflag:s31], $0x1400  }
0x4e: {  	[sflag:s31] =	ssyncset.done $0x0  }
0x4f: {  	s8 =	sadd.s32 $0x1400, s6;
	[sflag:s31] =	ssyncadd.s32 $0xFFFFEC00  }
0x50: {  	[tilespmem:s18], [sflag:$0x4] =	stream.linear.gather [hbm4b:s8+s3], $0x1400, $0x38;
	[tilespmem:$0x1E400] =	vst v63  }
0x51: {  	_ =	swait.ge [sflag:s0], $0x1400  }
0x52: {  	s4 =	simm.s32 $0xC80;
	[sflag:s0] =	ssyncset.done $0x0  }
0x53: {  	s7 =	sadd.s32 $0x1680, s6;
	s6 =	simm.s32 $0x480;
	[sflag:s0] =	ssyncadd.s32 $0xFFFFEC00  }
.LBB2_2:
0x54: {  	[tilespmem:s19], [sflag:$0x5] =	stream.linear.gather [hbm4b:s7+s3], $0x1400, $0x38;
	[tilespmem:$0x1E400] =	vst v63  }
0x55: {  	_ =	swait.ge [sflag:s20], $0x1400  }
0x56: {  	[sflag:s20] =	ssyncset.done $0x0  }
0x57: {  	s8 =	sadd.s32 $0xFFFFFE00, s6;
	[sflag:s20] =	ssyncadd.s32 $0xFFFFEC00  }
0x58: {  	[spmem:s2] =	stream.indirect.scatter.add.f32 [tilespmem:s15], [sflag:$0x6], $0x80, s8, s21, $0xb8;
	[tilespmem:$0x1E400] =	vst v63  }
0x59: {  	_ =	swait.ge [sflag:s22], $0x1400  }
0x5a: {  	[sflag:s22] =	ssyncset.done $0x0  }
0x5b: {  	s8 =	sadd.s32 $0xFFFFFE80, s6;
	[sflag:s22] =	ssyncadd.s32 $0xFFFFEC00  }
0x5c: {  	[spmem:s2] =	stream.indirect.scatter.add.f32 [tilespmem:s16], [sflag:$0x7], $0x80, s8, s21, $0xb8;
	[tilespmem:$0x1E400] =	vst v63  }
0x5d: {  	_ =	swait.ge [sflag:s23], $0x1400  }
0x5e: {  	[sflag:s23] =	ssyncset.done $0x0  }
0x5f: {  	s8 =	sadd.s32 $0xFFFFFF00, s6;
	[sflag:s23] =	ssyncadd.s32 $0xFFFFEC00  }
0x60: {  	[spmem:s2] =	stream.indirect.scatter.add.f32 [tilespmem:s17], [sflag:$0x8], $0x80, s8, s21, $0xb8;
	[tilespmem:$0x1E400] =	vst v63  }
0x61: {  	_ =	swait.ge [sflag:s25], $0x1400  }
0x62: {  	[sflag:s25] =	ssyncset.done $0x0  }
0x63: {  	s8 =	sadd.s32 $0xFFFFFF80, s6;
	[sflag:s25] =	ssyncadd.s32 $0xFFFFEC00  }
0x64: {  	[spmem:s2] =	stream.indirect.scatter.add.f32 [tilespmem:s18], [sflag:$0x9], $0x80, s8, s21, $0xb8;
	[tilespmem:$0x1E400] =	vst v63  }
0x65: {  	_ =	swait.ge [sflag:s26], $0x1400  }
0x66: {  	[sflag:s26] =	ssyncset.done $0x0  }
0x67: {  	[sflag:s26] =	ssyncadd.s32 $0xFFFFEC00  }
0x68: {  	[spmem:s2] =	stream.indirect.scatter.add.f32 [tilespmem:s19], [sflag:$0xA], $0x80, s6, s21, $0xb8;
	[tilespmem:$0x1E400] =	vst v63  }
0x69: {  	_ =	swait.ge [sflag:s28], $0x1400  }
0x6a: {  	s7 =	smov.u32 s4;
	s8 =	rddreg [dreg:$0x3]  }
0x6b: {  	[sflag:s28] =	ssyncset.done $0x0;
	s7 =	sadd.s32 s7, s8  }
0x6c: {  	[sflag:s28] =	ssyncadd.s32 $0xFFFFEC00;
	s8 =	sadd.s32 $0xC80, s7  }
0x6d: {  	[tilespmem:s15], [sflag:$0x1] =	stream.linear.gather [hbm4b:s8+s3], $0x1400, $0x38;
	[tilespmem:$0x1E400] =	vst v63  }
0x6e: {  	_ =	swait.ge [sflag:s29], $0x1400  }
0x6f: {  	[sflag:s29] =	ssyncset.done $0x0  }
0x70: {  	s8 =	sadd.s32 $0xF00, s7;
	[sflag:s29] =	ssyncadd.s32 $0xFFFFEC00  }
0x71: {  	[tilespmem:s16], [sflag:$0x2] =	stream.linear.gather [hbm4b:s8+s3], $0x1400, $0x38;
	[tilespmem:$0x1E400] =	vst v63  }
0x72: {  	_ =	swait.ge [sflag:s30], $0x1400  }
0x73: {  	[sflag:s30] =	ssyncset.done $0x0  }
0x74: {  	s8 =	sadd.s32 $0x1180, s7;
	[sflag:s30] =	ssyncadd.s32 $0xFFFFEC00  }
0x75: {  	[tilespmem:s17], [sflag:$0x3] =	stream.linear.gather [hbm4b:s8+s3], $0x1400, $0x38;
	[tilespmem:$0x1E400] =	vst v63  }
0x76: {  	_ =	swait.ge [sflag:s31], $0x1400  }
0x77: {  	p0 =	sne.s32 s4, $0x11F80;
	[sflag:s31] =	ssyncset.done $0x0  }
.Ltmp0:
0x78: {  	s8 =	sadd.s32 $0x1400, s7;
	[sflag:s31] =	ssyncadd.s32 $0xFFFFEC00;
	(pc) =	sbr.rel @p0 .LBB2_2-.Ltmp0, $4  }
0x79: {  	[tilespmem:s18], [sflag:$0x4] =	stream.linear.gather [hbm4b:s8+s3], $0x1400, $0x38;
	[tilespmem:$0x1E400] =	vst v63  }
0x7a: {  	_ =	swait.ge [sflag:s0], $0x1400  }
0x7b: {  	s4 =	sadd.s32 $0xC80, s4;
	[sflag:s0] =	ssyncset.done $0x0  }
0x7c: {  	s6 =	sadd.s32 $0x280, s6;
	s7 =	sadd.s32 $0x1680, s7;
	[sflag:s0] =	ssyncadd.s32 $0xFFFFEC00  }
0x7d: {  	[tilespmem:s19], [sflag:$0x5] =	stream.linear.gather [hbm4b:s7+s3], $0x1400, $0x38;
	[tilespmem:$0x1E400] =	vst v63  }
0x7e: {  	_ =	swait.ge [sflag:s20], $0x1400  }
0x7f: {  	[sflag:s20] =	ssyncset.done $0x0  }
0x80: {  	s4 =	simm.s32 $0x3C00;
	[sflag:s20] =	ssyncadd.s32 $0xFFFFEC00  }
0x81: {  	[spmem:s2] =	stream.indirect.scatter.add.f32 [tilespmem:s15], [sflag:$0x6], $0x80, s4, s21, $0xb8;
	[tilespmem:$0x1E400] =	vst v63  }
0x82: {  	_ =	swait.ge [sflag:s22], $0x1400  }
0x83: {  	[sflag:s22] =	ssyncset.done $0x0  }
0x84: {  	s8 =	simm.s32 $0x3C80;
	[sflag:s22] =	ssyncadd.s32 $0xFFFFEC00  }
0x85: {  	[spmem:s2] =	stream.indirect.scatter.add.f32 [tilespmem:s16], [sflag:$0x7], $0x80, s8, s21, $0xb8;
	[tilespmem:$0x1E400] =	vst v63  }
0x86: {  	_ =	swait.ge [sflag:s23], $0x1400  }
0x87: {  	[sflag:s23] =	ssyncset.done $0x0  }
0x88: {  	s6 =	simm.s32 $0x3D00;
	[sflag:s23] =	ssyncadd.s32 $0xFFFFEC00  }
0x89: {  	[spmem:s2] =	stream.indirect.scatter.add.f32 [tilespmem:s17], [sflag:$0x8], $0x80, s6, s21, $0xb8;
	[tilespmem:$0x1E400] =	vst v63  }
0x8a: {  	_ =	swait.ge [sflag:s25], $0x1400  }
0x8b: {  	[sflag:s25] =	ssyncset.done $0x0  }
0x8c: {  	s7 =	simm.s32 $0x3D80;
	[sflag:s25] =	ssyncadd.s32 $0xFFFFEC00  }
0x8d: {  	[spmem:s2] =	stream.indirect.scatter.add.f32 [tilespmem:s18], [sflag:$0x9], $0x80, s7, s21, $0xb8;
	[tilespmem:$0x1E400] =	vst v63  }
0x8e: {  	_ =	swait.ge [sflag:s26], $0x1400  }
0x8f: {  	[sflag:s26] =	ssyncset.done $0x0  }
0x90: {  	s8 =	simm.s32 $0x3E00;
	[sflag:s26] =	ssyncadd.s32 $0xFFFFEC00  }
0x91: {  	[spmem:s2] =	stream.indirect.scatter.add.f32 [tilespmem:s19], [sflag:$0xA], $0x80, s8, s21, $0xb8;
	[tilespmem:$0x1E400] =	vst v63  }
0x92: {  	_ =	swait.ge [sflag:s28], $0x1400  }
0x93: {  	[sflag:s28] =	ssyncset.done $0x0  }
0x94: {  	[sflag:s28] =	ssyncadd.s32 $0xFFFFEC00  }
0x95: {  	_ =	swait.ge [sflag:s29], $0x1400  }
0x96: {  	[sflag:s29] =	ssyncset.done $0x0  }
0x97: {  	[sflag:s29] =	ssyncadd.s32 $0xFFFFEC00  }
0x98: {  	_ =	swait.ge [sflag:s30], $0x1400  }
0x99: {  	[sflag:s30] =	ssyncset.done $0x0  }
0x9a: {  	[sflag:s30] =	ssyncadd.s32 $0xFFFFEC00  }
0x9b: {  	_ =	swait.ge [sflag:s31], $0x1400  }
0x9c: {  	[sflag:s31] =	ssyncset.done $0x0  }
0x9d: {  	[sflag:s31] =	ssyncadd.s32 $0xFFFFEC00  }
0x9e: {  	_ =	swait.ge [sflag:s0], $0x1400  }
0x9f: {  	s1 =	sadd.s32 $0x1, s1;
	[sflag:s0] =	ssyncset.done $0x0  }
0xa0: {  	p0 =	sne.s32 s1, s12;
	[sflag:s0] =	ssyncadd.s32 $0xFFFFEC00  }
.Ltmp1:
0xa1: {  	[bflag:$0x0] =	sbarrier.arrive $0xFFFF;
	(pc) =	sbr.rel @p0 .LBB2_1-.Ltmp1, $4  }
0xa2: {  	[hbm:s24], [sflag:s5] =	dma.local [spmem:s13], $0x2800  }
0xa3: {  	_ =	swait.ge [sflag:s14], $0x2800  }
0xa4: {  	[sflag:s14] =	ssyncset.done $0x0  }
0xa5: {  	[sflag:s14] =	ssyncadd.s32 $0xFFFFD800  }
0xa6: {  	_ =	sfence.sel $0x180000  }
0xa7: {  	[bflag:$0x0] =	sbarrier.arrive $0xFFFF  }
0xa8: {  	_ =	strace $0x9000004A  }
0xa9: {  	s0 =	stileid.u32;
	[bflag:$0x2] =	sbarrier.arrive $0xFFFF  }
0xaa: {  	p0 =	sne.s32 s0, $0x0;
	s0 =	rddreg [dreg:$0x2]  }
0xab: {  	s0 =	sadd.s32 @!p0 $0x100000, s0  }
0xac: {  	[sflag:s0] =	ssyncadd.tile.s32 @!p0 $0x1;
	_ =	shalt  }
.Lfunc_end2:
_tile_overlayer_lowered:
.L_overlay_start_2:
0xad: {  	(tag) =	ssettag $0x2  }
0xae: {  	s0 =	rddreg [dreg:$0x0];
	s2 =	stileid.u32  }
0xaf: {  	s1 =	rddreg [dreg:$0x1];
	p0 =	sne.s32 s2, $0x0  }
0xb0: {  	s3 =	rddreg [dreg:$0x2];
	[bflag:$0x3] =	sbarrier.arrive $0xFFFF;
	s2 =	simm.s32 @!p0 $0x1C0B  }
0xb1: {  	[timem:s3], [sflag:s2] =	dma.local @!p0 [hbm:s0], s1  }
0xb2: {  	s0 =	simm.s32 @!p0 $0xB  }
0xb3: {  	_ =	swait.ge @!p0 [sflag:s0], s1  }
0xb4: {  	s1 =	ssub.s32 @!p0 $0x0, s1;
	[sflag:s0] =	ssyncset.done @!p0 $0x0  }
0xb5: {  	[sflag:s0] =	ssyncadd.s32 @!p0 s1  }
0xb6: {  	[bflag:$0x3] =	sbarrier.arrive $0xFFFF  }
0xb7: {  	_ =	shalt  }

</sc_bundles>
